<compile_context>
chip_gen: v7x
topology: tpu7x:2x2x1
jax: 0.10.2.dev20260603
libtpu: 0.0.44.dev20260713+nightly
codegen_flags: <defaults>
</compile_context>

<pallas_src>
import functools

import jax
import jax.numpy as jnp
from jax import lax
from jax.experimental import pallas as pl
from jax.experimental.pallas import tpu as pltpu
from jax.experimental.pallas import tpu_sc as plsc

_N = 10000
_F = 128
_NG = 64
_NC = 10
_E = 320000
_CH = 64
_NCHUNK = 160
_CHA = 128
_NCH0 = 144
_NCH1 = 16
_NPH = 9
_EPAD = 32 * _NCHUNK * _CH
_STRIPE = 632
_NPAD = 16 * _STRIPE

_f32 = jnp.float32

_mesh = plsc.VectorSubcoreMesh(core_axis_name="c", subcore_axis_name="s",
                               num_cores=2, num_subcores=16)



@functools.partial(
    pl.kernel,
    out_type=jax.ShapeDtypeStruct((2, _NPAD, _F), _f32),
    mesh=_mesh,
    scratch_types=[
        pltpu.VMEM((_NCHUNK, _CH), jnp.int32),
        pltpu.VMEM((_CH, _F), _f32),
        pltpu.VMEM_SHARED((_NPAD, _F), _f32),
    ],
)
def _sc_deg(dst_hbm, ones_hbm, zeros_hbm, out_hbm, didx, onesb, acc):
    c = lax.axis_index("c")
    s = lax.axis_index("s")
    wid = c * 16 + s
    pltpu.sync_copy(dst_hbm.at[wid], didx)
    pltpu.sync_copy(ones_hbm, onesb)
    pltpu.sync_copy(zeros_hbm.at[pl.ds(s * _STRIPE, _STRIPE)],
                    acc.at[pl.ds(s * _STRIPE, _STRIPE)])
    plsc.subcore_barrier()

    def body(j, carry):
        pltpu.sync_copy(onesb, acc.at[didx.at[j]], add=True)
        return carry

    lax.fori_loop(0, _NCHUNK, body, 0)
    plsc.subcore_barrier()
    pltpu.sync_copy(acc.at[pl.ds(s * _STRIPE, _STRIPE)],
                    out_hbm.at[c].at[pl.ds(s * _STRIPE, _STRIPE)])


@functools.partial(
    pl.kernel,
    out_type=jax.ShapeDtypeStruct((2, _NPAD, _F), _f32),
    mesh=_mesh,
    scratch_types=[
        pltpu.VMEM((16, _CHA), jnp.int32),
        pltpu.VMEM((16, _CHA), jnp.int32),
        pltpu.VMEM((_CHA, _F), _f32),
        pltpu.VMEM((_CHA, _F), _f32),
        pltpu.VMEM_SHARED((_NPAD, _F), _f32),
        pltpu.SemaphoreType.DMA,
    ],
)
def _sc_agg(g_hbm, src_hbm, dst_hbm, zeros_hbm, out_hbm,
            sidx, didx, rows0, rows1, acc, semA):
    c = lax.axis_index("c")
    s = lax.axis_index("s")
    pltpu.sync_copy(zeros_hbm.at[pl.ds(s * _STRIPE, _STRIPE)],
                    acc.at[pl.ds(s * _STRIPE, _STRIPE)])
    plsc.subcore_barrier()

    def dbl_loop(n):
        def body(jj, carry):
            j0 = 2 * jj
            pltpu.async_copy(g_hbm.at[sidx.at[j0 + 1]], rows1, semA)
            pltpu.make_async_copy(g_hbm.at[pl.ds(0, _CHA)],
                                  rows0, semA).wait()
            pltpu.sync_copy(rows0, acc.at[didx.at[j0]], add=True)

            @pl.when(jj < n - 1)
            def _():
                pltpu.async_copy(g_hbm.at[sidx.at[j0 + 2]], rows0, semA)

            pltpu.make_async_copy(g_hbm.at[pl.ds(0, _CHA)],
                                  rows1, semA).wait()
            pltpu.sync_copy(rows1, acc.at[didx.at[j0 + 1]], add=True)
            return carry

        lax.fori_loop(0, n, body, 0)

    def phase(h, pcarry):
        @pl.when(c == 0)
        def _():
            row0 = pl.multiple_of(s * _NCH0 + h * 16, 8)
            pltpu.sync_copy(src_hbm.at[pl.ds(row0, 16)], sidx)
            pltpu.sync_copy(dst_hbm.at[pl.ds(row0, 16)], didx)
            pltpu.async_copy(g_hbm.at[sidx.at[0]], rows0, semA)
            dbl_loop(8)

        @pl.when((c == 1) & (h < 2))
        def _():
            row1 = pl.multiple_of(16 * _NCH0 + s * _NCH1 + h * 8, 8)
            pltpu.sync_copy(src_hbm.at[pl.ds(row1, 8)],
                            sidx.at[pl.ds(0, 8)])
            pltpu.sync_copy(dst_hbm.at[pl.ds(row1, 8)],
                            didx.at[pl.ds(0, 8)])
            pltpu.async_copy(g_hbm.at[sidx.at[0]], rows0, semA)
            dbl_loop(4)
        return pcarry

    lax.fori_loop(0, _NPH, phase, 0)
    plsc.subcore_barrier()
    pltpu.sync_copy(acc.at[pl.ds(s * _STRIPE, _STRIPE)],
                    out_hbm.at[c].at[pl.ds(s * _STRIPE, _STRIPE)])



def _tc_first(x_ref, w_ref, degp_ref, g_ref, dinv_ref):
    deg = 1.0 + degp_ref[0, :, :1] + degp_ref[1, :, :1]
    dinv = lax.rsqrt(deg)
    dinv_ref[...] = jnp.broadcast_to(dinv, (_NPAD, _F))
    h = jnp.dot(x_ref[...], w_ref[...], preferred_element_type=jnp.float32)
    g_ref[...] = h * dinv_ref[: _N, :]


def _tc_mid(agg_ref, g_ref, dinv_ref, b_ref, w_ref, o_ref):
    agg = agg_ref[0, : _N, :] + agg_ref[1, : _N, :] + g_ref[...]
    d = dinv_ref[: _N, :]
    a = jnp.maximum(d * agg + b_ref[...], 0.0)
    o_ref[...] = jnp.dot(a, w_ref[...],
                         preferred_element_type=jnp.float32) * d


def _tc_pool(agg_ref, g_ref, dinv_ref, b_ref, batch_ref, wl_ref, bl_ref,
             o_ref):
    agg = agg_ref[0, : _N, :] + agg_ref[1, : _N, :] + g_ref[...]
    d = dinv_ref[: _N, :]
    a = jnp.maximum(d * agg + b_ref[...], 0.0)
    gid = lax.broadcasted_iota(jnp.int32, (_NG, _N), 0)
    m = (batch_ref[...] == gid).astype(jnp.float32)
    sums = jnp.dot(m, a, preferred_element_type=jnp.float32)
    cnt = jnp.dot(m, jnp.ones((_N, 1), jnp.float32),
                  preferred_element_type=jnp.float32)
    pooled = sums / jnp.maximum(cnt, 1.0)
    logits = jnp.dot(pooled, wl_ref[...],
                     preferred_element_type=jnp.float32) + bl_ref[...]
    mx = jnp.max(logits, axis=1, keepdims=True)
    e = jnp.exp(logits - mx)
    lse = jnp.log(jnp.sum(e, axis=1, keepdims=True))
    o_ref[...] = logits - mx - lse


_tc_first_call = pl.pallas_call(
    _tc_first,
    out_shape=(jax.ShapeDtypeStruct((_N, _F), _f32),
               jax.ShapeDtypeStruct((_NPAD, _F), _f32)),
)

_tc_mid_call = pl.pallas_call(
    _tc_mid,
    out_shape=jax.ShapeDtypeStruct((_N, _F), _f32),
)

_tc_pool_call = pl.pallas_call(
    _tc_pool,
    out_shape=jax.ShapeDtypeStruct((_NG, _NC), _f32),
)



def kernel(x, edge_index, batch, W1, b1, W2, b2, W3, b3, Wl, bl):
    src = edge_index[0].astype(jnp.int32)
    dst = edge_index[1].astype(jnp.int32)
    pad = _EPAD - _E
    srcf = jnp.concatenate([src, jnp.zeros((pad,), jnp.int32)])
    dstf = jnp.concatenate([dst, jnp.full((pad,), _NPAD - 1, jnp.int32)])
    srcp = srcf.reshape(_EPAD // _CHA, _CHA)
    dstp = dstf.reshape(_EPAD // _CHA, _CHA)
    dstp_deg = dstf.reshape(32, _NCHUNK, _CH)

    ones_blk = jnp.ones((_CH, _F), _f32)
    zeros_full = jnp.zeros((_NPAD, _F), _f32)

    degp = _sc_deg(dstp_deg, ones_blk, zeros_full)
    g1, dinv = _tc_first_call(x, W1, degp)
    agg1 = _sc_agg(g1, srcp, dstp, zeros_full)
    g2 = _tc_mid_call(agg1, g1, dinv, b1.reshape(1, _F), W2)
    agg2 = _sc_agg(g2, srcp, dstp, zeros_full)
    g3 = _tc_mid_call(agg2, g2, dinv, b2.reshape(1, _F), W3)
    agg3 = _sc_agg(g3, srcp, dstp, zeros_full)
    out = _tc_pool_call(agg3, g3, dinv, b3.reshape(1, _F),
                        batch.reshape(1, _N).astype(jnp.int32),
                        Wl, bl.reshape(1, _NC))
    return out

# --- scband reference (transcript-rebuilt; emitter-appended) ---
"""Pipeline reference for scband-gcn-25520695673511 (READ-ONLY COPY).

The authoritative reference and input builder live on the scoring server;
editing this copy changes nothing except your own understanding.
"""

import jax, jax.numpy as jnp
import numpy as np

N = 10000
E = 320000
NFEAT = 128
NHID = 128
NCLASS = 10
NGRAPHS = 64


def gcn_conv(x, src, dst, W, b):
    n = x.shape[0]
    loop = jnp.arange(n, dtype=src.dtype)
    s = jnp.concatenate([src, loop])
    d = jnp.concatenate([dst, loop])
    w = jnp.ones(s.shape[0], dtype=x.dtype)
    deg = jax.ops.segment_sum(w, d, num_segments=n)
    dinv = jnp.where(deg > 0, jax.lax.rsqrt(jnp.maximum(deg, 1e-12)), 0.0)
    norm = dinv[s] * dinv[d]
    h = x @ W
    msg = h[s] * norm[:, None]
    out = jax.ops.segment_sum(msg, d, num_segments=n)
    return out + b


def setup_inputs(seed: int = 0):
    key = jax.random.key(seed)
    ks = jax.random.split(key, 8)
    x = jax.random.normal(ks[0], (N, NFEAT), dtype=jnp.float32)
    edge_index = jax.random.randint(ks[1], (2, E), 0, N, dtype=jnp.int32)
    batch = jnp.sort(jax.random.randint(ks[2], (N,), 0, NGRAPHS, dtype=jnp.int32))
    W1 = jax.random.normal(ks[3], (NFEAT, NHID), dtype=jnp.float32) / np.sqrt(NFEAT)
    b1 = jnp.zeros((NHID,), dtype=jnp.float32)
    W2 = jax.random.normal(ks[4], (NHID, NHID), dtype=jnp.float32) / np.sqrt(NHID)
    b2 = jnp.zeros((NHID,), dtype=jnp.float32)
    W3 = jax.random.normal(ks[5], (NHID, NHID), dtype=jnp.float32) / np.sqrt(NHID)
    b3 = jnp.zeros((NHID,), dtype=jnp.float32)
    Wl = jax.random.normal(ks[6], (NHID, NCLASS), dtype=jnp.float32) / np.sqrt(NHID)
    bl = jnp.zeros((NCLASS,), dtype=jnp.float32)
    return {"x": x, "edge_index": edge_index, "batch": batch,
            "W1": W1, "b1": b1, "W2": W2, "b2": b2, "W3": W3, "b3": b3,
            "Wl": Wl, "bl": bl}


def reference(x, edge_index, batch, W1, b1, W2, b2, W3, b3, Wl, bl):
    src, dst = edge_index[0], edge_index[1]
    # 3 GCNConv layers, net_norm='none' (Identity), ReLU after each
    h = jax.nn.relu(gcn_conv(x, src, dst, W1, b1))
    h = jax.nn.relu(gcn_conv(h, src, dst, W2, b2))
    h = jax.nn.relu(gcn_conv(h, src, dst, W3, b3))
    # global mean pool over batch assignment
    sums = jax.ops.segment_sum(h, batch, num_segments=NGRAPHS)
    cnt = jax.ops.segment_sum(jnp.ones((h.shape[0],), dtype=h.dtype), batch, num_segments=NGRAPHS)
    pooled = sums / jnp.maximum(cnt, 1.0)[:, None]
    logits = pooled @ Wl + bl
    return jax.nn.log_softmax(logits, axis=-1)

if __name__ == "__main__":
    import jax
    _d = setup_inputs()
    print(jax.jit(kernel)(*tuple(_d.values())))

</pallas_src>

<mosaic_0001>
#map = affine_map<(d0, d1) -> (0, 0, 0)>
#map1 = affine_map<(d0, d1) -> (0, 0)>
module attributes {stable_mosaic.version = 14 : i64} {
  func.func @_sc_deg(%arg0: i32, %arg1: i32, %arg2: memref<32x160x64xi32, #tpu.memory_space<hbm>>, %arg3: memref<64x128xf32, #tpu.memory_space<hbm>>, %arg4: memref<10112x128xf32, #tpu.memory_space<hbm>>, %arg5: memref<2x10112x128xf32, #tpu.memory_space<hbm>>, %arg6: memref<160x64xi32, #tpu.memory_space<vmem>>, %arg7: memref<64x128xf32, #tpu.memory_space<vmem>>, %arg8: memref<10112x128xf32, #tpu.memory_space<vmem_shared>>) attributes {dimension_semantics = [#tpu.dimension_semantics<core_parallel>, #tpu.dimension_semantics<subcore_parallel>], iteration_bounds = array<i64: 2, 16>, scalar_prefetch = 0 : i64, scratch_operands = 3 : i64, tpu.core_type = #tpu.core_type<sc_vector_subcore>, window_params = [{transform_indices = #map}, {transform_indices = #map1}, {transform_indices = #map1}, {transform_indices = #map}]} {
    %mul3A = arith.constant 16 : i32
    %mul3A_0 = arith.muli %arg0, %mul3A : i32
    %add3A = arith.addi %mul3A_0, %arg1 : i32
    "tpu.region"() ({
      %run_scoped3A = tpu.sem_alloc : memref<!tpu.dma_semaphore, #tpu.memory_space<semaphore_mem>>
      %dma_start3A = arith.constant 0 : i32
      %dma_start3A_15 = arith.constant 0 : i32
      %dma_start3A_16 = tpu.memref_slice %arg2[%add3A, %dma_start3A, %dma_start3A_15] : memref<32x160x64xi32, #tpu.memory_space<hbm>> -> memref<1x160x64xi32, #tpu.memory_space<hbm>>
      %dma_start3A_17 = tpu.memref_squeeze %dma_start3A_16 : memref<1x160x64xi32, #tpu.memory_space<hbm>> -> memref<160x64xi32, #tpu.memory_space<hbm>>
      %dma_start3A_18 = arith.constant 0 : i32
      %dma_start3A_19 = arith.constant 0 : i32
      %dma_start3A_20 = tpu.memref_slice %arg2[%add3A, %dma_start3A_18, %dma_start3A_19] : memref<32x160x64xi32, #tpu.memory_space<hbm>> -> memref<1x160x64xi32, #tpu.memory_space<hbm>>
      %dma_start3A_21 = tpu.memref_squeeze %dma_start3A_20 : memref<1x160x64xi32, #tpu.memory_space<hbm>> -> memref<160x64xi32, #tpu.memory_space<hbm>>
      tpu.enqueue_dma source(%dma_start3A_21 : memref<160x64xi32, #tpu.memory_space<hbm>>) target(%arg6 : memref<160x64xi32, #tpu.memory_space<vmem>>) target_semaphore(%run_scoped3A : memref<!tpu.dma_semaphore, #tpu.memory_space<semaphore_mem>>)
      %dma_wait3A = arith.constant 0 : i32
      %dma_wait3A_22 = arith.constant 0 : i32
      %dma_wait3A_23 = tpu.memref_slice %arg2[%add3A, %dma_wait3A, %dma_wait3A_22] : memref<32x160x64xi32, #tpu.memory_space<hbm>> -> memref<1x160x64xi32, #tpu.memory_space<hbm>>
      %dma_wait3A_24 = tpu.memref_squeeze %dma_wait3A_23 : memref<1x160x64xi32, #tpu.memory_space<hbm>> -> memref<160x64xi32, #tpu.memory_space<hbm>>
      %dma_wait3A_25 = arith.constant 0 : i32
      %dma_wait3A_26 = arith.constant 0 : i32
      %dma_wait3A_27 = tpu.memref_slice %arg2[%add3A, %dma_wait3A_25, %dma_wait3A_26] : memref<32x160x64xi32, #tpu.memory_space<hbm>> -> memref<1x160x64xi32, #tpu.memory_space<hbm>>
      %dma_wait3A_28 = tpu.memref_squeeze %dma_wait3A_27 : memref<1x160x64xi32, #tpu.memory_space<hbm>> -> memref<160x64xi32, #tpu.memory_space<hbm>>
      tpu.wait_dma2 semaphore(%run_scoped3A : memref<!tpu.dma_semaphore, #tpu.memory_space<semaphore_mem>>) src(%dma_wait3A_28 : memref<160x64xi32, #tpu.memory_space<hbm>>) dst(%arg6 : memref<160x64xi32, #tpu.memory_space<vmem>>)
      tpu.yield
    }) : () -> ()
    "tpu.region"() ({
      %run_scoped3A = tpu.sem_alloc : memref<!tpu.dma_semaphore, #tpu.memory_space<semaphore_mem>>
      tpu.enqueue_dma source(%arg3 : memref<64x128xf32, #tpu.memory_space<hbm>>) target(%arg7 : memref<64x128xf32, #tpu.memory_space<vmem>>) target_semaphore(%run_scoped3A : memref<!tpu.dma_semaphore, #tpu.memory_space<semaphore_mem>>)
      tpu.wait_dma2 semaphore(%run_scoped3A : memref<!tpu.dma_semaphore, #tpu.memory_space<semaphore_mem>>) src(%arg3 : memref<64x128xf32, #tpu.memory_space<hbm>>) dst(%arg7 : memref<64x128xf32, #tpu.memory_space<vmem>>)
      tpu.yield
    }) : () -> ()
    %mul3A_1 = arith.constant 632 : i32
    %mul3A_2 = arith.muli %arg1, %mul3A_1 : i32
    %mul3A_3 = arith.constant 632 : i32
    %mul3A_4 = arith.muli %arg1, %mul3A_3 : i32
    "tpu.region"() ({
      %run_scoped3A = tpu.sem_alloc : memref<!tpu.dma_semaphore, #tpu.memory_space<semaphore_mem>>
      %dma_start3A = arith.constant 0 : i32
      %dma_start3A_15 = tpu.memref_slice %arg8[%mul3A_4, %dma_start3A] : memref<10112x128xf32, #tpu.memory_space<vmem_shared>> -> memref<632x128xf32, #tpu.memory_space<vmem_shared>>
      %dma_start3A_16 = arith.constant 0 : i32
      %dma_start3A_17 = tpu.memref_slice %arg4[%mul3A_2, %dma_start3A_16] : memref<10112x128xf32, #tpu.memory_space<hbm>> -> memref<632x128xf32, #tpu.memory_space<hbm>>
      tpu.enqueue_dma source(%dma_start3A_17 : memref<632x128xf32, #tpu.memory_space<hbm>>) target(%dma_start3A_15 : memref<632x128xf32, #tpu.memory_space<vmem_shared>>) target_semaphore(%run_scoped3A : memref<!tpu.dma_semaphore, #tpu.memory_space<semaphore_mem>>)
      %dma_wait3A = arith.constant 0 : i32
      %dma_wait3A_18 = tpu.memref_slice %arg8[%mul3A_4, %dma_wait3A] : memref<10112x128xf32, #tpu.memory_space<vmem_shared>> -> memref<632x128xf32, #tpu.memory_space<vmem_shared>>
      %dma_wait3A_19 = arith.constant 0 : i32
      %dma_wait3A_20 = tpu.memref_slice %arg4[%mul3A_2, %dma_wait3A_19] : memref<10112x128xf32, #tpu.memory_space<hbm>> -> memref<632x128xf32, #tpu.memory_space<hbm>>
      tpu.wait_dma2 semaphore(%run_scoped3A : memref<!tpu.dma_semaphore, #tpu.memory_space<semaphore_mem>>) src(%dma_wait3A_20 : memref<632x128xf32, #tpu.memory_space<hbm>>) dst(%dma_wait3A_18 : memref<632x128xf32, #tpu.memory_space<vmem_shared>>)
      tpu.yield
    }) : () -> ()
    %barrier3A = arith.constant 0 : index
    tpu.barrier barrier_id(%barrier3A)
    %scan3A = arith.constant 0 : i32
    %scan3A_5 = arith.constant 0 : i32
    %scan3A_6 = arith.constant 160 : i32
    %scan3A_7 = arith.addi %scan3A_5, %scan3A_6 : i32
    %scan3A_8 = arith.constant 1 : i32
    scf.for %scan3A_15 = %scan3A_5 to %scan3A_7 step %scan3A_8  : i32 {
      "tpu.region"() ({
        %run_scoped3A = tpu.sem_alloc : memref<!tpu.dma_semaphore, #tpu.memory_space<semaphore_mem>>
        %dma_start3A = arith.constant 0 : i32
        %dma_start3A_16 = tpu.memref_slice %arg6[%scan3A_15, %dma_start3A] : memref<160x64xi32, #tpu.memory_space<vmem>> -> memref<1x64xi32, #tpu.memory_space<vmem>>
        %dma_start3A_17 = tpu.memref_squeeze %dma_start3A_16 : memref<1x64xi32, #tpu.memory_space<vmem>> -> memref<64xi32, #tpu.memory_space<vmem>>
        %dma_start3A_18 = arith.constant 0 : i32
        %dma_start3A_19 = arith.constant 0 : i32
        %dma_start3A_20 = tpu.memref_slice %arg8[%dma_start3A_18, %dma_start3A_19] : memref<10112x128xf32, #tpu.memory_space<vmem_shared>> -> memref<10112x128xf32, #tpu.memory_space<vmem_shared>>
        tpu.enqueue_indirect_dma source(%arg7 : memref<64x128xf32, #tpu.memory_space<vmem>>) target(%dma_start3A_20 : memref<10112x128xf32, #tpu.memory_space<vmem_shared>>) offsets(%dma_start3A_17 : memref<64xi32, #tpu.memory_space<vmem>>) semaphore(%run_scoped3A : memref<!tpu.dma_semaphore, #tpu.memory_space<semaphore_mem>>) {add = true}
        %dma_wait3A = arith.constant 0 : i32
        %dma_wait3A_21 = tpu.memref_slice %arg6[%scan3A_15, %dma_wait3A] : memref<160x64xi32, #tpu.memory_space<vmem>> -> memref<1x64xi32, #tpu.memory_space<vmem>>
        %dma_wait3A_22 = tpu.memref_squeeze %dma_wait3A_21 : memref<1x64xi32, #tpu.memory_space<vmem>> -> memref<64xi32, #tpu.memory_space<vmem>>
        %dma_wait3A_23 = arith.constant 0 : i32
        %dma_wait3A_24 = arith.constant 0 : i32
        %dma_wait3A_25 = tpu.memref_slice %arg8[%dma_wait3A_23, %dma_wait3A_24] : memref<10112x128xf32, #tpu.memory_space<vmem_shared>> -> memref<10112x128xf32, #tpu.memory_space<vmem_shared>>
        tpu.wait_indirect_dma semaphore(%run_scoped3A : memref<!tpu.dma_semaphore, #tpu.memory_space<semaphore_mem>>) src(%arg7 : memref<64x128xf32, #tpu.memory_space<vmem>>) dst(%dma_wait3A_25 : memref<10112x128xf32, #tpu.memory_space<vmem_shared>>)
        tpu.yield
      }) : () -> ()
    }
    %scan3A_9 = arith.constant 160 : i32
    %barrier3A_10 = arith.constant 0 : index
    tpu.barrier barrier_id(%barrier3A_10)
    %mul3A_11 = arith.constant 632 : i32
    %mul3A_12 = arith.muli %arg1, %mul3A_11 : i32
    %mul3A_13 = arith.constant 632 : i32
    %mul3A_14 = arith.muli %arg1, %mul3A_13 : i32
    "tpu.region"() ({
      %run_scoped3A = tpu.sem_alloc : memref<!tpu.dma_semaphore, #tpu.memory_space<semaphore_mem>>
      %dma_start3A = arith.constant 0 : i32
      %dma_start3A_15 = arith.constant 0 : i32
      %dma_start3A_16 = tpu.memref_slice %arg5[%arg0, %dma_start3A, %dma_start3A_15] : memref<2x10112x128xf32, #tpu.memory_space<hbm>> -> memref<1x10112x128xf32, #tpu.memory_space<hbm>>
      %dma_start3A_17 = tpu.memref_squeeze %dma_start3A_16 : memref<1x10112x128xf32, #tpu.memory_space<hbm>> -> memref<10112x128xf32, #tpu.memory_space<hbm>>
      %dma_start3A_18 = arith.constant 0 : i32
      %dma_start3A_19 = tpu.memref_slice %dma_start3A_17[%mul3A_14, %dma_start3A_18] : memref<10112x128xf32, #tpu.memory_space<hbm>> -> memref<632x128xf32, #tpu.memory_space<hbm>>
      %dma_start3A_20 = arith.constant 0 : i32
      %dma_start3A_21 = tpu.memref_slice %arg8[%mul3A_12, %dma_start3A_20] : memref<10112x128xf32, #tpu.memory_space<vmem_shared>> -> memref<632x128xf32, #tpu.memory_space<vmem_shared>>
      tpu.enqueue_dma source(%dma_start3A_21 : memref<632x128xf32, #tpu.memory_space<vmem_shared>>) target(%dma_start3A_19 : memref<632x128xf32, #tpu.memory_space<hbm>>) target_semaphore(%run_scoped3A : memref<!tpu.dma_semaphore, #tpu.memory_space<semaphore_mem>>)
      %dma_wait3A = arith.constant 0 : i32
      %dma_wait3A_22 = arith.constant 0 : i32
      %dma_wait3A_23 = tpu.memref_slice %arg5[%arg0, %dma_wait3A, %dma_wait3A_22] : memref<2x10112x128xf32, #tpu.memory_space<hbm>> -> memref<1x10112x128xf32, #tpu.memory_space<hbm>>
      %dma_wait3A_24 = tpu.memref_squeeze %dma_wait3A_23 : memref<1x10112x128xf32, #tpu.memory_space<hbm>> -> memref<10112x128xf32, #tpu.memory_space<hbm>>
      %dma_wait3A_25 = arith.constant 0 : i32
      %dma_wait3A_26 = tpu.memref_slice %dma_wait3A_24[%mul3A_14, %dma_wait3A_25] : memref<10112x128xf32, #tpu.memory_space<hbm>> -> memref<632x128xf32, #tpu.memory_space<hbm>>
      %dma_wait3A_27 = arith.constant 0 : i32
      %dma_wait3A_28 = tpu.memref_slice %arg8[%mul3A_12, %dma_wait3A_27] : memref<10112x128xf32, #tpu.memory_space<vmem_shared>> -> memref<632x128xf32, #tpu.memory_space<vmem_shared>>
      tpu.wait_dma2 semaphore(%run_scoped3A : memref<!tpu.dma_semaphore, #tpu.memory_space<semaphore_mem>>) src(%dma_wait3A_28 : memref<632x128xf32, #tpu.memory_space<vmem_shared>>) dst(%dma_wait3A_26 : memref<632x128xf32, #tpu.memory_space<hbm>>)
      tpu.yield
    }) : () -> ()
    return
  }
}

#map = affine_map<(d0, d1) -> (0, 0)>
#map1 = affine_map<(d0, d1) -> (0, 0, 0)>
module attributes {stable_mosaic.version = 14 : i64} {
  func.func @_sc_agg(%arg0: i32, %arg1: i32, %arg2: memref<10000x128xf32, #tpu.memory_space<hbm>>, %arg3: memref<2560x128xi32, #tpu.memory_space<hbm>>, %arg4: memref<2560x128xi32, #tpu.memory_space<hbm>>, %arg5: memref<10112x128xf32, #tpu.memory_space<hbm>>, %arg6: memref<2x10112x128xf32, #tpu.memory_space<hbm>>, %arg7: memref<16x128xi32, #tpu.memory_space<vmem>>, %arg8: memref<16x128xi32, #tpu.memory_space<vmem>>, %arg9: memref<128x128xf32, #tpu.memory_space<vmem>>, %arg10: memref<128x128xf32, #tpu.memory_space<vmem>>, %arg11: memref<10112x128xf32, #tpu.memory_space<vmem_shared>>, %arg12: memref<!tpu.dma_semaphore, #tpu.memory_space<semaphore_mem>>) attributes {dimension_semantics = [#tpu.dimension_semantics<core_parallel>, #tpu.dimension_semantics<subcore_parallel>], iteration_bounds = array<i64: 2, 16>, scalar_prefetch = 0 : i64, scratch_operands = 6 : i64, tpu.core_type = #tpu.core_type<sc_vector_subcore>, window_params = [{transform_indices = #map}, {transform_indices = #map}, {transform_indices = #map}, {transform_indices = #map}, {transform_indices = #map1}]} {
    %mul3A = arith.constant 632 : i32
    %mul3A_0 = arith.muli %arg1, %mul3A : i32
    %mul3A_1 = arith.constant 632 : i32
    %mul3A_2 = arith.muli %arg1, %mul3A_1 : i32
    "tpu.region"() ({
      %run_scoped3A = tpu.sem_alloc : memref<!tpu.dma_semaphore, #tpu.memory_space<semaphore_mem>>
      %dma_start3A = arith.constant 0 : i32
      %dma_start3A_13 = tpu.memref_slice %arg11[%mul3A_2, %dma_start3A] : memref<10112x128xf32, #tpu.memory_space<vmem_shared>> -> memref<632x128xf32, #tpu.memory_space<vmem_shared>>
      %dma_start3A_14 = arith.constant 0 : i32
      %dma_start3A_15 = tpu.memref_slice %arg5[%mul3A_0, %dma_start3A_14] : memref<10112x128xf32, #tpu.memory_space<hbm>> -> memref<632x128xf32, #tpu.memory_space<hbm>>
      tpu.enqueue_dma source(%dma_start3A_15 : memref<632x128xf32, #tpu.memory_space<hbm>>) target(%dma_start3A_13 : memref<632x128xf32, #tpu.memory_space<vmem_shared>>) target_semaphore(%run_scoped3A : memref<!tpu.dma_semaphore, #tpu.memory_space<semaphore_mem>>)
      %dma_wait3A = arith.constant 0 : i32
      %dma_wait3A_16 = tpu.memref_slice %arg11[%mul3A_2, %dma_wait3A] : memref<10112x128xf32, #tpu.memory_space<vmem_shared>> -> memref<632x128xf32, #tpu.memory_space<vmem_shared>>
      %dma_wait3A_17 = arith.constant 0 : i32
      %dma_wait3A_18 = tpu.memref_slice %arg5[%mul3A_0, %dma_wait3A_17] : memref<10112x128xf32, #tpu.memory_space<hbm>> -> memref<632x128xf32, #tpu.memory_space<hbm>>
      tpu.wait_dma2 semaphore(%run_scoped3A : memref<!tpu.dma_semaphore, #tpu.memory_space<semaphore_mem>>) src(%dma_wait3A_18 : memref<632x128xf32, #tpu.memory_space<hbm>>) dst(%dma_wait3A_16 : memref<632x128xf32, #tpu.memory_space<vmem_shared>>)
      tpu.yield
    }) : () -> ()
    %barrier3A = arith.constant 0 : index
    tpu.barrier barrier_id(%barrier3A)
    %scan3A = arith.constant 0 : i32
    %scan3A_3 = arith.constant 0 : i32
    %scan3A_4 = arith.constant 9 : i32
    %scan3A_5 = arith.addi %scan3A_3, %scan3A_4 : i32
    %scan3A_6 = arith.constant 1 : i32
    scf.for %scan3A_13 = %scan3A_3 to %scan3A_5 step %scan3A_6  : i32 {
      %eq3A = arith.constant 0 : i32
      %eq3A_14 = arith.cmpi eq, %arg0, %eq3A : i32
      %convert_element_type3A = arith.extui %eq3A_14 : i1 to i32
      %cond3A = arith.constant 0 : i32
      %cond3A_15 = arith.cmpi ne, %convert_element_type3A, %cond3A : i32
      scf.if %cond3A_15 {
        %mul3A_22 = arith.constant 144 : i32
        %mul3A_23 = arith.muli %arg1, %mul3A_22 : i32
        %mul3A_24 = arith.constant 16 : i32
        %mul3A_25 = arith.muli %scan3A_13, %mul3A_24 : i32
        %add3A = arith.addi %mul3A_23, %mul3A_25 : i32
        %multiple_of3A = tpu.assume_multiple %add3A, 8 : i32
        "tpu.region"() ({
          %run_scoped3A = tpu.sem_alloc : memref<!tpu.dma_semaphore, #tpu.memory_space<semaphore_mem>>
          %dma_start3A_38 = arith.constant 0 : i32
          %dma_start3A_39 = tpu.memref_slice %arg3[%multiple_of3A, %dma_start3A_38] : memref<2560x128xi32, #tpu.memory_space<hbm>> -> memref<16x128xi32, #tpu.memory_space<hbm>>
          %dma_start3A_40 = arith.constant 0 : i32
          %dma_start3A_41 = tpu.memref_slice %arg3[%multiple_of3A, %dma_start3A_40] : memref<2560x128xi32, #tpu.memory_space<hbm>> -> memref<16x128xi32, #tpu.memory_space<hbm>>
          tpu.enqueue_dma source(%dma_start3A_41 : memref<16x128xi32, #tpu.memory_space<hbm>>) target(%arg7 : memref<16x128xi32, #tpu.memory_space<vmem>>) target_semaphore(%run_scoped3A : memref<!tpu.dma_semaphore, #tpu.memory_space<semaphore_mem>>)
          %dma_wait3A = arith.constant 0 : i32
          %dma_wait3A_42 = tpu.memref_slice %arg3[%multiple_of3A, %dma_wait3A] : memref<2560x128xi32, #tpu.memory_space<hbm>> -> memref<16x128xi32, #tpu.memory_space<hbm>>
          %dma_wait3A_43 = arith.constant 0 : i32
          %dma_wait3A_44 = tpu.memref_slice %arg3[%multiple_of3A, %dma_wait3A_43] : memref<2560x128xi32, #tpu.memory_space<hbm>> -> memref<16x128xi32, #tpu.memory_space<hbm>>
          tpu.wait_dma2 semaphore(%run_scoped3A : memref<!tpu.dma_semaphore, #tpu.memory_space<semaphore_mem>>) src(%dma_wait3A_44 : memref<16x128xi32, #tpu.memory_space<hbm>>) dst(%arg7 : memref<16x128xi32, #tpu.memory_space<vmem>>)
          tpu.yield
        }) : () -> ()
        "tpu.region"() ({
          %run_scoped3A = tpu.sem_alloc : memref<!tpu.dma_semaphore, #tpu.memory_space<semaphore_mem>>
          %dma_start3A_38 = arith.constant 0 : i32
          %dma_start3A_39 = tpu.memref_slice %arg4[%multiple_of3A, %dma_start3A_38] : memref<2560x128xi32, #tpu.memory_space<hbm>> -> memref<16x128xi32, #tpu.memory_space<hbm>>
          %dma_start3A_40 = arith.constant 0 : i32
          %dma_start3A_41 = tpu.memref_slice %arg4[%multiple_of3A, %dma_start3A_40] : memref<2560x128xi32, #tpu.memory_space<hbm>> -> memref<16x128xi32, #tpu.memory_space<hbm>>
          tpu.enqueue_dma source(%dma_start3A_41 : memref<16x128xi32, #tpu.memory_space<hbm>>) target(%arg8 : memref<16x128xi32, #tpu.memory_space<vmem>>) target_semaphore(%run_scoped3A : memref<!tpu.dma_semaphore, #tpu.memory_space<semaphore_mem>>)
          %dma_wait3A = arith.constant 0 : i32
          %dma_wait3A_42 = tpu.memref_slice %arg4[%multiple_of3A, %dma_wait3A] : memref<2560x128xi32, #tpu.memory_space<hbm>> -> memref<16x128xi32, #tpu.memory_space<hbm>>
          %dma_wait3A_43 = arith.constant 0 : i32
          %dma_wait3A_44 = tpu.memref_slice %arg4[%multiple_of3A, %dma_wait3A_43] : memref<2560x128xi32, #tpu.memory_space<hbm>> -> memref<16x128xi32, #tpu.memory_space<hbm>>
          tpu.wait_dma2 semaphore(%run_scoped3A : memref<!tpu.dma_semaphore, #tpu.memory_space<semaphore_mem>>) src(%dma_wait3A_44 : memref<16x128xi32, #tpu.memory_space<hbm>>) dst(%arg8 : memref<16x128xi32, #tpu.memory_space<vmem>>)
          tpu.yield
        }) : () -> ()
        %dma_start3A = arith.constant 0 : i32
        %dma_start3A_26 = arith.constant 0 : i32
        %dma_start3A_27 = tpu.memref_slice %arg7[%dma_start3A, %dma_start3A_26] : memref<16x128xi32, #tpu.memory_space<vmem>> -> memref<1x128xi32, #tpu.memory_space<vmem>>
        %dma_start3A_28 = tpu.memref_squeeze %dma_start3A_27 : memref<1x128xi32, #tpu.memory_space<vmem>> -> memref<128xi32, #tpu.memory_space<vmem>>
        %dma_start3A_29 = arith.constant 0 : i32
        %dma_start3A_30 = arith.constant 0 : i32
        %dma_start3A_31 = tpu.memref_slice %arg2[%dma_start3A_29, %dma_start3A_30] : memref<10000x128xf32, #tpu.memory_space<hbm>> -> memref<10000x128xf32, #tpu.memory_space<hbm>>
        tpu.enqueue_indirect_dma source(%dma_start3A_31 : memref<10000x128xf32, #tpu.memory_space<hbm>>) target(%arg9 : memref<128x128xf32, #tpu.memory_space<vmem>>) offsets(%dma_start3A_28 : memref<128xi32, #tpu.memory_space<vmem>>) semaphore(%arg12 : memref<!tpu.dma_semaphore, #tpu.memory_space<semaphore_mem>>)
        %scan3A_32 = arith.constant 0 : i32
        %scan3A_33 = arith.constant 0 : i32
        %scan3A_34 = arith.constant 8 : i32
        %scan3A_35 = arith.addi %scan3A_33, %scan3A_34 : i32
        %scan3A_36 = arith.constant 1 : i32
        scf.for %scan3A_38 = %scan3A_33 to %scan3A_35 step %scan3A_36  : i32 {
          %mul3A_39 = arith.constant 2 : i32
          %mul3A_40 = arith.muli %mul3A_39, %scan3A_38 : i32
          %add3A_41 = arith.constant 1 : i32
          %add3A_42 = arith.addi %mul3A_40, %add3A_41 : i32
          %dma_start3A_43 = arith.constant 0 : i32
          %dma_start3A_44 = tpu.memref_slice %arg7[%add3A_42, %dma_start3A_43] : memref<16x128xi32, #tpu.memory_space<vmem>> -> memref<1x128xi32, #tpu.memory_space<vmem>>
          %dma_start3A_45 = tpu.memref_squeeze %dma_start3A_44 : memref<1x128xi32, #tpu.memory_space<vmem>> -> memref<128xi32, #tpu.memory_space<vmem>>
          %dma_start3A_46 = arith.constant 0 : i32
          %dma_start3A_47 = arith.constant 0 : i32
          %dma_start3A_48 = tpu.memref_slice %arg2[%dma_start3A_46, %dma_start3A_47] : memref<10000x128xf32, #tpu.memory_space<hbm>> -> memref<10000x128xf32, #tpu.memory_space<hbm>>
          tpu.enqueue_indirect_dma source(%dma_start3A_48 : memref<10000x128xf32, #tpu.memory_space<hbm>>) target(%arg10 : memref<128x128xf32, #tpu.memory_space<vmem>>) offsets(%dma_start3A_45 : memref<128xi32, #tpu.memory_space<vmem>>) semaphore(%arg12 : memref<!tpu.dma_semaphore, #tpu.memory_space<semaphore_mem>>)
          %dma_wait3A = arith.constant 0 : i32
          %dma_wait3A_49 = arith.constant 0 : i32
          %dma_wait3A_50 = tpu.memref_slice %arg2[%dma_wait3A, %dma_wait3A_49] : memref<10000x128xf32, #tpu.memory_space<hbm>> -> memref<128x128xf32, #tpu.memory_space<hbm>>
          %dma_wait3A_51 = arith.constant 0 : i32
          %dma_wait3A_52 = arith.constant 0 : i32
          %dma_wait3A_53 = tpu.memref_slice %arg2[%dma_wait3A_51, %dma_wait3A_52] : memref<10000x128xf32, #tpu.memory_space<hbm>> -> memref<128x128xf32, #tpu.memory_space<hbm>>
          tpu.wait_dma2 semaphore(%arg12 : memref<!tpu.dma_semaphore, #tpu.memory_space<semaphore_mem>>) src(%dma_wait3A_53 : memref<128x128xf32, #tpu.memory_space<hbm>>) dst(%arg9 : memref<128x128xf32, #tpu.memory_space<vmem>>)
          "tpu.region"() ({
            %run_scoped3A = tpu.sem_alloc : memref<!tpu.dma_semaphore, #tpu.memory_space<semaphore_mem>>
            %dma_start3A_67 = arith.constant 0 : i32
            %dma_start3A_68 = tpu.memref_slice %arg8[%mul3A_40, %dma_start3A_67] : memref<16x128xi32, #tpu.memory_space<vmem>> -> memref<1x128xi32, #tpu.memory_space<vmem>>
            %dma_start3A_69 = tpu.memref_squeeze %dma_start3A_68 : memref<1x128xi32, #tpu.memory_space<vmem>> -> memref<128xi32, #tpu.memory_space<vmem>>
            %dma_start3A_70 = arith.constant 0 : i32
            %dma_start3A_71 = arith.constant 0 : i32
            %dma_start3A_72 = tpu.memref_slice %arg11[%dma_start3A_70, %dma_start3A_71] : memref<10112x128xf32, #tpu.memory_space<vmem_shared>> -> memref<10112x128xf32, #tpu.memory_space<vmem_shared>>
            tpu.enqueue_indirect_dma source(%arg9 : memref<128x128xf32, #tpu.memory_space<vmem>>) target(%dma_start3A_72 : memref<10112x128xf32, #tpu.memory_space<vmem_shared>>) offsets(%dma_start3A_69 : memref<128xi32, #tpu.memory_space<vmem>>) semaphore(%run_scoped3A : memref<!tpu.dma_semaphore, #tpu.memory_space<semaphore_mem>>) {add = true}
            %dma_wait3A_73 = arith.constant 0 : i32
            %dma_wait3A_74 = tpu.memref_slice %arg8[%mul3A_40, %dma_wait3A_73] : memref<16x128xi32, #tpu.memory_space<vmem>> -> memref<1x128xi32, #tpu.memory_space<vmem>>
            %dma_wait3A_75 = tpu.memref_squeeze %dma_wait3A_74 : memref<1x128xi32, #tpu.memory_space<vmem>> -> memref<128xi32, #tpu.memory_space<vmem>>
            %dma_wait3A_76 = arith.constant 0 : i32
            %dma_wait3A_77 = arith.constant 0 : i32
            %dma_wait3A_78 = tpu.memref_slice %arg11[%dma_wait3A_76, %dma_wait3A_77] : memref<10112x128xf32, #tpu.memory_space<vmem_shared>> -> memref<10112x128xf32, #tpu.memory_space<vmem_shared>>
            tpu.wait_indirect_dma semaphore(%run_scoped3A : memref<!tpu.dma_semaphore, #tpu.memory_space<semaphore_mem>>) src(%arg9 : memref<128x128xf32, #tpu.memory_space<vmem>>) dst(%dma_wait3A_78 : memref<10112x128xf32, #tpu.memory_space<vmem_shared>>)
            tpu.yield
          }) : () -> ()
          %lt3A_54 = arith.constant 7 : i32
          %lt3A_55 = arith.cmpi slt, %scan3A_38, %lt3A_54 : i32
          %convert_element_type3A_56 = arith.extui %lt3A_55 : i1 to i32
          %cond3A_57 = arith.constant 0 : i32
          %cond3A_58 = arith.cmpi ne, %convert_element_type3A_56, %cond3A_57 : i32
          scf.if %cond3A_58 {
            %add3A_67 = arith.constant 2 : i32
            %add3A_68 = arith.addi %mul3A_40, %add3A_67 : i32
            %dma_start3A_69 = arith.constant 0 : i32
            %dma_start3A_70 = tpu.memref_slice %arg7[%add3A_68, %dma_start3A_69] : memref<16x128xi32, #tpu.memory_space<vmem>> -> memref<1x128xi32, #tpu.memory_space<vmem>>
            %dma_start3A_71 = tpu.memref_squeeze %dma_start3A_70 : memref<1x128xi32, #tpu.memory_space<vmem>> -> memref<128xi32, #tpu.memory_space<vmem>>
            %dma_start3A_72 = arith.constant 0 : i32
            %dma_start3A_73 = arith.constant 0 : i32
            %dma_start3A_74 = tpu.memref_slice %arg2[%dma_start3A_72, %dma_start3A_73] : memref<10000x128xf32, #tpu.memory_space<hbm>> -> memref<10000x128xf32, #tpu.memory_space<hbm>>
            tpu.enqueue_indirect_dma source(%dma_start3A_74 : memref<10000x128xf32, #tpu.memory_space<hbm>>) target(%arg9 : memref<128x128xf32, #tpu.memory_space<vmem>>) offsets(%dma_start3A_71 : memref<128xi32, #tpu.memory_space<vmem>>) semaphore(%arg12 : memref<!tpu.dma_semaphore, #tpu.memory_space<semaphore_mem>>)
          } else {
          }
          %dma_wait3A_59 = arith.constant 0 : i32
          %dma_wait3A_60 = arith.constant 0 : i32
          %dma_wait3A_61 = tpu.memref_slice %arg2[%dma_wait3A_59, %dma_wait3A_60] : memref<10000x128xf32, #tpu.memory_space<hbm>> -> memref<128x128xf32, #tpu.memory_space<hbm>>
          %dma_wait3A_62 = arith.constant 0 : i32
          %dma_wait3A_63 = arith.constant 0 : i32
          %dma_wait3A_64 = tpu.memref_slice %arg2[%dma_wait3A_62, %dma_wait3A_63] : memref<10000x128xf32, #tpu.memory_space<hbm>> -> memref<128x128xf32, #tpu.memory_space<hbm>>
          tpu.wait_dma2 semaphore(%arg12 : memref<!tpu.dma_semaphore, #tpu.memory_space<semaphore_mem>>) src(%dma_wait3A_64 : memref<128x128xf32, #tpu.memory_space<hbm>>) dst(%arg10 : memref<128x128xf32, #tpu.memory_space<vmem>>)
          %add3A_65 = arith.constant 1 : i32
          %add3A_66 = arith.addi %mul3A_40, %add3A_65 : i32
          "tpu.region"() ({
            %run_scoped3A = tpu.sem_alloc : memref<!tpu.dma_semaphore, #tpu.memory_space<semaphore_mem>>
            %dma_start3A_67 = arith.constant 0 : i32
            %dma_start3A_68 = tpu.memref_slice %arg8[%add3A_66, %dma_start3A_67] : memref<16x128xi32, #tpu.memory_space<vmem>> -> memref<1x128xi32, #tpu.memory_space<vmem>>
            %dma_start3A_69 = tpu.memref_squeeze %dma_start3A_68 : memref<1x128xi32, #tpu.memory_space<vmem>> -> memref<128xi32, #tpu.memory_space<vmem>>
            %dma_start3A_70 = arith.constant 0 : i32
            %dma_start3A_71 = arith.constant 0 : i32
            %dma_start3A_72 = tpu.memref_slice %arg11[%dma_start3A_70, %dma_start3A_71] : memref<10112x128xf32, #tpu.memory_space<vmem_shared>> -> memref<10112x128xf32, #tpu.memory_space<vmem_shared>>
            tpu.enqueue_indirect_dma source(%arg10 : memref<128x128xf32, #tpu.memory_space<vmem>>) target(%dma_start3A_72 : memref<10112x128xf32, #tpu.memory_space<vmem_shared>>) offsets(%dma_start3A_69 : memref<128xi32, #tpu.memory_space<vmem>>) semaphore(%run_scoped3A : memref<!tpu.dma_semaphore, #tpu.memory_space<semaphore_mem>>) {add = true}
            %dma_wait3A_73 = arith.constant 0 : i32
            %dma_wait3A_74 = tpu.memref_slice %arg8[%add3A_66, %dma_wait3A_73] : memref<16x128xi32, #tpu.memory_space<vmem>> -> memref<1x128xi32, #tpu.memory_space<vmem>>
            %dma_wait3A_75 = tpu.memref_squeeze %dma_wait3A_74 : memref<1x128xi32, #tpu.memory_space<vmem>> -> memref<128xi32, #tpu.memory_space<vmem>>
            %dma_wait3A_76 = arith.constant 0 : i32
            %dma_wait3A_77 = arith.constant 0 : i32
            %dma_wait3A_78 = tpu.memref_slice %arg11[%dma_wait3A_76, %dma_wait3A_77] : memref<10112x128xf32, #tpu.memory_space<vmem_shared>> -> memref<10112x128xf32, #tpu.memory_space<vmem_shared>>
            tpu.wait_indirect_dma semaphore(%run_scoped3A : memref<!tpu.dma_semaphore, #tpu.memory_space<semaphore_mem>>) src(%arg10 : memref<128x128xf32, #tpu.memory_space<vmem>>) dst(%dma_wait3A_78 : memref<10112x128xf32, #tpu.memory_space<vmem_shared>>)
            tpu.yield
          }) : () -> ()
        }
        %scan3A_37 = arith.constant 8 : i32
      } else {
      }
      %eq3A_16 = arith.constant 1 : i32
      %eq3A_17 = arith.cmpi eq, %arg0, %eq3A_16 : i32
      %lt3A = arith.constant 2 : i32
      %lt3A_18 = arith.cmpi slt, %scan3A_13, %lt3A : i32
      %and3A = arith.andi %eq3A_17, %lt3A_18 : i1
      %convert_element_type3A_19 = arith.extui %and3A : i1 to i32
      %cond3A_20 = arith.constant 0 : i32
      %cond3A_21 = arith.cmpi ne, %convert_element_type3A_19, %cond3A_20 : i32
      scf.if %cond3A_21 {
        %mul3A_22 = arith.constant 16 : i32
        %mul3A_23 = arith.muli %arg1, %mul3A_22 : i32
        %add3A = arith.constant 2304 : i32
        %add3A_24 = arith.addi %add3A, %mul3A_23 : i32
        %mul3A_25 = arith.constant 8 : i32
        %mul3A_26 = arith.muli %scan3A_13, %mul3A_25 : i32
        %add3A_27 = arith.addi %add3A_24, %mul3A_26 : i32
        %multiple_of3A = tpu.assume_multiple %add3A_27, 8 : i32
        "tpu.region"() ({
          %run_scoped3A = tpu.sem_alloc : memref<!tpu.dma_semaphore, #tpu.memory_space<semaphore_mem>>
          %dma_start3A_40 = arith.constant 0 : i32
          %dma_start3A_41 = arith.constant 0 : i32
          %dma_start3A_42 = tpu.memref_slice %arg7[%dma_start3A_40, %dma_start3A_41] : memref<16x128xi32, #tpu.memory_space<vmem>> -> memref<8x128xi32, #tpu.memory_space<vmem>>
          %dma_start3A_43 = arith.constant 0 : i32
          %dma_start3A_44 = tpu.memref_slice %arg3[%multiple_of3A, %dma_start3A_43] : memref<2560x128xi32, #tpu.memory_space<hbm>> -> memref<8x128xi32, #tpu.memory_space<hbm>>
          %dma_start3A_45 = arith.constant 0 : i32
          %dma_start3A_46 = arith.constant 0 : i32
          %dma_start3A_47 = tpu.memref_slice %arg7[%dma_start3A_45, %dma_start3A_46] : memref<16x128xi32, #tpu.memory_space<vmem>> -> memref<8x128xi32, #tpu.memory_space<vmem>>
          %dma_start3A_48 = arith.constant 0 : i32
          %dma_start3A_49 = tpu.memref_slice %arg3[%multiple_of3A, %dma_start3A_48] : memref<2560x128xi32, #tpu.memory_space<hbm>> -> memref<8x128xi32, #tpu.memory_space<hbm>>
          tpu.enqueue_dma source(%dma_start3A_49 : memref<8x128xi32, #tpu.memory_space<hbm>>) target(%dma_start3A_47 : memref<8x128xi32, #tpu.memory_space<vmem>>) target_semaphore(%run_scoped3A : memref<!tpu.dma_semaphore, #tpu.memory_space<semaphore_mem>>)
          %dma_wait3A = arith.constant 0 : i32
          %dma_wait3A_50 = arith.constant 0 : i32
          %dma_wait3A_51 = tpu.memref_slice %arg7[%dma_wait3A, %dma_wait3A_50] : memref<16x128xi32, #tpu.memory_space<vmem>> -> memref<8x128xi32, #tpu.memory_space<vmem>>
          %dma_wait3A_52 = arith.constant 0 : i32
          %dma_wait3A_53 = tpu.memref_slice %arg3[%multiple_of3A, %dma_wait3A_52] : memref<2560x128xi32, #tpu.memory_space<hbm>> -> memref<8x128xi32, #tpu.memory_space<hbm>>
          %dma_wait3A_54 = arith.constant 0 : i32
          %dma_wait3A_55 = arith.constant 0 : i32
          %dma_wait3A_56 = tpu.memref_slice %arg7[%dma_wait3A_54, %dma_wait3A_55] : memref<16x128xi32, #tpu.memory_space<vmem>> -> memref<8x128xi32, #tpu.memory_space<vmem>>
          %dma_wait3A_57 = arith.constant 0 : i32
          %dma_wait3A_58 = tpu.memref_slice %arg3[%multiple_of3A, %dma_wait3A_57] : memref<2560x128xi32, #tpu.memory_space<hbm>> -> memref<8x128xi32, #tpu.memory_space<hbm>>
          tpu.wait_dma2 semaphore(%run_scoped3A : memref<!tpu.dma_semaphore, #tpu.memory_space<semaphore_mem>>) src(%dma_wait3A_58 : memref<8x128xi32, #tpu.memory_space<hbm>>) dst(%dma_wait3A_56 : memref<8x128xi32, #tpu.memory_space<vmem>>)
          tpu.yield
        }) : () -> ()
        "tpu.region"() ({
          %run_scoped3A = tpu.sem_alloc : memref<!tpu.dma_semaphore, #tpu.memory_space<semaphore_mem>>
          %dma_start3A_40 = arith.constant 0 : i32
          %dma_start3A_41 = arith.constant 0 : i32
          %dma_start3A_42 = tpu.memref_slice %arg8[%dma_start3A_40, %dma_start3A_41] : memref<16x128xi32, #tpu.memory_space<vmem>> -> memref<8x128xi32, #tpu.memory_space<vmem>>
          %dma_start3A_43 = arith.constant 0 : i32
          %dma_start3A_44 = tpu.memref_slice %arg4[%multiple_of3A, %dma_start3A_43] : memref<2560x128xi32, #tpu.memory_space<hbm>> -> memref<8x128xi32, #tpu.memory_space<hbm>>
          %dma_start3A_45 = arith.constant 0 : i32
          %dma_start3A_46 = arith.constant 0 : i32
          %dma_start3A_47 = tpu.memref_slice %arg8[%dma_start3A_45, %dma_start3A_46] : memref<16x128xi32, #tpu.memory_space<vmem>> -> memref<8x128xi32, #tpu.memory_space<vmem>>
          %dma_start3A_48 = arith.constant 0 : i32
          %dma_start3A_49 = tpu.memref_slice %arg4[%multiple_of3A, %dma_start3A_48] : memref<2560x128xi32, #tpu.memory_space<hbm>> -> memref<8x128xi32, #tpu.memory_space<hbm>>
          tpu.enqueue_dma source(%dma_start3A_49 : memref<8x128xi32, #tpu.memory_space<hbm>>) target(%dma_start3A_47 : memref<8x128xi32, #tpu.memory_space<vmem>>) target_semaphore(%run_scoped3A : memref<!tpu.dma_semaphore, #tpu.memory_space<semaphore_mem>>)
          %dma_wait3A = arith.constant 0 : i32
          %dma_wait3A_50 = arith.constant 0 : i32
          %dma_wait3A_51 = tpu.memref_slice %arg8[%dma_wait3A, %dma_wait3A_50] : memref<16x128xi32, #tpu.memory_space<vmem>> -> memref<8x128xi32, #tpu.memory_space<vmem>>
          %dma_wait3A_52 = arith.constant 0 : i32
          %dma_wait3A_53 = tpu.memref_slice %arg4[%multiple_of3A, %dma_wait3A_52] : memref<2560x128xi32, #tpu.memory_space<hbm>> -> memref<8x128xi32, #tpu.memory_space<hbm>>
          %dma_wait3A_54 = arith.constant 0 : i32
          %dma_wait3A_55 = arith.constant 0 : i32
          %dma_wait3A_56 = tpu.memref_slice %arg8[%dma_wait3A_54, %dma_wait3A_55] : memref<16x128xi32, #tpu.memory_space<vmem>> -> memref<8x128xi32, #tpu.memory_space<vmem>>
          %dma_wait3A_57 = arith.constant 0 : i32
          %dma_wait3A_58 = tpu.memref_slice %arg4[%multiple_of3A, %dma_wait3A_57] : memref<2560x128xi32, #tpu.memory_space<hbm>> -> memref<8x128xi32, #tpu.memory_space<hbm>>
          tpu.wait_dma2 semaphore(%run_scoped3A : memref<!tpu.dma_semaphore, #tpu.memory_space<semaphore_mem>>) src(%dma_wait3A_58 : memref<8x128xi32, #tpu.memory_space<hbm>>) dst(%dma_wait3A_56 : memref<8x128xi32, #tpu.memory_space<vmem>>)
          tpu.yield
        }) : () -> ()
        %dma_start3A = arith.constant 0 : i32
        %dma_start3A_28 = arith.constant 0 : i32
        %dma_start3A_29 = tpu.memref_slice %arg7[%dma_start3A, %dma_start3A_28] : memref<16x128xi32, #tpu.memory_space<vmem>> -> memref<1x128xi32, #tpu.memory_space<vmem>>
        %dma_start3A_30 = tpu.memref_squeeze %dma_start3A_29 : memref<1x128xi32, #tpu.memory_space<vmem>> -> memref<128xi32, #tpu.memory_space<vmem>>
        %dma_start3A_31 = arith.constant 0 : i32
        %dma_start3A_32 = arith.constant 0 : i32
        %dma_start3A_33 = tpu.memref_slice %arg2[%dma_start3A_31, %dma_start3A_32] : memref<10000x128xf32, #tpu.memory_space<hbm>> -> memref<10000x128xf32, #tpu.memory_space<hbm>>
        tpu.enqueue_indirect_dma source(%dma_start3A_33 : memref<10000x128xf32, #tpu.memory_space<hbm>>) target(%arg9 : memref<128x128xf32, #tpu.memory_space<vmem>>) offsets(%dma_start3A_30 : memref<128xi32, #tpu.memory_space<vmem>>) semaphore(%arg12 : memref<!tpu.dma_semaphore, #tpu.memory_space<semaphore_mem>>)
        %scan3A_34 = arith.constant 0 : i32
        %scan3A_35 = arith.constant 0 : i32
        %scan3A_36 = arith.constant 4 : i32
        %scan3A_37 = arith.addi %scan3A_35, %scan3A_36 : i32
        %scan3A_38 = arith.constant 1 : i32
        scf.for %scan3A_40 = %scan3A_35 to %scan3A_37 step %scan3A_38  : i32 {
          %mul3A_41 = arith.constant 2 : i32
          %mul3A_42 = arith.muli %mul3A_41, %scan3A_40 : i32
          %add3A_43 = arith.constant 1 : i32
          %add3A_44 = arith.addi %mul3A_42, %add3A_43 : i32
          %dma_start3A_45 = arith.constant 0 : i32
          %dma_start3A_46 = tpu.memref_slice %arg7[%add3A_44, %dma_start3A_45] : memref<16x128xi32, #tpu.memory_space<vmem>> -> memref<1x128xi32, #tpu.memory_space<vmem>>
          %dma_start3A_47 = tpu.memref_squeeze %dma_start3A_46 : memref<1x128xi32, #tpu.memory_space<vmem>> -> memref<128xi32, #tpu.memory_space<vmem>>
          %dma_start3A_48 = arith.constant 0 : i32
          %dma_start3A_49 = arith.constant 0 : i32
          %dma_start3A_50 = tpu.memref_slice %arg2[%dma_start3A_48, %dma_start3A_49] : memref<10000x128xf32, #tpu.memory_space<hbm>> -> memref<10000x128xf32, #tpu.memory_space<hbm>>
          tpu.enqueue_indirect_dma source(%dma_start3A_50 : memref<10000x128xf32, #tpu.memory_space<hbm>>) target(%arg10 : memref<128x128xf32, #tpu.memory_space<vmem>>) offsets(%dma_start3A_47 : memref<128xi32, #tpu.memory_space<vmem>>) semaphore(%arg12 : memref<!tpu.dma_semaphore, #tpu.memory_space<semaphore_mem>>)
          %dma_wait3A = arith.constant 0 : i32
          %dma_wait3A_51 = arith.constant 0 : i32
          %dma_wait3A_52 = tpu.memref_slice %arg2[%dma_wait3A, %dma_wait3A_51] : memref<10000x128xf32, #tpu.memory_space<hbm>> -> memref<128x128xf32, #tpu.memory_space<hbm>>
          %dma_wait3A_53 = arith.constant 0 : i32
          %dma_wait3A_54 = arith.constant 0 : i32
          %dma_wait3A_55 = tpu.memref_slice %arg2[%dma_wait3A_53, %dma_wait3A_54] : memref<10000x128xf32, #tpu.memory_space<hbm>> -> memref<128x128xf32, #tpu.memory_space<hbm>>
          tpu.wait_dma2 semaphore(%arg12 : memref<!tpu.dma_semaphore, #tpu.memory_space<semaphore_mem>>) src(%dma_wait3A_55 : memref<128x128xf32, #tpu.memory_space<hbm>>) dst(%arg9 : memref<128x128xf32, #tpu.memory_space<vmem>>)
          "tpu.region"() ({
            %run_scoped3A = tpu.sem_alloc : memref<!tpu.dma_semaphore, #tpu.memory_space<semaphore_mem>>
            %dma_start3A_69 = arith.constant 0 : i32
            %dma_start3A_70 = tpu.memref_slice %arg8[%mul3A_42, %dma_start3A_69] : memref<16x128xi32, #tpu.memory_space<vmem>> -> memref<1x128xi32, #tpu.memory_space<vmem>>
            %dma_start3A_71 = tpu.memref_squeeze %dma_start3A_70 : memref<1x128xi32, #tpu.memory_space<vmem>> -> memref<128xi32, #tpu.memory_space<vmem>>
            %dma_start3A_72 = arith.constant 0 : i32
            %dma_start3A_73 = arith.constant 0 : i32
            %dma_start3A_74 = tpu.memref_slice %arg11[%dma_start3A_72, %dma_start3A_73] : memref<10112x128xf32, #tpu.memory_space<vmem_shared>> -> memref<10112x128xf32, #tpu.memory_space<vmem_shared>>
            tpu.enqueue_indirect_dma source(%arg9 : memref<128x128xf32, #tpu.memory_space<vmem>>) target(%dma_start3A_74 : memref<10112x128xf32, #tpu.memory_space<vmem_shared>>) offsets(%dma_start3A_71 : memref<128xi32, #tpu.memory_space<vmem>>) semaphore(%run_scoped3A : memref<!tpu.dma_semaphore, #tpu.memory_space<semaphore_mem>>) {add = true}
            %dma_wait3A_75 = arith.constant 0 : i32
            %dma_wait3A_76 = tpu.memref_slice %arg8[%mul3A_42, %dma_wait3A_75] : memref<16x128xi32, #tpu.memory_space<vmem>> -> memref<1x128xi32, #tpu.memory_space<vmem>>
            %dma_wait3A_77 = tpu.memref_squeeze %dma_wait3A_76 : memref<1x128xi32, #tpu.memory_space<vmem>> -> memref<128xi32, #tpu.memory_space<vmem>>
            %dma_wait3A_78 = arith.constant 0 : i32
            %dma_wait3A_79 = arith.constant 0 : i32
            %dma_wait3A_80 = tpu.memref_slice %arg11[%dma_wait3A_78, %dma_wait3A_79] : memref<10112x128xf32, #tpu.memory_space<vmem_shared>> -> memref<10112x128xf32, #tpu.memory_space<vmem_shared>>
            tpu.wait_indirect_dma semaphore(%run_scoped3A : memref<!tpu.dma_semaphore, #tpu.memory_space<semaphore_mem>>) src(%arg9 : memref<128x128xf32, #tpu.memory_space<vmem>>) dst(%dma_wait3A_80 : memref<10112x128xf32, #tpu.memory_space<vmem_shared>>)
            tpu.yield
          }) : () -> ()
          %lt3A_56 = arith.constant 3 : i32
          %lt3A_57 = arith.cmpi slt, %scan3A_40, %lt3A_56 : i32
          %convert_element_type3A_58 = arith.extui %lt3A_57 : i1 to i32
          %cond3A_59 = arith.constant 0 : i32
          %cond3A_60 = arith.cmpi ne, %convert_element_type3A_58, %cond3A_59 : i32
          scf.if %cond3A_60 {
            %add3A_69 = arith.constant 2 : i32
            %add3A_70 = arith.addi %mul3A_42, %add3A_69 : i32
            %dma_start3A_71 = arith.constant 0 : i32
            %dma_start3A_72 = tpu.memref_slice %arg7[%add3A_70, %dma_start3A_71] : memref<16x128xi32, #tpu.memory_space<vmem>> -> memref<1x128xi32, #tpu.memory_space<vmem>>
            %dma_start3A_73 = tpu.memref_squeeze %dma_start3A_72 : memref<1x128xi32, #tpu.memory_space<vmem>> -> memref<128xi32, #tpu.memory_space<vmem>>
            %dma_start3A_74 = arith.constant 0 : i32
            %dma_start3A_75 = arith.constant 0 : i32
            %dma_start3A_76 = tpu.memref_slice %arg2[%dma_start3A_74, %dma_start3A_75] : memref<10000x128xf32, #tpu.memory_space<hbm>> -> memref<10000x128xf32, #tpu.memory_space<hbm>>
            tpu.enqueue_indirect_dma source(%dma_start3A_76 : memref<10000x128xf32, #tpu.memory_space<hbm>>) target(%arg9 : memref<128x128xf32, #tpu.memory_space<vmem>>) offsets(%dma_start3A_73 : memref<128xi32, #tpu.memory_space<vmem>>) semaphore(%arg12 : memref<!tpu.dma_semaphore, #tpu.memory_space<semaphore_mem>>)
          } else {
          }
          %dma_wait3A_61 = arith.constant 0 : i32
          %dma_wait3A_62 = arith.constant 0 : i32
          %dma_wait3A_63 = tpu.memref_slice %arg2[%dma_wait3A_61, %dma_wait3A_62] : memref<10000x128xf32, #tpu.memory_space<hbm>> -> memref<128x128xf32, #tpu.memory_space<hbm>>
          %dma_wait3A_64 = arith.constant 0 : i32
          %dma_wait3A_65 = arith.constant 0 : i32
          %dma_wait3A_66 = tpu.memref_slice %arg2[%dma_wait3A_64, %dma_wait3A_65] : memref<10000x128xf32, #tpu.memory_space<hbm>> -> memref<128x128xf32, #tpu.memory_space<hbm>>
          tpu.wait_dma2 semaphore(%arg12 : memref<!tpu.dma_semaphore, #tpu.memory_space<semaphore_mem>>) src(%dma_wait3A_66 : memref<128x128xf32, #tpu.memory_space<hbm>>) dst(%arg10 : memref<128x128xf32, #tpu.memory_space<vmem>>)
          %add3A_67 = arith.constant 1 : i32
          %add3A_68 = arith.addi %mul3A_42, %add3A_67 : i32
          "tpu.region"() ({
            %run_scoped3A = tpu.sem_alloc : memref<!tpu.dma_semaphore, #tpu.memory_space<semaphore_mem>>
            %dma_start3A_69 = arith.constant 0 : i32
            %dma_start3A_70 = tpu.memref_slice %arg8[%add3A_68, %dma_start3A_69] : memref<16x128xi32, #tpu.memory_space<vmem>> -> memref<1x128xi32, #tpu.memory_space<vmem>>
            %dma_start3A_71 = tpu.memref_squeeze %dma_start3A_70 : memref<1x128xi32, #tpu.memory_space<vmem>> -> memref<128xi32, #tpu.memory_space<vmem>>
            %dma_start3A_72 = arith.constant 0 : i32
            %dma_start3A_73 = arith.constant 0 : i32
            %dma_start3A_74 = tpu.memref_slice %arg11[%dma_start3A_72, %dma_start3A_73] : memref<10112x128xf32, #tpu.memory_space<vmem_shared>> -> memref<10112x128xf32, #tpu.memory_space<vmem_shared>>
            tpu.enqueue_indirect_dma source(%arg10 : memref<128x128xf32, #tpu.memory_space<vmem>>) target(%dma_start3A_74 : memref<10112x128xf32, #tpu.memory_space<vmem_shared>>) offsets(%dma_start3A_71 : memref<128xi32, #tpu.memory_space<vmem>>) semaphore(%run_scoped3A : memref<!tpu.dma_semaphore, #tpu.memory_space<semaphore_mem>>) {add = true}
            %dma_wait3A_75 = arith.constant 0 : i32
            %dma_wait3A_76 = tpu.memref_slice %arg8[%add3A_68, %dma_wait3A_75] : memref<16x128xi32, #tpu.memory_space<vmem>> -> memref<1x128xi32, #tpu.memory_space<vmem>>
            %dma_wait3A_77 = tpu.memref_squeeze %dma_wait3A_76 : memref<1x128xi32, #tpu.memory_space<vmem>> -> memref<128xi32, #tpu.memory_space<vmem>>
            %dma_wait3A_78 = arith.constant 0 : i32
            %dma_wait3A_79 = arith.constant 0 : i32
            %dma_wait3A_80 = tpu.memref_slice %arg11[%dma_wait3A_78, %dma_wait3A_79] : memref<10112x128xf32, #tpu.memory_space<vmem_shared>> -> memref<10112x128xf32, #tpu.memory_space<vmem_shared>>
            tpu.wait_indirect_dma semaphore(%run_scoped3A : memref<!tpu.dma_semaphore, #tpu.memory_space<semaphore_mem>>) src(%arg10 : memref<128x128xf32, #tpu.memory_space<vmem>>) dst(%dma_wait3A_80 : memref<10112x128xf32, #tpu.memory_space<vmem_shared>>)
            tpu.yield
          }) : () -> ()
        }
        %scan3A_39 = arith.constant 4 : i32
      } else {
      }
    }
    %scan3A_7 = arith.constant 9 : i32
    %barrier3A_8 = arith.constant 0 : index
    tpu.barrier barrier_id(%barrier3A_8)
    %mul3A_9 = arith.constant 632 : i32
    %mul3A_10 = arith.muli %arg1, %mul3A_9 : i32
    %mul3A_11 = arith.constant 632 : i32
    %mul3A_12 = arith.muli %arg1, %mul3A_11 : i32
    "tpu.region"() ({
      %run_scoped3A = tpu.sem_alloc : memref<!tpu.dma_semaphore, #tpu.memory_space<semaphore_mem>>
      %dma_start3A = arith.constant 0 : i32
      %dma_start3A_13 = arith.constant 0 : i32
      %dma_start3A_14 = tpu.memref_slice %arg6[%arg0, %dma_start3A, %dma_start3A_13] : memref<2x10112x128xf32, #tpu.memory_space<hbm>> -> memref<1x10112x128xf32, #tpu.memory_space<hbm>>
      %dma_start3A_15 = tpu.memref_squeeze %dma_start3A_14 : memref<1x10112x128xf32, #tpu.memory_space<hbm>> -> memref<10112x128xf32, #tpu.memory_space<hbm>>
      %dma_start3A_16 = arith.constant 0 : i32
      %dma_start3A_17 = tpu.memref_slice %dma_start3A_15[%mul3A_12, %dma_start3A_16] : memref<10112x128xf32, #tpu.memory_space<hbm>> -> memref<632x128xf32, #tpu.memory_space<hbm>>
      %dma_start3A_18 = arith.constant 0 : i32
      %dma_start3A_19 = tpu.memref_slice %arg11[%mul3A_10, %dma_start3A_18] : memref<10112x128xf32, #tpu.memory_space<vmem_shared>> -> memref<632x128xf32, #tpu.memory_space<vmem_shared>>
      tpu.enqueue_dma source(%dma_start3A_19 : memref<632x128xf32, #tpu.memory_space<vmem_shared>>) target(%dma_start3A_17 : memref<632x128xf32, #tpu.memory_space<hbm>>) target_semaphore(%run_scoped3A : memref<!tpu.dma_semaphore, #tpu.memory_space<semaphore_mem>>)
      %dma_wait3A = arith.constant 0 : i32
      %dma_wait3A_20 = arith.constant 0 : i32
      %dma_wait3A_21 = tpu.memref_slice %arg6[%arg0, %dma_wait3A, %dma_wait3A_20] : memref<2x10112x128xf32, #tpu.memory_space<hbm>> -> memref<1x10112x128xf32, #tpu.memory_space<hbm>>
      %dma_wait3A_22 = tpu.memref_squeeze %dma_wait3A_21 : memref<1x10112x128xf32, #tpu.memory_space<hbm>> -> memref<10112x128xf32, #tpu.memory_space<hbm>>
      %dma_wait3A_23 = arith.constant 0 : i32
      %dma_wait3A_24 = tpu.memref_slice %dma_wait3A_22[%mul3A_12, %dma_wait3A_23] : memref<10112x128xf32, #tpu.memory_space<hbm>> -> memref<632x128xf32, #tpu.memory_space<hbm>>
      %dma_wait3A_25 = arith.constant 0 : i32
      %dma_wait3A_26 = tpu.memref_slice %arg11[%mul3A_10, %dma_wait3A_25] : memref<10112x128xf32, #tpu.memory_space<vmem_shared>> -> memref<632x128xf32, #tpu.memory_space<vmem_shared>>
      tpu.wait_dma2 semaphore(%run_scoped3A : memref<!tpu.dma_semaphore, #tpu.memory_space<semaphore_mem>>) src(%dma_wait3A_26 : memref<632x128xf32, #tpu.memory_space<vmem_shared>>) dst(%dma_wait3A_24 : memref<632x128xf32, #tpu.memory_space<hbm>>)
      tpu.yield
    }) : () -> ()
    return
  }
}

#map = affine_map<(d0, d1) -> (0, 0)>
#map1 = affine_map<(d0, d1) -> (0, 0, 0)>
module attributes {stable_mosaic.version = 14 : i64} {
  func.func @_sc_agg(%arg0: i32, %arg1: i32, %arg2: memref<10000x128xf32, #tpu.memory_space<hbm>>, %arg3: memref<2560x128xi32, #tpu.memory_space<hbm>>, %arg4: memref<2560x128xi32, #tpu.memory_space<hbm>>, %arg5: memref<10112x128xf32, #tpu.memory_space<hbm>>, %arg6: memref<2x10112x128xf32, #tpu.memory_space<hbm>>, %arg7: memref<16x128xi32, #tpu.memory_space<vmem>>, %arg8: memref<16x128xi32, #tpu.memory_space<vmem>>, %arg9: memref<128x128xf32, #tpu.memory_space<vmem>>, %arg10: memref<128x128xf32, #tpu.memory_space<vmem>>, %arg11: memref<10112x128xf32, #tpu.memory_space<vmem_shared>>, %arg12: memref<!tpu.dma_semaphore, #tpu.memory_space<semaphore_mem>>) attributes {dimension_semantics = [#tpu.dimension_semantics<core_parallel>, #tpu.dimension_semantics<subcore_parallel>], iteration_bounds = array<i64: 2, 16>, scalar_prefetch = 0 : i64, scratch_operands = 6 : i64, tpu.core_type = #tpu.core_type<sc_vector_subcore>, window_params = [{transform_indices = #map}, {transform_indices = #map}, {transform_indices = #map}, {transform_indices = #map}, {transform_indices = #map1}]} {
    %mul3A = arith.constant 632 : i32
    %mul3A_0 = arith.muli %arg1, %mul3A : i32
    %mul3A_1 = arith.constant 632 : i32
    %mul3A_2 = arith.muli %arg1, %mul3A_1 : i32
    "tpu.region"() ({
      %run_scoped3A = tpu.sem_alloc : memref<!tpu.dma_semaphore, #tpu.memory_space<semaphore_mem>>
      %dma_start3A = arith.constant 0 : i32
      %dma_start3A_13 = tpu.memref_slice %arg11[%mul3A_2, %dma_start3A] : memref<10112x128xf32, #tpu.memory_space<vmem_shared>> -> memref<632x128xf32, #tpu.memory_space<vmem_shared>>
      %dma_start3A_14 = arith.constant 0 : i32
      %dma_start3A_15 = tpu.memref_slice %arg5[%mul3A_0, %dma_start3A_14] : memref<10112x128xf32, #tpu.memory_space<hbm>> -> memref<632x128xf32, #tpu.memory_space<hbm>>
      tpu.enqueue_dma source(%dma_start3A_15 : memref<632x128xf32, #tpu.memory_space<hbm>>) target(%dma_start3A_13 : memref<632x128xf32, #tpu.memory_space<vmem_shared>>) target_semaphore(%run_scoped3A : memref<!tpu.dma_semaphore, #tpu.memory_space<semaphore_mem>>)
      %dma_wait3A = arith.constant 0 : i32
      %dma_wait3A_16 = tpu.memref_slice %arg11[%mul3A_2, %dma_wait3A] : memref<10112x128xf32, #tpu.memory_space<vmem_shared>> -> memref<632x128xf32, #tpu.memory_space<vmem_shared>>
      %dma_wait3A_17 = arith.constant 0 : i32
      %dma_wait3A_18 = tpu.memref_slice %arg5[%mul3A_0, %dma_wait3A_17] : memref<10112x128xf32, #tpu.memory_space<hbm>> -> memref<632x128xf32, #tpu.memory_space<hbm>>
      tpu.wait_dma2 semaphore(%run_scoped3A : memref<!tpu.dma_semaphore, #tpu.memory_space<semaphore_mem>>) src(%dma_wait3A_18 : memref<632x128xf32, #tpu.memory_space<hbm>>) dst(%dma_wait3A_16 : memref<632x128xf32, #tpu.memory_space<vmem_shared>>)
      tpu.yield
    }) : () -> ()
    %barrier3A = arith.constant 0 : index
    tpu.barrier barrier_id(%barrier3A)
    %scan3A = arith.constant 0 : i32
    %scan3A_3 = arith.constant 0 : i32
    %scan3A_4 = arith.constant 9 : i32
    %scan3A_5 = arith.addi %scan3A_3, %scan3A_4 : i32
    %scan3A_6 = arith.constant 1 : i32
    scf.for %scan3A_13 = %scan3A_3 to %scan3A_5 step %scan3A_6  : i32 {
      %eq3A = arith.constant 0 : i32
      %eq3A_14 = arith.cmpi eq, %arg0, %eq3A : i32
      %convert_element_type3A = arith.extui %eq3A_14 : i1 to i32
      %cond3A = arith.constant 0 : i32
      %cond3A_15 = arith.cmpi ne, %convert_element_type3A, %cond3A : i32
      scf.if %cond3A_15 {
        %mul3A_22 = arith.constant 144 : i32
        %mul3A_23 = arith.muli %arg1, %mul3A_22 : i32
        %mul3A_24 = arith.constant 16 : i32
        %mul3A_25 = arith.muli %scan3A_13, %mul3A_24 : i32
        %add3A = arith.addi %mul3A_23, %mul3A_25 : i32
        %multiple_of3A = tpu.assume_multiple %add3A, 8 : i32
        "tpu.region"() ({
          %run_scoped3A = tpu.sem_alloc : memref<!tpu.dma_semaphore, #tpu.memory_space<semaphore_mem>>
          %dma_start3A_38 = arith.constant 0 : i32
          %dma_start3A_39 = tpu.memref_slice %arg3[%multiple_of3A, %dma_start3A_38] : memref<2560x128xi32, #tpu.memory_space<hbm>> -> memref<16x128xi32, #tpu.memory_space<hbm>>
          %dma_start3A_40 = arith.constant 0 : i32
          %dma_start3A_41 = tpu.memref_slice %arg3[%multiple_of3A, %dma_start3A_40] : memref<2560x128xi32, #tpu.memory_space<hbm>> -> memref<16x128xi32, #tpu.memory_space<hbm>>
          tpu.enqueue_dma source(%dma_start3A_41 : memref<16x128xi32, #tpu.memory_space<hbm>>) target(%arg7 : memref<16x128xi32, #tpu.memory_space<vmem>>) target_semaphore(%run_scoped3A : memref<!tpu.dma_semaphore, #tpu.memory_space<semaphore_mem>>)
          %dma_wait3A = arith.constant 0 : i32
          %dma_wait3A_42 = tpu.memref_slice %arg3[%multiple_of3A, %dma_wait3A] : memref<2560x128xi32, #tpu.memory_space<hbm>> -> memref<16x128xi32, #tpu.memory_space<hbm>>
          %dma_wait3A_43 = arith.constant 0 : i32
          %dma_wait3A_44 = tpu.memref_slice %arg3[%multiple_of3A, %dma_wait3A_43] : memref<2560x128xi32, #tpu.memory_space<hbm>> -> memref<16x128xi32, #tpu.memory_space<hbm>>
          tpu.wait_dma2 semaphore(%run_scoped3A : memref<!tpu.dma_semaphore, #tpu.memory_space<semaphore_mem>>) src(%dma_wait3A_44 : memref<16x128xi32, #tpu.memory_space<hbm>>) dst(%arg7 : memref<16x128xi32, #tpu.memory_space<vmem>>)
          tpu.yield
        }) : () -> ()
        "tpu.region"() ({
          %run_scoped3A = tpu.sem_alloc : memref<!tpu.dma_semaphore, #tpu.memory_space<semaphore_mem>>
          %dma_start3A_38 = arith.constant 0 : i32
          %dma_start3A_39 = tpu.memref_slice %arg4[%multiple_of3A, %dma_start3A_38] : memref<2560x128xi32, #tpu.memory_space<hbm>> -> memref<16x128xi32, #tpu.memory_space<hbm>>
          %dma_start3A_40 = arith.constant 0 : i32
          %dma_start3A_41 = tpu.memref_slice %arg4[%multiple_of3A, %dma_start3A_40] : memref<2560x128xi32, #tpu.memory_space<hbm>> -> memref<16x128xi32, #tpu.memory_space<hbm>>
          tpu.enqueue_dma source(%dma_start3A_41 : memref<16x128xi32, #tpu.memory_space<hbm>>) target(%arg8 : memref<16x128xi32, #tpu.memory_space<vmem>>) target_semaphore(%run_scoped3A : memref<!tpu.dma_semaphore, #tpu.memory_space<semaphore_mem>>)
          %dma_wait3A = arith.constant 0 : i32
          %dma_wait3A_42 = tpu.memref_slice %arg4[%multiple_of3A, %dma_wait3A] : memref<2560x128xi32, #tpu.memory_space<hbm>> -> memref<16x128xi32, #tpu.memory_space<hbm>>
          %dma_wait3A_43 = arith.constant 0 : i32
          %dma_wait3A_44 = tpu.memref_slice %arg4[%multiple_of3A, %dma_wait3A_43] : memref<2560x128xi32, #tpu.memory_space<hbm>> -> memref<16x128xi32, #tpu.memory_space<hbm>>
          tpu.wait_dma2 semaphore(%run_scoped3A : memref<!tpu.dma_semaphore, #tpu.memory_space<semaphore_mem>>) src(%dma_wait3A_44 : memref<16x128xi32, #tpu.memory_space<hbm>>) dst(%arg8 : memref<16x128xi32, #tpu.memory_space<vmem>>)
          tpu.yield
        }) : () -> ()
        %dma_start3A = arith.constant 0 : i32
        %dma_start3A_26 = arith.constant 0 : i32
        %dma_start3A_27 = tpu.memref_slice %arg7[%dma_start3A, %dma_start3A_26] : memref<16x128xi32, #tpu.memory_space<vmem>> -> memref<1x128xi32, #tpu.memory_space<vmem>>
        %dma_start3A_28 = tpu.memref_squeeze %dma_start3A_27 : memref<1x128xi32, #tpu.memory_space<vmem>> -> memref<128xi32, #tpu.memory_space<vmem>>
        %dma_start3A_29 = arith.constant 0 : i32
        %dma_start3A_30 = arith.constant 0 : i32
        %dma_start3A_31 = tpu.memref_slice %arg2[%dma_start3A_29, %dma_start3A_30] : memref<10000x128xf32, #tpu.memory_space<hbm>> -> memref<10000x128xf32, #tpu.memory_space<hbm>>
        tpu.enqueue_indirect_dma source(%dma_start3A_31 : memref<10000x128xf32, #tpu.memory_space<hbm>>) target(%arg9 : memref<128x128xf32, #tpu.memory_space<vmem>>) offsets(%dma_start3A_28 : memref<128xi32, #tpu.memory_space<vmem>>) semaphore(%arg12 : memref<!tpu.dma_semaphore, #tpu.memory_space<semaphore_mem>>)
        %scan3A_32 = arith.constant 0 : i32
        %scan3A_33 = arith.constant 0 : i32
        %scan3A_34 = arith.constant 8 : i32
        %scan3A_35 = arith.addi %scan3A_33, %scan3A_34 : i32
        %scan3A_36 = arith.constant 1 : i32
        scf.for %scan3A_38 = %scan3A_33 to %scan3A_35 step %scan3A_36  : i32 {
          %mul3A_39 = arith.constant 2 : i32
          %mul3A_40 = arith.muli %mul3A_39, %scan3A_38 : i32
          %add3A_41 = arith.constant 1 : i32
          %add3A_42 = arith.addi %mul3A_40, %add3A_41 : i32
          %dma_start3A_43 = arith.constant 0 : i32
          %dma_start3A_44 = tpu.memref_slice %arg7[%add3A_42, %dma_start3A_43] : memref<16x128xi32, #tpu.memory_space<vmem>> -> memref<1x128xi32, #tpu.memory_space<vmem>>
          %dma_start3A_45 = tpu.memref_squeeze %dma_start3A_44 : memref<1x128xi32, #tpu.memory_space<vmem>> -> memref<128xi32, #tpu.memory_space<vmem>>
          %dma_start3A_46 = arith.constant 0 : i32
          %dma_start3A_47 = arith.constant 0 : i32
          %dma_start3A_48 = tpu.memref_slice %arg2[%dma_start3A_46, %dma_start3A_47] : memref<10000x128xf32, #tpu.memory_space<hbm>> -> memref<10000x128xf32, #tpu.memory_space<hbm>>
          tpu.enqueue_indirect_dma source(%dma_start3A_48 : memref<10000x128xf32, #tpu.memory_space<hbm>>) target(%arg10 : memref<128x128xf32, #tpu.memory_space<vmem>>) offsets(%dma_start3A_45 : memref<128xi32, #tpu.memory_space<vmem>>) semaphore(%arg12 : memref<!tpu.dma_semaphore, #tpu.memory_space<semaphore_mem>>)
          %dma_wait3A = arith.constant 0 : i32
          %dma_wait3A_49 = arith.constant 0 : i32
          %dma_wait3A_50 = tpu.memref_slice %arg2[%dma_wait3A, %dma_wait3A_49] : memref<10000x128xf32, #tpu.memory_space<hbm>> -> memref<128x128xf32, #tpu.memory_space<hbm>>
          %dma_wait3A_51 = arith.constant 0 : i32
          %dma_wait3A_52 = arith.constant 0 : i32
          %dma_wait3A_53 = tpu.memref_slice %arg2[%dma_wait3A_51, %dma_wait3A_52] : memref<10000x128xf32, #tpu.memory_space<hbm>> -> memref<128x128xf32, #tpu.memory_space<hbm>>
          tpu.wait_dma2 semaphore(%arg12 : memref<!tpu.dma_semaphore, #tpu.memory_space<semaphore_mem>>) src(%dma_wait3A_53 : memref<128x128xf32, #tpu.memory_space<hbm>>) dst(%arg9 : memref<128x128xf32, #tpu.memory_space<vmem>>)
          "tpu.region"() ({
            %run_scoped3A = tpu.sem_alloc : memref<!tpu.dma_semaphore, #tpu.memory_space<semaphore_mem>>
            %dma_start3A_67 = arith.constant 0 : i32
            %dma_start3A_68 = tpu.memref_slice %arg8[%mul3A_40, %dma_start3A_67] : memref<16x128xi32, #tpu.memory_space<vmem>> -> memref<1x128xi32, #tpu.memory_space<vmem>>
            %dma_start3A_69 = tpu.memref_squeeze %dma_start3A_68 : memref<1x128xi32, #tpu.memory_space<vmem>> -> memref<128xi32, #tpu.memory_space<vmem>>
            %dma_start3A_70 = arith.constant 0 : i32
            %dma_start3A_71 = arith.constant 0 : i32
            %dma_start3A_72 = tpu.memref_slice %arg11[%dma_start3A_70, %dma_start3A_71] : memref<10112x128xf32, #tpu.memory_space<vmem_shared>> -> memref<10112x128xf32, #tpu.memory_space<vmem_shared>>
            tpu.enqueue_indirect_dma source(%arg9 : memref<128x128xf32, #tpu.memory_space<vmem>>) target(%dma_start3A_72 : memref<10112x128xf32, #tpu.memory_space<vmem_shared>>) offsets(%dma_start3A_69 : memref<128xi32, #tpu.memory_space<vmem>>) semaphore(%run_scoped3A : memref<!tpu.dma_semaphore, #tpu.memory_space<semaphore_mem>>) {add = true}
            %dma_wait3A_73 = arith.constant 0 : i32
            %dma_wait3A_74 = tpu.memref_slice %arg8[%mul3A_40, %dma_wait3A_73] : memref<16x128xi32, #tpu.memory_space<vmem>> -> memref<1x128xi32, #tpu.memory_space<vmem>>
            %dma_wait3A_75 = tpu.memref_squeeze %dma_wait3A_74 : memref<1x128xi32, #tpu.memory_space<vmem>> -> memref<128xi32, #tpu.memory_space<vmem>>
            %dma_wait3A_76 = arith.constant 0 : i32
            %dma_wait3A_77 = arith.constant 0 : i32
            %dma_wait3A_78 = tpu.memref_slice %arg11[%dma_wait3A_76, %dma_wait3A_77] : memref<10112x128xf32, #tpu.memory_space<vmem_shared>> -> memref<10112x128xf32, #tpu.memory_space<vmem_shared>>
            tpu.wait_indirect_dma semaphore(%run_scoped3A : memref<!tpu.dma_semaphore, #tpu.memory_space<semaphore_mem>>) src(%arg9 : memref<128x128xf32, #tpu.memory_space<vmem>>) dst(%dma_wait3A_78 : memref<10112x128xf32, #tpu.memory_space<vmem_shared>>)
            tpu.yield
          }) : () -> ()
          %lt3A_54 = arith.constant 7 : i32
          %lt3A_55 = arith.cmpi slt, %scan3A_38, %lt3A_54 : i32
          %convert_element_type3A_56 = arith.extui %lt3A_55 : i1 to i32
          %cond3A_57 = arith.constant 0 : i32
          %cond3A_58 = arith.cmpi ne, %convert_element_type3A_56, %cond3A_57 : i32
          scf.if %cond3A_58 {
            %add3A_67 = arith.constant 2 : i32
            %add3A_68 = arith.addi %mul3A_40, %add3A_67 : i32
            %dma_start3A_69 = arith.constant 0 : i32
            %dma_start3A_70 = tpu.memref_slice %arg7[%add3A_68, %dma_start3A_69] : memref<16x128xi32, #tpu.memory_space<vmem>> -> memref<1x128xi32, #tpu.memory_space<vmem>>
            %dma_start3A_71 = tpu.memref_squeeze %dma_start3A_70 : memref<1x128xi32, #tpu.memory_space<vmem>> -> memref<128xi32, #tpu.memory_space<vmem>>
            %dma_start3A_72 = arith.constant 0 : i32
            %dma_start3A_73 = arith.constant 0 : i32
            %dma_start3A_74 = tpu.memref_slice %arg2[%dma_start3A_72, %dma_start3A_73] : memref<10000x128xf32, #tpu.memory_space<hbm>> -> memref<10000x128xf32, #tpu.memory_space<hbm>>
            tpu.enqueue_indirect_dma source(%dma_start3A_74 : memref<10000x128xf32, #tpu.memory_space<hbm>>) target(%arg9 : memref<128x128xf32, #tpu.memory_space<vmem>>) offsets(%dma_start3A_71 : memref<128xi32, #tpu.memory_space<vmem>>) semaphore(%arg12 : memref<!tpu.dma_semaphore, #tpu.memory_space<semaphore_mem>>)
          } else {
          }
          %dma_wait3A_59 = arith.constant 0 : i32
          %dma_wait3A_60 = arith.constant 0 : i32
          %dma_wait3A_61 = tpu.memref_slice %arg2[%dma_wait3A_59, %dma_wait3A_60] : memref<10000x128xf32, #tpu.memory_space<hbm>> -> memref<128x128xf32, #tpu.memory_space<hbm>>
          %dma_wait3A_62 = arith.constant 0 : i32
          %dma_wait3A_63 = arith.constant 0 : i32
          %dma_wait3A_64 = tpu.memref_slice %arg2[%dma_wait3A_62, %dma_wait3A_63] : memref<10000x128xf32, #tpu.memory_space<hbm>> -> memref<128x128xf32, #tpu.memory_space<hbm>>
          tpu.wait_dma2 semaphore(%arg12 : memref<!tpu.dma_semaphore, #tpu.memory_space<semaphore_mem>>) src(%dma_wait3A_64 : memref<128x128xf32, #tpu.memory_space<hbm>>) dst(%arg10 : memref<128x128xf32, #tpu.memory_space<vmem>>)
          %add3A_65 = arith.constant 1 : i32
          %add3A_66 = arith.addi %mul3A_40, %add3A_65 : i32
          "tpu.region"() ({
            %run_scoped3A = tpu.sem_alloc : memref<!tpu.dma_semaphore, #tpu.memory_space<semaphore_mem>>
            %dma_start3A_67 = arith.constant 0 : i32
            %dma_start3A_68 = tpu.memref_slice %arg8[%add3A_66, %dma_start3A_67] : memref<16x128xi32, #tpu.memory_space<vmem>> -> memref<1x128xi32, #tpu.memory_space<vmem>>
            %dma_start3A_69 = tpu.memref_squeeze %dma_start3A_68 : memref<1x128xi32, #tpu.memory_space<vmem>> -> memref<128xi32, #tpu.memory_space<vmem>>
            %dma_start3A_70 = arith.constant 0 : i32
            %dma_start3A_71 = arith.constant 0 : i32
            %dma_start3A_72 = tpu.memref_slice %arg11[%dma_start3A_70, %dma_start3A_71] : memref<10112x128xf32, #tpu.memory_space<vmem_shared>> -> memref<10112x128xf32, #tpu.memory_space<vmem_shared>>
            tpu.enqueue_indirect_dma source(%arg10 : memref<128x128xf32, #tpu.memory_space<vmem>>) target(%dma_start3A_72 : memref<10112x128xf32, #tpu.memory_space<vmem_shared>>) offsets(%dma_start3A_69 : memref<128xi32, #tpu.memory_space<vmem>>) semaphore(%run_scoped3A : memref<!tpu.dma_semaphore, #tpu.memory_space<semaphore_mem>>) {add = true}
            %dma_wait3A_73 = arith.constant 0 : i32
            %dma_wait3A_74 = tpu.memref_slice %arg8[%add3A_66, %dma_wait3A_73] : memref<16x128xi32, #tpu.memory_space<vmem>> -> memref<1x128xi32, #tpu.memory_space<vmem>>
            %dma_wait3A_75 = tpu.memref_squeeze %dma_wait3A_74 : memref<1x128xi32, #tpu.memory_space<vmem>> -> memref<128xi32, #tpu.memory_space<vmem>>
            %dma_wait3A_76 = arith.constant 0 : i32
            %dma_wait3A_77 = arith.constant 0 : i32
            %dma_wait3A_78 = tpu.memref_slice %arg11[%dma_wait3A_76, %dma_wait3A_77] : memref<10112x128xf32, #tpu.memory_space<vmem_shared>> -> memref<10112x128xf32, #tpu.memory_space<vmem_shared>>
            tpu.wait_indirect_dma semaphore(%run_scoped3A : memref<!tpu.dma_semaphore, #tpu.memory_space<semaphore_mem>>) src(%arg10 : memref<128x128xf32, #tpu.memory_space<vmem>>) dst(%dma_wait3A_78 : memref<10112x128xf32, #tpu.memory_space<vmem_shared>>)
            tpu.yield
          }) : () -> ()
        }
        %scan3A_37 = arith.constant 8 : i32
      } else {
      }
      %eq3A_16 = arith.constant 1 : i32
      %eq3A_17 = arith.cmpi eq, %arg0, %eq3A_16 : i32
      %lt3A = arith.constant 2 : i32
      %lt3A_18 = arith.cmpi slt, %scan3A_13, %lt3A : i32
      %and3A = arith.andi %eq3A_17, %lt3A_18 : i1
      %convert_element_type3A_19 = arith.extui %and3A : i1 to i32
      %cond3A_20 = arith.constant 0 : i32
      %cond3A_21 = arith.cmpi ne, %convert_element_type3A_19, %cond3A_20 : i32
      scf.if %cond3A_21 {
        %mul3A_22 = arith.constant 16 : i32
        %mul3A_23 = arith.muli %arg1, %mul3A_22 : i32
        %add3A = arith.constant 2304 : i32
        %add3A_24 = arith.addi %add3A, %mul3A_23 : i32
        %mul3A_25 = arith.constant 8 : i32
        %mul3A_26 = arith.muli %scan3A_13, %mul3A_25 : i32
        %add3A_27 = arith.addi %add3A_24, %mul3A_26 : i32
        %multiple_of3A = tpu.assume_multiple %add3A_27, 8 : i32
        "tpu.region"() ({
          %run_scoped3A = tpu.sem_alloc : memref<!tpu.dma_semaphore, #tpu.memory_space<semaphore_mem>>
          %dma_start3A_40 = arith.constant 0 : i32
          %dma_start3A_41 = arith.constant 0 : i32
          %dma_start3A_42 = tpu.memref_slice %arg7[%dma_start3A_40, %dma_start3A_41] : memref<16x128xi32, #tpu.memory_space<vmem>> -> memref<8x128xi32, #tpu.memory_space<vmem>>
          %dma_start3A_43 = arith.constant 0 : i32
          %dma_start3A_44 = tpu.memref_slice %arg3[%multiple_of3A, %dma_start3A_43] : memref<2560x128xi32, #tpu.memory_space<hbm>> -> memref<8x128xi32, #tpu.memory_space<hbm>>
          %dma_start3A_45 = arith.constant 0 : i32
          %dma_start3A_46 = arith.constant 0 : i32
          %dma_start3A_47 = tpu.memref_slice %arg7[%dma_start3A_45, %dma_start3A_46] : memref<16x128xi32, #tpu.memory_space<vmem>> -> memref<8x128xi32, #tpu.memory_space<vmem>>
          %dma_start3A_48 = arith.constant 0 : i32
          %dma_start3A_49 = tpu.memref_slice %arg3[%multiple_of3A, %dma_start3A_48] : memref<2560x128xi32, #tpu.memory_space<hbm>> -> memref<8x128xi32, #tpu.memory_space<hbm>>
          tpu.enqueue_dma source(%dma_start3A_49 : memref<8x128xi32, #tpu.memory_space<hbm>>) target(%dma_start3A_47 : memref<8x128xi32, #tpu.memory_space<vmem>>) target_semaphore(%run_scoped3A : memref<!tpu.dma_semaphore, #tpu.memory_space<semaphore_mem>>)
          %dma_wait3A = arith.constant 0 : i32
          %dma_wait3A_50 = arith.constant 0 : i32
          %dma_wait3A_51 = tpu.memref_slice %arg7[%dma_wait3A, %dma_wait3A_50] : memref<16x128xi32, #tpu.memory_space<vmem>> -> memref<8x128xi32, #tpu.memory_space<vmem>>
          %dma_wait3A_52 = arith.constant 0 : i32
          %dma_wait3A_53 = tpu.memref_slice %arg3[%multiple_of3A, %dma_wait3A_52] : memref<2560x128xi32, #tpu.memory_space<hbm>> -> memref<8x128xi32, #tpu.memory_space<hbm>>
          %dma_wait3A_54 = arith.constant 0 : i32
          %dma_wait3A_55 = arith.constant 0 : i32
          %dma_wait3A_56 = tpu.memref_slice %arg7[%dma_wait3A_54, %dma_wait3A_55] : memref<16x128xi32, #tpu.memory_space<vmem>> -> memref<8x128xi32, #tpu.memory_space<vmem>>
          %dma_wait3A_57 = arith.constant 0 : i32
          %dma_wait3A_58 = tpu.memref_slice %arg3[%multiple_of3A, %dma_wait3A_57] : memref<2560x128xi32, #tpu.memory_space<hbm>> -> memref<8x128xi32, #tpu.memory_space<hbm>>
          tpu.wait_dma2 semaphore(%run_scoped3A : memref<!tpu.dma_semaphore, #tpu.memory_space<semaphore_mem>>) src(%dma_wait3A_58 : memref<8x128xi32, #tpu.memory_space<hbm>>) dst(%dma_wait3A_56 : memref<8x128xi32, #tpu.memory_space<vmem>>)
          tpu.yield
        }) : () -> ()
        "tpu.region"() ({
          %run_scoped3A = tpu.sem_alloc : memref<!tpu.dma_semaphore, #tpu.memory_space<semaphore_mem>>
          %dma_start3A_40 = arith.constant 0 : i32
          %dma_start3A_41 = arith.constant 0 : i32
          %dma_start3A_42 = tpu.memref_slice %arg8[%dma_start3A_40, %dma_start3A_41] : memref<16x128xi32, #tpu.memory_space<vmem>> -> memref<8x128xi32, #tpu.memory_space<vmem>>
          %dma_start3A_43 = arith.constant 0 : i32
          %dma_start3A_44 = tpu.memref_slice %arg4[%multiple_of3A, %dma_start3A_43] : memref<2560x128xi32, #tpu.memory_space<hbm>> -> memref<8x128xi32, #tpu.memory_space<hbm>>
          %dma_start3A_45 = arith.constant 0 : i32
          %dma_start3A_46 = arith.constant 0 : i32
          %dma_start3A_47 = tpu.memref_slice %arg8[%dma_start3A_45, %dma_start3A_46] : memref<16x128xi32, #tpu.memory_space<vmem>> -> memref<8x128xi32, #tpu.memory_space<vmem>>
          %dma_start3A_48 = arith.constant 0 : i32
          %dma_start3A_49 = tpu.memref_slice %arg4[%multiple_of3A, %dma_start3A_48] : memref<2560x128xi32, #tpu.memory_space<hbm>> -> memref<8x128xi32, #tpu.memory_space<hbm>>
          tpu.enqueue_dma source(%dma_start3A_49 : memref<8x128xi32, #tpu.memory_space<hbm>>) target(%dma_start3A_47 : memref<8x128xi32, #tpu.memory_space<vmem>>) target_semaphore(%run_scoped3A : memref<!tpu.dma_semaphore, #tpu.memory_space<semaphore_mem>>)
          %dma_wait3A = arith.constant 0 : i32
          %dma_wait3A_50 = arith.constant 0 : i32
          %dma_wait3A_51 = tpu.memref_slice %arg8[%dma_wait3A, %dma_wait3A_50] : memref<16x128xi32, #tpu.memory_space<vmem>> -> memref<8x128xi32, #tpu.memory_space<vmem>>
          %dma_wait3A_52 = arith.constant 0 : i32
          %dma_wait3A_53 = tpu.memref_slice %arg4[%multiple_of3A, %dma_wait3A_52] : memref<2560x128xi32, #tpu.memory_space<hbm>> -> memref<8x128xi32, #tpu.memory_space<hbm>>
          %dma_wait3A_54 = arith.constant 0 : i32
          %dma_wait3A_55 = arith.constant 0 : i32
          %dma_wait3A_56 = tpu.memref_slice %arg8[%dma_wait3A_54, %dma_wait3A_55] : memref<16x128xi32, #tpu.memory_space<vmem>> -> memref<8x128xi32, #tpu.memory_space<vmem>>
          %dma_wait3A_57 = arith.constant 0 : i32
          %dma_wait3A_58 = tpu.memref_slice %arg4[%multiple_of3A, %dma_wait3A_57] : memref<2560x128xi32, #tpu.memory_space<hbm>> -> memref<8x128xi32, #tpu.memory_space<hbm>>
          tpu.wait_dma2 semaphore(%run_scoped3A : memref<!tpu.dma_semaphore, #tpu.memory_space<semaphore_mem>>) src(%dma_wait3A_58 : memref<8x128xi32, #tpu.memory_space<hbm>>) dst(%dma_wait3A_56 : memref<8x128xi32, #tpu.memory_space<vmem>>)
          tpu.yield
        }) : () -> ()
        %dma_start3A = arith.constant 0 : i32
        %dma_start3A_28 = arith.constant 0 : i32
        %dma_start3A_29 = tpu.memref_slice %arg7[%dma_start3A, %dma_start3A_28] : memref<16x128xi32, #tpu.memory_space<vmem>> -> memref<1x128xi32, #tpu.memory_space<vmem>>
        %dma_start3A_30 = tpu.memref_squeeze %dma_start3A_29 : memref<1x128xi32, #tpu.memory_space<vmem>> -> memref<128xi32, #tpu.memory_space<vmem>>
        %dma_start3A_31 = arith.constant 0 : i32
        %dma_start3A_32 = arith.constant 0 : i32
        %dma_start3A_33 = tpu.memref_slice %arg2[%dma_start3A_31, %dma_start3A_32] : memref<10000x128xf32, #tpu.memory_space<hbm>> -> memref<10000x128xf32, #tpu.memory_space<hbm>>
        tpu.enqueue_indirect_dma source(%dma_start3A_33 : memref<10000x128xf32, #tpu.memory_space<hbm>>) target(%arg9 : memref<128x128xf32, #tpu.memory_space<vmem>>) offsets(%dma_start3A_30 : memref<128xi32, #tpu.memory_space<vmem>>) semaphore(%arg12 : memref<!tpu.dma_semaphore, #tpu.memory_space<semaphore_mem>>)
        %scan3A_34 = arith.constant 0 : i32
        %scan3A_35 = arith.constant 0 : i32
        %scan3A_36 = arith.constant 4 : i32
        %scan3A_37 = arith.addi %scan3A_35, %scan3A_36 : i32
        %scan3A_38 = arith.constant 1 : i32
        scf.for %scan3A_40 = %scan3A_35 to %scan3A_37 step %scan3A_38  : i32 {
          %mul3A_41 = arith.constant 2 : i32
          %mul3A_42 = arith.muli %mul3A_41, %scan3A_40 : i32
          %add3A_43 = arith.constant 1 : i32
          %add3A_44 = arith.addi %mul3A_42, %add3A_43 : i32
          %dma_start3A_45 = arith.constant 0 : i32
          %dma_start3A_46 = tpu.memref_slice %arg7[%add3A_44, %dma_start3A_45] : memref<16x128xi32, #tpu.memory_space<vmem>> -> memref<1x128xi32, #tpu.memory_space<vmem>>
          %dma_start3A_47 = tpu.memref_squeeze %dma_start3A_46 : memref<1x128xi32, #tpu.memory_space<vmem>> -> memref<128xi32, #tpu.memory_space<vmem>>
          %dma_start3A_48 = arith.constant 0 : i32
          %dma_start3A_49 = arith.constant 0 : i32
          %dma_start3A_50 = tpu.memref_slice %arg2[%dma_start3A_48, %dma_start3A_49] : memref<10000x128xf32, #tpu.memory_space<hbm>> -> memref<10000x128xf32, #tpu.memory_space<hbm>>
          tpu.enqueue_indirect_dma source(%dma_start3A_50 : memref<10000x128xf32, #tpu.memory_space<hbm>>) target(%arg10 : memref<128x128xf32, #tpu.memory_space<vmem>>) offsets(%dma_start3A_47 : memref<128xi32, #tpu.memory_space<vmem>>) semaphore(%arg12 : memref<!tpu.dma_semaphore, #tpu.memory_space<semaphore_mem>>)
          %dma_wait3A = arith.constant 0 : i32
          %dma_wait3A_51 = arith.constant 0 : i32
          %dma_wait3A_52 = tpu.memref_slice %arg2[%dma_wait3A, %dma_wait3A_51] : memref<10000x128xf32, #tpu.memory_space<hbm>> -> memref<128x128xf32, #tpu.memory_space<hbm>>
          %dma_wait3A_53 = arith.constant 0 : i32
          %dma_wait3A_54 = arith.constant 0 : i32
          %dma_wait3A_55 = tpu.memref_slice %arg2[%dma_wait3A_53, %dma_wait3A_54] : memref<10000x128xf32, #tpu.memory_space<hbm>> -> memref<128x128xf32, #tpu.memory_space<hbm>>
          tpu.wait_dma2 semaphore(%arg12 : memref<!tpu.dma_semaphore, #tpu.memory_space<semaphore_mem>>) src(%dma_wait3A_55 : memref<128x128xf32, #tpu.memory_space<hbm>>) dst(%arg9 : memref<128x128xf32, #tpu.memory_space<vmem>>)
          "tpu.region"() ({
            %run_scoped3A = tpu.sem_alloc : memref<!tpu.dma_semaphore, #tpu.memory_space<semaphore_mem>>
            %dma_start3A_69 = arith.constant 0 : i32
            %dma_start3A_70 = tpu.memref_slice %arg8[%mul3A_42, %dma_start3A_69] : memref<16x128xi32, #tpu.memory_space<vmem>> -> memref<1x128xi32, #tpu.memory_space<vmem>>
            %dma_start3A_71 = tpu.memref_squeeze %dma_start3A_70 : memref<1x128xi32, #tpu.memory_space<vmem>> -> memref<128xi32, #tpu.memory_space<vmem>>
            %dma_start3A_72 = arith.constant 0 : i32
            %dma_start3A_73 = arith.constant 0 : i32
            %dma_start3A_74 = tpu.memref_slice %arg11[%dma_start3A_72, %dma_start3A_73] : memref<10112x128xf32, #tpu.memory_space<vmem_shared>> -> memref<10112x128xf32, #tpu.memory_space<vmem_shared>>
            tpu.enqueue_indirect_dma source(%arg9 : memref<128x128xf32, #tpu.memory_space<vmem>>) target(%dma_start3A_74 : memref<10112x128xf32, #tpu.memory_space<vmem_shared>>) offsets(%dma_start3A_71 : memref<128xi32, #tpu.memory_space<vmem>>) semaphore(%run_scoped3A : memref<!tpu.dma_semaphore, #tpu.memory_space<semaphore_mem>>) {add = true}
            %dma_wait3A_75 = arith.constant 0 : i32
            %dma_wait3A_76 = tpu.memref_slice %arg8[%mul3A_42, %dma_wait3A_75] : memref<16x128xi32, #tpu.memory_space<vmem>> -> memref<1x128xi32, #tpu.memory_space<vmem>>
            %dma_wait3A_77 = tpu.memref_squeeze %dma_wait3A_76 : memref<1x128xi32, #tpu.memory_space<vmem>> -> memref<128xi32, #tpu.memory_space<vmem>>
            %dma_wait3A_78 = arith.constant 0 : i32
            %dma_wait3A_79 = arith.constant 0 : i32
            %dma_wait3A_80 = tpu.memref_slice %arg11[%dma_wait3A_78, %dma_wait3A_79] : memref<10112x128xf32, #tpu.memory_space<vmem_shared>> -> memref<10112x128xf32, #tpu.memory_space<vmem_shared>>
            tpu.wait_indirect_dma semaphore(%run_scoped3A : memref<!tpu.dma_semaphore, #tpu.memory_space<semaphore_mem>>) src(%arg9 : memref<128x128xf32, #tpu.memory_space<vmem>>) dst(%dma_wait3A_80 : memref<10112x128xf32, #tpu.memory_space<vmem_shared>>)
            tpu.yield
          }) : () -> ()
          %lt3A_56 = arith.constant 3 : i32
          %lt3A_57 = arith.cmpi slt, %scan3A_40, %lt3A_56 : i32
          %convert_element_type3A_58 = arith.extui %lt3A_57 : i1 to i32
          %cond3A_59 = arith.constant 0 : i32
          %cond3A_60 = arith.cmpi ne, %convert_element_type3A_58, %cond3A_59 : i32
          scf.if %cond3A_60 {
            %add3A_69 = arith.constant 2 : i32
            %add3A_70 = arith.addi %mul3A_42, %add3A_69 : i32
            %dma_start3A_71 = arith.constant 0 : i32
            %dma_start3A_72 = tpu.memref_slice %arg7[%add3A_70, %dma_start3A_71] : memref<16x128xi32, #tpu.memory_space<vmem>> -> memref<1x128xi32, #tpu.memory_space<vmem>>
            %dma_start3A_73 = tpu.memref_squeeze %dma_start3A_72 : memref<1x128xi32, #tpu.memory_space<vmem>> -> memref<128xi32, #tpu.memory_space<vmem>>
            %dma_start3A_74 = arith.constant 0 : i32
            %dma_start3A_75 = arith.constant 0 : i32
            %dma_start3A_76 = tpu.memref_slice %arg2[%dma_start3A_74, %dma_start3A_75] : memref<10000x128xf32, #tpu.memory_space<hbm>> -> memref<10000x128xf32, #tpu.memory_space<hbm>>
            tpu.enqueue_indirect_dma source(%dma_start3A_76 : memref<10000x128xf32, #tpu.memory_space<hbm>>) target(%arg9 : memref<128x128xf32, #tpu.memory_space<vmem>>) offsets(%dma_start3A_73 : memref<128xi32, #tpu.memory_space<vmem>>) semaphore(%arg12 : memref<!tpu.dma_semaphore, #tpu.memory_space<semaphore_mem>>)
          } else {
          }
          %dma_wait3A_61 = arith.constant 0 : i32
          %dma_wait3A_62 = arith.constant 0 : i32
          %dma_wait3A_63 = tpu.memref_slice %arg2[%dma_wait3A_61, %dma_wait3A_62] : memref<10000x128xf32, #tpu.memory_space<hbm>> -> memref<128x128xf32, #tpu.memory_space<hbm>>
          %dma_wait3A_64 = arith.constant 0 : i32
          %dma_wait3A_65 = arith.constant 0 : i32
          %dma_wait3A_66 = tpu.memref_slice %arg2[%dma_wait3A_64, %dma_wait3A_65] : memref<10000x128xf32, #tpu.memory_space<hbm>> -> memref<128x128xf32, #tpu.memory_space<hbm>>
          tpu.wait_dma2 semaphore(%arg12 : memref<!tpu.dma_semaphore, #tpu.memory_space<semaphore_mem>>) src(%dma_wait3A_66 : memref<128x128xf32, #tpu.memory_space<hbm>>) dst(%arg10 : memref<128x128xf32, #tpu.memory_space<vmem>>)
          %add3A_67 = arith.constant 1 : i32
          %add3A_68 = arith.addi %mul3A_42, %add3A_67 : i32
          "tpu.region"() ({
            %run_scoped3A = tpu.sem_alloc : memref<!tpu.dma_semaphore, #tpu.memory_space<semaphore_mem>>
            %dma_start3A_69 = arith.constant 0 : i32
            %dma_start3A_70 = tpu.memref_slice %arg8[%add3A_68, %dma_start3A_69] : memref<16x128xi32, #tpu.memory_space<vmem>> -> memref<1x128xi32, #tpu.memory_space<vmem>>
            %dma_start3A_71 = tpu.memref_squeeze %dma_start3A_70 : memref<1x128xi32, #tpu.memory_space<vmem>> -> memref<128xi32, #tpu.memory_space<vmem>>
            %dma_start3A_72 = arith.constant 0 : i32
            %dma_start3A_73 = arith.constant 0 : i32
            %dma_start3A_74 = tpu.memref_slice %arg11[%dma_start3A_72, %dma_start3A_73] : memref<10112x128xf32, #tpu.memory_space<vmem_shared>> -> memref<10112x128xf32, #tpu.memory_space<vmem_shared>>
            tpu.enqueue_indirect_dma source(%arg10 : memref<128x128xf32, #tpu.memory_space<vmem>>) target(%dma_start3A_74 : memref<10112x128xf32, #tpu.memory_space<vmem_shared>>) offsets(%dma_start3A_71 : memref<128xi32, #tpu.memory_space<vmem>>) semaphore(%run_scoped3A : memref<!tpu.dma_semaphore, #tpu.memory_space<semaphore_mem>>) {add = true}
            %dma_wait3A_75 = arith.constant 0 : i32
            %dma_wait3A_76 = tpu.memref_slice %arg8[%add3A_68, %dma_wait3A_75] : memref<16x128xi32, #tpu.memory_space<vmem>> -> memref<1x128xi32, #tpu.memory_space<vmem>>
            %dma_wait3A_77 = tpu.memref_squeeze %dma_wait3A_76 : memref<1x128xi32, #tpu.memory_space<vmem>> -> memref<128xi32, #tpu.memory_space<vmem>>
            %dma_wait3A_78 = arith.constant 0 : i32
            %dma_wait3A_79 = arith.constant 0 : i32
            %dma_wait3A_80 = tpu.memref_slice %arg11[%dma_wait3A_78, %dma_wait3A_79] : memref<10112x128xf32, #tpu.memory_space<vmem_shared>> -> memref<10112x128xf32, #tpu.memory_space<vmem_shared>>
            tpu.wait_indirect_dma semaphore(%run_scoped3A : memref<!tpu.dma_semaphore, #tpu.memory_space<semaphore_mem>>) src(%arg10 : memref<128x128xf32, #tpu.memory_space<vmem>>) dst(%dma_wait3A_80 : memref<10112x128xf32, #tpu.memory_space<vmem_shared>>)
            tpu.yield
          }) : () -> ()
        }
        %scan3A_39 = arith.constant 4 : i32
      } else {
      }
    }
    %scan3A_7 = arith.constant 9 : i32
    %barrier3A_8 = arith.constant 0 : index
    tpu.barrier barrier_id(%barrier3A_8)
    %mul3A_9 = arith.constant 632 : i32
    %mul3A_10 = arith.muli %arg1, %mul3A_9 : i32
    %mul3A_11 = arith.constant 632 : i32
    %mul3A_12 = arith.muli %arg1, %mul3A_11 : i32
    "tpu.region"() ({
      %run_scoped3A = tpu.sem_alloc : memref<!tpu.dma_semaphore, #tpu.memory_space<semaphore_mem>>
      %dma_start3A = arith.constant 0 : i32
      %dma_start3A_13 = arith.constant 0 : i32
      %dma_start3A_14 = tpu.memref_slice %arg6[%arg0, %dma_start3A, %dma_start3A_13] : memref<2x10112x128xf32, #tpu.memory_space<hbm>> -> memref<1x10112x128xf32, #tpu.memory_space<hbm>>
      %dma_start3A_15 = tpu.memref_squeeze %dma_start3A_14 : memref<1x10112x128xf32, #tpu.memory_space<hbm>> -> memref<10112x128xf32, #tpu.memory_space<hbm>>
      %dma_start3A_16 = arith.constant 0 : i32
      %dma_start3A_17 = tpu.memref_slice %dma_start3A_15[%mul3A_12, %dma_start3A_16] : memref<10112x128xf32, #tpu.memory_space<hbm>> -> memref<632x128xf32, #tpu.memory_space<hbm>>
      %dma_start3A_18 = arith.constant 0 : i32
      %dma_start3A_19 = tpu.memref_slice %arg11[%mul3A_10, %dma_start3A_18] : memref<10112x128xf32, #tpu.memory_space<vmem_shared>> -> memref<632x128xf32, #tpu.memory_space<vmem_shared>>
      tpu.enqueue_dma source(%dma_start3A_19 : memref<632x128xf32, #tpu.memory_space<vmem_shared>>) target(%dma_start3A_17 : memref<632x128xf32, #tpu.memory_space<hbm>>) target_semaphore(%run_scoped3A : memref<!tpu.dma_semaphore, #tpu.memory_space<semaphore_mem>>)
      %dma_wait3A = arith.constant 0 : i32
      %dma_wait3A_20 = arith.constant 0 : i32
      %dma_wait3A_21 = tpu.memref_slice %arg6[%arg0, %dma_wait3A, %dma_wait3A_20] : memref<2x10112x128xf32, #tpu.memory_space<hbm>> -> memref<1x10112x128xf32, #tpu.memory_space<hbm>>
      %dma_wait3A_22 = tpu.memref_squeeze %dma_wait3A_21 : memref<1x10112x128xf32, #tpu.memory_space<hbm>> -> memref<10112x128xf32, #tpu.memory_space<hbm>>
      %dma_wait3A_23 = arith.constant 0 : i32
      %dma_wait3A_24 = tpu.memref_slice %dma_wait3A_22[%mul3A_12, %dma_wait3A_23] : memref<10112x128xf32, #tpu.memory_space<hbm>> -> memref<632x128xf32, #tpu.memory_space<hbm>>
      %dma_wait3A_25 = arith.constant 0 : i32
      %dma_wait3A_26 = tpu.memref_slice %arg11[%mul3A_10, %dma_wait3A_25] : memref<10112x128xf32, #tpu.memory_space<vmem_shared>> -> memref<632x128xf32, #tpu.memory_space<vmem_shared>>
      tpu.wait_dma2 semaphore(%run_scoped3A : memref<!tpu.dma_semaphore, #tpu.memory_space<semaphore_mem>>) src(%dma_wait3A_26 : memref<632x128xf32, #tpu.memory_space<vmem_shared>>) dst(%dma_wait3A_24 : memref<632x128xf32, #tpu.memory_space<hbm>>)
      tpu.yield
    }) : () -> ()
    return
  }
}

#map = affine_map<(d0, d1) -> (0, 0)>
#map1 = affine_map<(d0, d1) -> (0, 0, 0)>
module attributes {stable_mosaic.version = 14 : i64} {
  func.func @_sc_agg(%arg0: i32, %arg1: i32, %arg2: memref<10000x128xf32, #tpu.memory_space<hbm>>, %arg3: memref<2560x128xi32, #tpu.memory_space<hbm>>, %arg4: memref<2560x128xi32, #tpu.memory_space<hbm>>, %arg5: memref<10112x128xf32, #tpu.memory_space<hbm>>, %arg6: memref<2x10112x128xf32, #tpu.memory_space<hbm>>, %arg7: memref<16x128xi32, #tpu.memory_space<vmem>>, %arg8: memref<16x128xi32, #tpu.memory_space<vmem>>, %arg9: memref<128x128xf32, #tpu.memory_space<vmem>>, %arg10: memref<128x128xf32, #tpu.memory_space<vmem>>, %arg11: memref<10112x128xf32, #tpu.memory_space<vmem_shared>>, %arg12: memref<!tpu.dma_semaphore, #tpu.memory_space<semaphore_mem>>) attributes {dimension_semantics = [#tpu.dimension_semantics<core_parallel>, #tpu.dimension_semantics<subcore_parallel>], iteration_bounds = array<i64: 2, 16>, scalar_prefetch = 0 : i64, scratch_operands = 6 : i64, tpu.core_type = #tpu.core_type<sc_vector_subcore>, window_params = [{transform_indices = #map}, {transform_indices = #map}, {transform_indices = #map}, {transform_indices = #map}, {transform_indices = #map1}]} {
    %mul3A = arith.constant 632 : i32
    %mul3A_0 = arith.muli %arg1, %mul3A : i32
    %mul3A_1 = arith.constant 632 : i32
    %mul3A_2 = arith.muli %arg1, %mul3A_1 : i32
    "tpu.region"() ({
      %run_scoped3A = tpu.sem_alloc : memref<!tpu.dma_semaphore, #tpu.memory_space<semaphore_mem>>
      %dma_start3A = arith.constant 0 : i32
      %dma_start3A_13 = tpu.memref_slice %arg11[%mul3A_2, %dma_start3A] : memref<10112x128xf32, #tpu.memory_space<vmem_shared>> -> memref<632x128xf32, #tpu.memory_space<vmem_shared>>
      %dma_start3A_14 = arith.constant 0 : i32
      %dma_start3A_15 = tpu.memref_slice %arg5[%mul3A_0, %dma_start3A_14] : memref<10112x128xf32, #tpu.memory_space<hbm>> -> memref<632x128xf32, #tpu.memory_space<hbm>>
      tpu.enqueue_dma source(%dma_start3A_15 : memref<632x128xf32, #tpu.memory_space<hbm>>) target(%dma_start3A_13 : memref<632x128xf32, #tpu.memory_space<vmem_shared>>) target_semaphore(%run_scoped3A : memref<!tpu.dma_semaphore, #tpu.memory_space<semaphore_mem>>)
      %dma_wait3A = arith.constant 0 : i32
      %dma_wait3A_16 = tpu.memref_slice %arg11[%mul3A_2, %dma_wait3A] : memref<10112x128xf32, #tpu.memory_space<vmem_shared>> -> memref<632x128xf32, #tpu.memory_space<vmem_shared>>
      %dma_wait3A_17 = arith.constant 0 : i32
      %dma_wait3A_18 = tpu.memref_slice %arg5[%mul3A_0, %dma_wait3A_17] : memref<10112x128xf32, #tpu.memory_space<hbm>> -> memref<632x128xf32, #tpu.memory_space<hbm>>
      tpu.wait_dma2 semaphore(%run_scoped3A : memref<!tpu.dma_semaphore, #tpu.memory_space<semaphore_mem>>) src(%dma_wait3A_18 : memref<632x128xf32, #tpu.memory_space<hbm>>) dst(%dma_wait3A_16 : memref<632x128xf32, #tpu.memory_space<vmem_shared>>)
      tpu.yield
    }) : () -> ()
    %barrier3A = arith.constant 0 : index
    tpu.barrier barrier_id(%barrier3A)
    %scan3A = arith.constant 0 : i32
    %scan3A_3 = arith.constant 0 : i32
    %scan3A_4 = arith.constant 9 : i32
    %scan3A_5 = arith.addi %scan3A_3, %scan3A_4 : i32
    %scan3A_6 = arith.constant 1 : i32
    scf.for %scan3A_13 = %scan3A_3 to %scan3A_5 step %scan3A_6  : i32 {
      %eq3A = arith.constant 0 : i32
      %eq3A_14 = arith.cmpi eq, %arg0, %eq3A : i32
      %convert_element_type3A = arith.extui %eq3A_14 : i1 to i32
      %cond3A = arith.constant 0 : i32
      %cond3A_15 = arith.cmpi ne, %convert_element_type3A, %cond3A : i32
      scf.if %cond3A_15 {
        %mul3A_22 = arith.constant 144 : i32
        %mul3A_23 = arith.muli %arg1, %mul3A_22 : i32
        %mul3A_24 = arith.constant 16 : i32
        %mul3A_25 = arith.muli %scan3A_13, %mul3A_24 : i32
        %add3A = arith.addi %mul3A_23, %mul3A_25 : i32
        %multiple_of3A = tpu.assume_multiple %add3A, 8 : i32
        "tpu.region"() ({
          %run_scoped3A = tpu.sem_alloc : memref<!tpu.dma_semaphore, #tpu.memory_space<semaphore_mem>>
          %dma_start3A_38 = arith.constant 0 : i32
          %dma_start3A_39 = tpu.memref_slice %arg3[%multiple_of3A, %dma_start3A_38] : memref<2560x128xi32, #tpu.memory_space<hbm>> -> memref<16x128xi32, #tpu.memory_space<hbm>>
          %dma_start3A_40 = arith.constant 0 : i32
          %dma_start3A_41 = tpu.memref_slice %arg3[%multiple_of3A, %dma_start3A_40] : memref<2560x128xi32, #tpu.memory_space<hbm>> -> memref<16x128xi32, #tpu.memory_space<hbm>>
          tpu.enqueue_dma source(%dma_start3A_41 : memref<16x128xi32, #tpu.memory_space<hbm>>) target(%arg7 : memref<16x128xi32, #tpu.memory_space<vmem>>) target_semaphore(%run_scoped3A : memref<!tpu.dma_semaphore, #tpu.memory_space<semaphore_mem>>)
          %dma_wait3A = arith.constant 0 : i32
          %dma_wait3A_42 = tpu.memref_slice %arg3[%multiple_of3A, %dma_wait3A] : memref<2560x128xi32, #tpu.memory_space<hbm>> -> memref<16x128xi32, #tpu.memory_space<hbm>>
          %dma_wait3A_43 = arith.constant 0 : i32
          %dma_wait3A_44 = tpu.memref_slice %arg3[%multiple_of3A, %dma_wait3A_43] : memref<2560x128xi32, #tpu.memory_space<hbm>> -> memref<16x128xi32, #tpu.memory_space<hbm>>
          tpu.wait_dma2 semaphore(%run_scoped3A : memref<!tpu.dma_semaphore, #tpu.memory_space<semaphore_mem>>) src(%dma_wait3A_44 : memref<16x128xi32, #tpu.memory_space<hbm>>) dst(%arg7 : memref<16x128xi32, #tpu.memory_space<vmem>>)
          tpu.yield
        }) : () -> ()
        "tpu.region"() ({
          %run_scoped3A = tpu.sem_alloc : memref<!tpu.dma_semaphore, #tpu.memory_space<semaphore_mem>>
          %dma_start3A_38 = arith.constant 0 : i32
          %dma_start3A_39 = tpu.memref_slice %arg4[%multiple_of3A, %dma_start3A_38] : memref<2560x128xi32, #tpu.memory_space<hbm>> -> memref<16x128xi32, #tpu.memory_space<hbm>>
          %dma_start3A_40 = arith.constant 0 : i32
          %dma_start3A_41 = tpu.memref_slice %arg4[%multiple_of3A, %dma_start3A_40] : memref<2560x128xi32, #tpu.memory_space<hbm>> -> memref<16x128xi32, #tpu.memory_space<hbm>>
          tpu.enqueue_dma source(%dma_start3A_41 : memref<16x128xi32, #tpu.memory_space<hbm>>) target(%arg8 : memref<16x128xi32, #tpu.memory_space<vmem>>) target_semaphore(%run_scoped3A : memref<!tpu.dma_semaphore, #tpu.memory_space<semaphore_mem>>)
          %dma_wait3A = arith.constant 0 : i32
          %dma_wait3A_42 = tpu.memref_slice %arg4[%multiple_of3A, %dma_wait3A] : memref<2560x128xi32, #tpu.memory_space<hbm>> -> memref<16x128xi32, #tpu.memory_space<hbm>>
          %dma_wait3A_43 = arith.constant 0 : i32
          %dma_wait3A_44 = tpu.memref_slice %arg4[%multiple_of3A, %dma_wait3A_43] : memref<2560x128xi32, #tpu.memory_space<hbm>> -> memref<16x128xi32, #tpu.memory_space<hbm>>
          tpu.wait_dma2 semaphore(%run_scoped3A : memref<!tpu.dma_semaphore, #tpu.memory_space<semaphore_mem>>) src(%dma_wait3A_44 : memref<16x128xi32, #tpu.memory_space<hbm>>) dst(%arg8 : memref<16x128xi32, #tpu.memory_space<vmem>>)
          tpu.yield
        }) : () -> ()
        %dma_start3A = arith.constant 0 : i32
        %dma_start3A_26 = arith.constant 0 : i32
        %dma_start3A_27 = tpu.memref_slice %arg7[%dma_start3A, %dma_start3A_26] : memref<16x128xi32, #tpu.memory_space<vmem>> -> memref<1x128xi32, #tpu.memory_space<vmem>>
        %dma_start3A_28 = tpu.memref_squeeze %dma_start3A_27 : memref<1x128xi32, #tpu.memory_space<vmem>> -> memref<128xi32, #tpu.memory_space<vmem>>
        %dma_start3A_29 = arith.constant 0 : i32
        %dma_start3A_30 = arith.constant 0 : i32
        %dma_start3A_31 = tpu.memref_slice %arg2[%dma_start3A_29, %dma_start3A_30] : memref<10000x128xf32, #tpu.memory_space<hbm>> -> memref<10000x128xf32, #tpu.memory_space<hbm>>
        tpu.enqueue_indirect_dma source(%dma_start3A_31 : memref<10000x128xf32, #tpu.memory_space<hbm>>) target(%arg9 : memref<128x128xf32, #tpu.memory_space<vmem>>) offsets(%dma_start3A_28 : memref<128xi32, #tpu.memory_space<vmem>>) semaphore(%arg12 : memref<!tpu.dma_semaphore, #tpu.memory_space<semaphore_mem>>)
        %scan3A_32 = arith.constant 0 : i32
        %scan3A_33 = arith.constant 0 : i32
        %scan3A_34 = arith.constant 8 : i32
        %scan3A_35 = arith.addi %scan3A_33, %scan3A_34 : i32
        %scan3A_36 = arith.constant 1 : i32
        scf.for %scan3A_38 = %scan3A_33 to %scan3A_35 step %scan3A_36  : i32 {
          %mul3A_39 = arith.constant 2 : i32
          %mul3A_40 = arith.muli %mul3A_39, %scan3A_38 : i32
          %add3A_41 = arith.constant 1 : i32
          %add3A_42 = arith.addi %mul3A_40, %add3A_41 : i32
          %dma_start3A_43 = arith.constant 0 : i32
          %dma_start3A_44 = tpu.memref_slice %arg7[%add3A_42, %dma_start3A_43] : memref<16x128xi32, #tpu.memory_space<vmem>> -> memref<1x128xi32, #tpu.memory_space<vmem>>
          %dma_start3A_45 = tpu.memref_squeeze %dma_start3A_44 : memref<1x128xi32, #tpu.memory_space<vmem>> -> memref<128xi32, #tpu.memory_space<vmem>>
          %dma_start3A_46 = arith.constant 0 : i32
          %dma_start3A_47 = arith.constant 0 : i32
          %dma_start3A_48 = tpu.memref_slice %arg2[%dma_start3A_46, %dma_start3A_47] : memref<10000x128xf32, #tpu.memory_space<hbm>> -> memref<10000x128xf32, #tpu.memory_space<hbm>>
          tpu.enqueue_indirect_dma source(%dma_start3A_48 : memref<10000x128xf32, #tpu.memory_space<hbm>>) target(%arg10 : memref<128x128xf32, #tpu.memory_space<vmem>>) offsets(%dma_start3A_45 : memref<128xi32, #tpu.memory_space<vmem>>) semaphore(%arg12 : memref<!tpu.dma_semaphore, #tpu.memory_space<semaphore_mem>>)
          %dma_wait3A = arith.constant 0 : i32
          %dma_wait3A_49 = arith.constant 0 : i32
          %dma_wait3A_50 = tpu.memref_slice %arg2[%dma_wait3A, %dma_wait3A_49] : memref<10000x128xf32, #tpu.memory_space<hbm>> -> memref<128x128xf32, #tpu.memory_space<hbm>>
          %dma_wait3A_51 = arith.constant 0 : i32
          %dma_wait3A_52 = arith.constant 0 : i32
          %dma_wait3A_53 = tpu.memref_slice %arg2[%dma_wait3A_51, %dma_wait3A_52] : memref<10000x128xf32, #tpu.memory_space<hbm>> -> memref<128x128xf32, #tpu.memory_space<hbm>>
          tpu.wait_dma2 semaphore(%arg12 : memref<!tpu.dma_semaphore, #tpu.memory_space<semaphore_mem>>) src(%dma_wait3A_53 : memref<128x128xf32, #tpu.memory_space<hbm>>) dst(%arg9 : memref<128x128xf32, #tpu.memory_space<vmem>>)
          "tpu.region"() ({
            %run_scoped3A = tpu.sem_alloc : memref<!tpu.dma_semaphore, #tpu.memory_space<semaphore_mem>>
            %dma_start3A_67 = arith.constant 0 : i32
            %dma_start3A_68 = tpu.memref_slice %arg8[%mul3A_40, %dma_start3A_67] : memref<16x128xi32, #tpu.memory_space<vmem>> -> memref<1x128xi32, #tpu.memory_space<vmem>>
            %dma_start3A_69 = tpu.memref_squeeze %dma_start3A_68 : memref<1x128xi32, #tpu.memory_space<vmem>> -> memref<128xi32, #tpu.memory_space<vmem>>
            %dma_start3A_70 = arith.constant 0 : i32
            %dma_start3A_71 = arith.constant 0 : i32
            %dma_start3A_72 = tpu.memref_slice %arg11[%dma_start3A_70, %dma_start3A_71] : memref<10112x128xf32, #tpu.memory_space<vmem_shared>> -> memref<10112x128xf32, #tpu.memory_space<vmem_shared>>
            tpu.enqueue_indirect_dma source(%arg9 : memref<128x128xf32, #tpu.memory_space<vmem>>) target(%dma_start3A_72 : memref<10112x128xf32, #tpu.memory_space<vmem_shared>>) offsets(%dma_start3A_69 : memref<128xi32, #tpu.memory_space<vmem>>) semaphore(%run_scoped3A : memref<!tpu.dma_semaphore, #tpu.memory_space<semaphore_mem>>) {add = true}
            %dma_wait3A_73 = arith.constant 0 : i32
            %dma_wait3A_74 = tpu.memref_slice %arg8[%mul3A_40, %dma_wait3A_73] : memref<16x128xi32, #tpu.memory_space<vmem>> -> memref<1x128xi32, #tpu.memory_space<vmem>>
            %dma_wait3A_75 = tpu.memref_squeeze %dma_wait3A_74 : memref<1x128xi32, #tpu.memory_space<vmem>> -> memref<128xi32, #tpu.memory_space<vmem>>
            %dma_wait3A_76 = arith.constant 0 : i32
            %dma_wait3A_77 = arith.constant 0 : i32
            %dma_wait3A_78 = tpu.memref_slice %arg11[%dma_wait3A_76, %dma_wait3A_77] : memref<10112x128xf32, #tpu.memory_space<vmem_shared>> -> memref<10112x128xf32, #tpu.memory_space<vmem_shared>>
            tpu.wait_indirect_dma semaphore(%run_scoped3A : memref<!tpu.dma_semaphore, #tpu.memory_space<semaphore_mem>>) src(%arg9 : memref<128x128xf32, #tpu.memory_space<vmem>>) dst(%dma_wait3A_78 : memref<10112x128xf32, #tpu.memory_space<vmem_shared>>)
            tpu.yield
          }) : () -> ()
          %lt3A_54 = arith.constant 7 : i32
          %lt3A_55 = arith.cmpi slt, %scan3A_38, %lt3A_54 : i32
          %convert_element_type3A_56 = arith.extui %lt3A_55 : i1 to i32
          %cond3A_57 = arith.constant 0 : i32
          %cond3A_58 = arith.cmpi ne, %convert_element_type3A_56, %cond3A_57 : i32
          scf.if %cond3A_58 {
            %add3A_67 = arith.constant 2 : i32
            %add3A_68 = arith.addi %mul3A_40, %add3A_67 : i32
            %dma_start3A_69 = arith.constant 0 : i32
            %dma_start3A_70 = tpu.memref_slice %arg7[%add3A_68, %dma_start3A_69] : memref<16x128xi32, #tpu.memory_space<vmem>> -> memref<1x128xi32, #tpu.memory_space<vmem>>
            %dma_start3A_71 = tpu.memref_squeeze %dma_start3A_70 : memref<1x128xi32, #tpu.memory_space<vmem>> -> memref<128xi32, #tpu.memory_space<vmem>>
            %dma_start3A_72 = arith.constant 0 : i32
            %dma_start3A_73 = arith.constant 0 : i32
            %dma_start3A_74 = tpu.memref_slice %arg2[%dma_start3A_72, %dma_start3A_73] : memref<10000x128xf32, #tpu.memory_space<hbm>> -> memref<10000x128xf32, #tpu.memory_space<hbm>>
            tpu.enqueue_indirect_dma source(%dma_start3A_74 : memref<10000x128xf32, #tpu.memory_space<hbm>>) target(%arg9 : memref<128x128xf32, #tpu.memory_space<vmem>>) offsets(%dma_start3A_71 : memref<128xi32, #tpu.memory_space<vmem>>) semaphore(%arg12 : memref<!tpu.dma_semaphore, #tpu.memory_space<semaphore_mem>>)
          } else {
          }
          %dma_wait3A_59 = arith.constant 0 : i32
          %dma_wait3A_60 = arith.constant 0 : i32
          %dma_wait3A_61 = tpu.memref_slice %arg2[%dma_wait3A_59, %dma_wait3A_60] : memref<10000x128xf32, #tpu.memory_space<hbm>> -> memref<128x128xf32, #tpu.memory_space<hbm>>
          %dma_wait3A_62 = arith.constant 0 : i32
          %dma_wait3A_63 = arith.constant 0 : i32
          %dma_wait3A_64 = tpu.memref_slice %arg2[%dma_wait3A_62, %dma_wait3A_63] : memref<10000x128xf32, #tpu.memory_space<hbm>> -> memref<128x128xf32, #tpu.memory_space<hbm>>
          tpu.wait_dma2 semaphore(%arg12 : memref<!tpu.dma_semaphore, #tpu.memory_space<semaphore_mem>>) src(%dma_wait3A_64 : memref<128x128xf32, #tpu.memory_space<hbm>>) dst(%arg10 : memref<128x128xf32, #tpu.memory_space<vmem>>)
          %add3A_65 = arith.constant 1 : i32
          %add3A_66 = arith.addi %mul3A_40, %add3A_65 : i32
          "tpu.region"() ({
            %run_scoped3A = tpu.sem_alloc : memref<!tpu.dma_semaphore, #tpu.memory_space<semaphore_mem>>
            %dma_start3A_67 = arith.constant 0 : i32
            %dma_start3A_68 = tpu.memref_slice %arg8[%add3A_66, %dma_start3A_67] : memref<16x128xi32, #tpu.memory_space<vmem>> -> memref<1x128xi32, #tpu.memory_space<vmem>>
            %dma_start3A_69 = tpu.memref_squeeze %dma_start3A_68 : memref<1x128xi32, #tpu.memory_space<vmem>> -> memref<128xi32, #tpu.memory_space<vmem>>
            %dma_start3A_70 = arith.constant 0 : i32
            %dma_start3A_71 = arith.constant 0 : i32
            %dma_start3A_72 = tpu.memref_slice %arg11[%dma_start3A_70, %dma_start3A_71] : memref<10112x128xf32, #tpu.memory_space<vmem_shared>> -> memref<10112x128xf32, #tpu.memory_space<vmem_shared>>
            tpu.enqueue_indirect_dma source(%arg10 : memref<128x128xf32, #tpu.memory_space<vmem>>) target(%dma_start3A_72 : memref<10112x128xf32, #tpu.memory_space<vmem_shared>>) offsets(%dma_start3A_69 : memref<128xi32, #tpu.memory_space<vmem>>) semaphore(%run_scoped3A : memref<!tpu.dma_semaphore, #tpu.memory_space<semaphore_mem>>) {add = true}
            %dma_wait3A_73 = arith.constant 0 : i32
            %dma_wait3A_74 = tpu.memref_slice %arg8[%add3A_66, %dma_wait3A_73] : memref<16x128xi32, #tpu.memory_space<vmem>> -> memref<1x128xi32, #tpu.memory_space<vmem>>
            %dma_wait3A_75 = tpu.memref_squeeze %dma_wait3A_74 : memref<1x128xi32, #tpu.memory_space<vmem>> -> memref<128xi32, #tpu.memory_space<vmem>>
            %dma_wait3A_76 = arith.constant 0 : i32
            %dma_wait3A_77 = arith.constant 0 : i32
            %dma_wait3A_78 = tpu.memref_slice %arg11[%dma_wait3A_76, %dma_wait3A_77] : memref<10112x128xf32, #tpu.memory_space<vmem_shared>> -> memref<10112x128xf32, #tpu.memory_space<vmem_shared>>
            tpu.wait_indirect_dma semaphore(%run_scoped3A : memref<!tpu.dma_semaphore, #tpu.memory_space<semaphore_mem>>) src(%arg10 : memref<128x128xf32, #tpu.memory_space<vmem>>) dst(%dma_wait3A_78 : memref<10112x128xf32, #tpu.memory_space<vmem_shared>>)
            tpu.yield
          }) : () -> ()
        }
        %scan3A_37 = arith.constant 8 : i32
      } else {
      }
      %eq3A_16 = arith.constant 1 : i32
      %eq3A_17 = arith.cmpi eq, %arg0, %eq3A_16 : i32
      %lt3A = arith.constant 2 : i32
      %lt3A_18 = arith.cmpi slt, %scan3A_13, %lt3A : i32
      %and3A = arith.andi %eq3A_17, %lt3A_18 : i1
      %convert_element_type3A_19 = arith.extui %and3A : i1 to i32
      %cond3A_20 = arith.constant 0 : i32
      %cond3A_21 = arith.cmpi ne, %convert_element_type3A_19, %cond3A_20 : i32
      scf.if %cond3A_21 {
        %mul3A_22 = arith.constant 16 : i32
        %mul3A_23 = arith.muli %arg1, %mul3A_22 : i32
        %add3A = arith.constant 2304 : i32
        %add3A_24 = arith.addi %add3A, %mul3A_23 : i32
        %mul3A_25 = arith.constant 8 : i32
        %mul3A_26 = arith.muli %scan3A_13, %mul3A_25 : i32
        %add3A_27 = arith.addi %add3A_24, %mul3A_26 : i32
        %multiple_of3A = tpu.assume_multiple %add3A_27, 8 : i32
        "tpu.region"() ({
          %run_scoped3A = tpu.sem_alloc : memref<!tpu.dma_semaphore, #tpu.memory_space<semaphore_mem>>
          %dma_start3A_40 = arith.constant 0 : i32
          %dma_start3A_41 = arith.constant 0 : i32
          %dma_start3A_42 = tpu.memref_slice %arg7[%dma_start3A_40, %dma_start3A_41] : memref<16x128xi32, #tpu.memory_space<vmem>> -> memref<8x128xi32, #tpu.memory_space<vmem>>
          %dma_start3A_43 = arith.constant 0 : i32
          %dma_start3A_44 = tpu.memref_slice %arg3[%multiple_of3A, %dma_start3A_43] : memref<2560x128xi32, #tpu.memory_space<hbm>> -> memref<8x128xi32, #tpu.memory_space<hbm>>
          %dma_start3A_45 = arith.constant 0 : i32
          %dma_start3A_46 = arith.constant 0 : i32
          %dma_start3A_47 = tpu.memref_slice %arg7[%dma_start3A_45, %dma_start3A_46] : memref<16x128xi32, #tpu.memory_space<vmem>> -> memref<8x128xi32, #tpu.memory_space<vmem>>
          %dma_start3A_48 = arith.constant 0 : i32
          %dma_start3A_49 = tpu.memref_slice %arg3[%multiple_of3A, %dma_start3A_48] : memref<2560x128xi32, #tpu.memory_space<hbm>> -> memref<8x128xi32, #tpu.memory_space<hbm>>
          tpu.enqueue_dma source(%dma_start3A_49 : memref<8x128xi32, #tpu.memory_space<hbm>>) target(%dma_start3A_47 : memref<8x128xi32, #tpu.memory_space<vmem>>) target_semaphore(%run_scoped3A : memref<!tpu.dma_semaphore, #tpu.memory_space<semaphore_mem>>)
          %dma_wait3A = arith.constant 0 : i32
          %dma_wait3A_50 = arith.constant 0 : i32
          %dma_wait3A_51 = tpu.memref_slice %arg7[%dma_wait3A, %dma_wait3A_50] : memref<16x128xi32, #tpu.memory_space<vmem>> -> memref<8x128xi32, #tpu.memory_space<vmem>>
          %dma_wait3A_52 = arith.constant 0 : i32
          %dma_wait3A_53 = tpu.memref_slice %arg3[%multiple_of3A, %dma_wait3A_52] : memref<2560x128xi32, #tpu.memory_space<hbm>> -> memref<8x128xi32, #tpu.memory_space<hbm>>
          %dma_wait3A_54 = arith.constant 0 : i32
          %dma_wait3A_55 = arith.constant 0 : i32
          %dma_wait3A_56 = tpu.memref_slice %arg7[%dma_wait3A_54, %dma_wait3A_55] : memref<16x128xi32, #tpu.memory_space<vmem>> -> memref<8x128xi32, #tpu.memory_space<vmem>>
          %dma_wait3A_57 = arith.constant 0 : i32
          %dma_wait3A_58 = tpu.memref_slice %arg3[%multiple_of3A, %dma_wait3A_57] : memref<2560x128xi32, #tpu.memory_space<hbm>> -> memref<8x128xi32, #tpu.memory_space<hbm>>
          tpu.wait_dma2 semaphore(%run_scoped3A : memref<!tpu.dma_semaphore, #tpu.memory_space<semaphore_mem>>) src(%dma_wait3A_58 : memref<8x128xi32, #tpu.memory_space<hbm>>) dst(%dma_wait3A_56 : memref<8x128xi32, #tpu.memory_space<vmem>>)
          tpu.yield
        }) : () -> ()
        "tpu.region"() ({
          %run_scoped3A = tpu.sem_alloc : memref<!tpu.dma_semaphore, #tpu.memory_space<semaphore_mem>>
          %dma_start3A_40 = arith.constant 0 : i32
          %dma_start3A_41 = arith.constant 0 : i32
          %dma_start3A_42 = tpu.memref_slice %arg8[%dma_start3A_40, %dma_start3A_41] : memref<16x128xi32, #tpu.memory_space<vmem>> -> memref<8x128xi32, #tpu.memory_space<vmem>>
          %dma_start3A_43 = arith.constant 0 : i32
          %dma_start3A_44 = tpu.memref_slice %arg4[%multiple_of3A, %dma_start3A_43] : memref<2560x128xi32, #tpu.memory_space<hbm>> -> memref<8x128xi32, #tpu.memory_space<hbm>>
          %dma_start3A_45 = arith.constant 0 : i32
          %dma_start3A_46 = arith.constant 0 : i32
          %dma_start3A_47 = tpu.memref_slice %arg8[%dma_start3A_45, %dma_start3A_46] : memref<16x128xi32, #tpu.memory_space<vmem>> -> memref<8x128xi32, #tpu.memory_space<vmem>>
          %dma_start3A_48 = arith.constant 0 : i32
          %dma_start3A_49 = tpu.memref_slice %arg4[%multiple_of3A, %dma_start3A_48] : memref<2560x128xi32, #tpu.memory_space<hbm>> -> memref<8x128xi32, #tpu.memory_space<hbm>>
          tpu.enqueue_dma source(%dma_start3A_49 : memref<8x128xi32, #tpu.memory_space<hbm>>) target(%dma_start3A_47 : memref<8x128xi32, #tpu.memory_space<vmem>>) target_semaphore(%run_scoped3A : memref<!tpu.dma_semaphore, #tpu.memory_space<semaphore_mem>>)
          %dma_wait3A = arith.constant 0 : i32
          %dma_wait3A_50 = arith.constant 0 : i32
          %dma_wait3A_51 = tpu.memref_slice %arg8[%dma_wait3A, %dma_wait3A_50] : memref<16x128xi32, #tpu.memory_space<vmem>> -> memref<8x128xi32, #tpu.memory_space<vmem>>
          %dma_wait3A_52 = arith.constant 0 : i32
          %dma_wait3A_53 = tpu.memref_slice %arg4[%multiple_of3A, %dma_wait3A_52] : memref<2560x128xi32, #tpu.memory_space<hbm>> -> memref<8x128xi32, #tpu.memory_space<hbm>>
          %dma_wait3A_54 = arith.constant 0 : i32
          %dma_wait3A_55 = arith.constant 0 : i32
          %dma_wait3A_56 = tpu.memref_slice %arg8[%dma_wait3A_54, %dma_wait3A_55] : memref<16x128xi32, #tpu.memory_space<vmem>> -> memref<8x128xi32, #tpu.memory_space<vmem>>
          %dma_wait3A_57 = arith.constant 0 : i32
          %dma_wait3A_58 = tpu.memref_slice %arg4[%multiple_of3A, %dma_wait3A_57] : memref<2560x128xi32, #tpu.memory_space<hbm>> -> memref<8x128xi32, #tpu.memory_space<hbm>>
          tpu.wait_dma2 semaphore(%run_scoped3A : memref<!tpu.dma_semaphore, #tpu.memory_space<semaphore_mem>>) src(%dma_wait3A_58 : memref<8x128xi32, #tpu.memory_space<hbm>>) dst(%dma_wait3A_56 : memref<8x128xi32, #tpu.memory_space<vmem>>)
          tpu.yield
        }) : () -> ()
        %dma_start3A = arith.constant 0 : i32
        %dma_start3A_28 = arith.constant 0 : i32
        %dma_start3A_29 = tpu.memref_slice %arg7[%dma_start3A, %dma_start3A_28] : memref<16x128xi32, #tpu.memory_space<vmem>> -> memref<1x128xi32, #tpu.memory_space<vmem>>
        %dma_start3A_30 = tpu.memref_squeeze %dma_start3A_29 : memref<1x128xi32, #tpu.memory_space<vmem>> -> memref<128xi32, #tpu.memory_space<vmem>>
        %dma_start3A_31 = arith.constant 0 : i32
        %dma_start3A_32 = arith.constant 0 : i32
        %dma_start3A_33 = tpu.memref_slice %arg2[%dma_start3A_31, %dma_start3A_32] : memref<10000x128xf32, #tpu.memory_space<hbm>> -> memref<10000x128xf32, #tpu.memory_space<hbm>>
        tpu.enqueue_indirect_dma source(%dma_start3A_33 : memref<10000x128xf32, #tpu.memory_space<hbm>>) target(%arg9 : memref<128x128xf32, #tpu.memory_space<vmem>>) offsets(%dma_start3A_30 : memref<128xi32, #tpu.memory_space<vmem>>) semaphore(%arg12 : memref<!tpu.dma_semaphore, #tpu.memory_space<semaphore_mem>>)
        %scan3A_34 = arith.constant 0 : i32
        %scan3A_35 = arith.constant 0 : i32
        %scan3A_36 = arith.constant 4 : i32
        %scan3A_37 = arith.addi %scan3A_35, %scan3A_36 : i32
        %scan3A_38 = arith.constant 1 : i32
        scf.for %scan3A_40 = %scan3A_35 to %scan3A_37 step %scan3A_38  : i32 {
          %mul3A_41 = arith.constant 2 : i32
          %mul3A_42 = arith.muli %mul3A_41, %scan3A_40 : i32
          %add3A_43 = arith.constant 1 : i32
          %add3A_44 = arith.addi %mul3A_42, %add3A_43 : i32
          %dma_start3A_45 = arith.constant 0 : i32
          %dma_start3A_46 = tpu.memref_slice %arg7[%add3A_44, %dma_start3A_45] : memref<16x128xi32, #tpu.memory_space<vmem>> -> memref<1x128xi32, #tpu.memory_space<vmem>>
          %dma_start3A_47 = tpu.memref_squeeze %dma_start3A_46 : memref<1x128xi32, #tpu.memory_space<vmem>> -> memref<128xi32, #tpu.memory_space<vmem>>
          %dma_start3A_48 = arith.constant 0 : i32
          %dma_start3A_49 = arith.constant 0 : i32
          %dma_start3A_50 = tpu.memref_slice %arg2[%dma_start3A_48, %dma_start3A_49] : memref<10000x128xf32, #tpu.memory_space<hbm>> -> memref<10000x128xf32, #tpu.memory_space<hbm>>
          tpu.enqueue_indirect_dma source(%dma_start3A_50 : memref<10000x128xf32, #tpu.memory_space<hbm>>) target(%arg10 : memref<128x128xf32, #tpu.memory_space<vmem>>) offsets(%dma_start3A_47 : memref<128xi32, #tpu.memory_space<vmem>>) semaphore(%arg12 : memref<!tpu.dma_semaphore, #tpu.memory_space<semaphore_mem>>)
          %dma_wait3A = arith.constant 0 : i32
          %dma_wait3A_51 = arith.constant 0 : i32
          %dma_wait3A_52 = tpu.memref_slice %arg2[%dma_wait3A, %dma_wait3A_51] : memref<10000x128xf32, #tpu.memory_space<hbm>> -> memref<128x128xf32, #tpu.memory_space<hbm>>
          %dma_wait3A_53 = arith.constant 0 : i32
          %dma_wait3A_54 = arith.constant 0 : i32
          %dma_wait3A_55 = tpu.memref_slice %arg2[%dma_wait3A_53, %dma_wait3A_54] : memref<10000x128xf32, #tpu.memory_space<hbm>> -> memref<128x128xf32, #tpu.memory_space<hbm>>
          tpu.wait_dma2 semaphore(%arg12 : memref<!tpu.dma_semaphore, #tpu.memory_space<semaphore_mem>>) src(%dma_wait3A_55 : memref<128x128xf32, #tpu.memory_space<hbm>>) dst(%arg9 : memref<128x128xf32, #tpu.memory_space<vmem>>)
          "tpu.region"() ({
            %run_scoped3A = tpu.sem_alloc : memref<!tpu.dma_semaphore, #tpu.memory_space<semaphore_mem>>
            %dma_start3A_69 = arith.constant 0 : i32
            %dma_start3A_70 = tpu.memref_slice %arg8[%mul3A_42, %dma_start3A_69] : memref<16x128xi32, #tpu.memory_space<vmem>> -> memref<1x128xi32, #tpu.memory_space<vmem>>
            %dma_start3A_71 = tpu.memref_squeeze %dma_start3A_70 : memref<1x128xi32, #tpu.memory_space<vmem>> -> memref<128xi32, #tpu.memory_space<vmem>>
            %dma_start3A_72 = arith.constant 0 : i32
            %dma_start3A_73 = arith.constant 0 : i32
            %dma_start3A_74 = tpu.memref_slice %arg11[%dma_start3A_72, %dma_start3A_73] : memref<10112x128xf32, #tpu.memory_space<vmem_shared>> -> memref<10112x128xf32, #tpu.memory_space<vmem_shared>>
            tpu.enqueue_indirect_dma source(%arg9 : memref<128x128xf32, #tpu.memory_space<vmem>>) target(%dma_start3A_74 : memref<10112x128xf32, #tpu.memory_space<vmem_shared>>) offsets(%dma_start3A_71 : memref<128xi32, #tpu.memory_space<vmem>>) semaphore(%run_scoped3A : memref<!tpu.dma_semaphore, #tpu.memory_space<semaphore_mem>>) {add = true}
            %dma_wait3A_75 = arith.constant 0 : i32
            %dma_wait3A_76 = tpu.memref_slice %arg8[%mul3A_42, %dma_wait3A_75] : memref<16x128xi32, #tpu.memory_space<vmem>> -> memref<1x128xi32, #tpu.memory_space<vmem>>
            %dma_wait3A_77 = tpu.memref_squeeze %dma_wait3A_76 : memref<1x128xi32, #tpu.memory_space<vmem>> -> memref<128xi32, #tpu.memory_space<vmem>>
            %dma_wait3A_78 = arith.constant 0 : i32
            %dma_wait3A_79 = arith.constant 0 : i32
            %dma_wait3A_80 = tpu.memref_slice %arg11[%dma_wait3A_78, %dma_wait3A_79] : memref<10112x128xf32, #tpu.memory_space<vmem_shared>> -> memref<10112x128xf32, #tpu.memory_space<vmem_shared>>
            tpu.wait_indirect_dma semaphore(%run_scoped3A : memref<!tpu.dma_semaphore, #tpu.memory_space<semaphore_mem>>) src(%arg9 : memref<128x128xf32, #tpu.memory_space<vmem>>) dst(%dma_wait3A_80 : memref<10112x128xf32, #tpu.memory_space<vmem_shared>>)
            tpu.yield
          }) : () -> ()
          %lt3A_56 = arith.constant 3 : i32
          %lt3A_57 = arith.cmpi slt, %scan3A_40, %lt3A_56 : i32
          %convert_element_type3A_58 = arith.extui %lt3A_57 : i1 to i32
          %cond3A_59 = arith.constant 0 : i32
          %cond3A_60 = arith.cmpi ne, %convert_element_type3A_58, %cond3A_59 : i32
          scf.if %cond3A_60 {
            %add3A_69 = arith.constant 2 : i32
            %add3A_70 = arith.addi %mul3A_42, %add3A_69 : i32
            %dma_start3A_71 = arith.constant 0 : i32
            %dma_start3A_72 = tpu.memref_slice %arg7[%add3A_70, %dma_start3A_71] : memref<16x128xi32, #tpu.memory_space<vmem>> -> memref<1x128xi32, #tpu.memory_space<vmem>>
            %dma_start3A_73 = tpu.memref_squeeze %dma_start3A_72 : memref<1x128xi32, #tpu.memory_space<vmem>> -> memref<128xi32, #tpu.memory_space<vmem>>
            %dma_start3A_74 = arith.constant 0 : i32
            %dma_start3A_75 = arith.constant 0 : i32
            %dma_start3A_76 = tpu.memref_slice %arg2[%dma_start3A_74, %dma_start3A_75] : memref<10000x128xf32, #tpu.memory_space<hbm>> -> memref<10000x128xf32, #tpu.memory_space<hbm>>
            tpu.enqueue_indirect_dma source(%dma_start3A_76 : memref<10000x128xf32, #tpu.memory_space<hbm>>) target(%arg9 : memref<128x128xf32, #tpu.memory_space<vmem>>) offsets(%dma_start3A_73 : memref<128xi32, #tpu.memory_space<vmem>>) semaphore(%arg12 : memref<!tpu.dma_semaphore, #tpu.memory_space<semaphore_mem>>)
          } else {
          }
          %dma_wait3A_61 = arith.constant 0 : i32
          %dma_wait3A_62 = arith.constant 0 : i32
          %dma_wait3A_63 = tpu.memref_slice %arg2[%dma_wait3A_61, %dma_wait3A_62] : memref<10000x128xf32, #tpu.memory_space<hbm>> -> memref<128x128xf32, #tpu.memory_space<hbm>>
          %dma_wait3A_64 = arith.constant 0 : i32
          %dma_wait3A_65 = arith.constant 0 : i32
          %dma_wait3A_66 = tpu.memref_slice %arg2[%dma_wait3A_64, %dma_wait3A_65] : memref<10000x128xf32, #tpu.memory_space<hbm>> -> memref<128x128xf32, #tpu.memory_space<hbm>>
          tpu.wait_dma2 semaphore(%arg12 : memref<!tpu.dma_semaphore, #tpu.memory_space<semaphore_mem>>) src(%dma_wait3A_66 : memref<128x128xf32, #tpu.memory_space<hbm>>) dst(%arg10 : memref<128x128xf32, #tpu.memory_space<vmem>>)
          %add3A_67 = arith.constant 1 : i32
          %add3A_68 = arith.addi %mul3A_42, %add3A_67 : i32
          "tpu.region"() ({
            %run_scoped3A = tpu.sem_alloc : memref<!tpu.dma_semaphore, #tpu.memory_space<semaphore_mem>>
            %dma_start3A_69 = arith.constant 0 : i32
            %dma_start3A_70 = tpu.memref_slice %arg8[%add3A_68, %dma_start3A_69] : memref<16x128xi32, #tpu.memory_space<vmem>> -> memref<1x128xi32, #tpu.memory_space<vmem>>
            %dma_start3A_71 = tpu.memref_squeeze %dma_start3A_70 : memref<1x128xi32, #tpu.memory_space<vmem>> -> memref<128xi32, #tpu.memory_space<vmem>>
            %dma_start3A_72 = arith.constant 0 : i32
            %dma_start3A_73 = arith.constant 0 : i32
            %dma_start3A_74 = tpu.memref_slice %arg11[%dma_start3A_72, %dma_start3A_73] : memref<10112x128xf32, #tpu.memory_space<vmem_shared>> -> memref<10112x128xf32, #tpu.memory_space<vmem_shared>>
            tpu.enqueue_indirect_dma source(%arg10 : memref<128x128xf32, #tpu.memory_space<vmem>>) target(%dma_start3A_74 : memref<10112x128xf32, #tpu.memory_space<vmem_shared>>) offsets(%dma_start3A_71 : memref<128xi32, #tpu.memory_space<vmem>>) semaphore(%run_scoped3A : memref<!tpu.dma_semaphore, #tpu.memory_space<semaphore_mem>>) {add = true}
            %dma_wait3A_75 = arith.constant 0 : i32
            %dma_wait3A_76 = tpu.memref_slice %arg8[%add3A_68, %dma_wait3A_75] : memref<16x128xi32, #tpu.memory_space<vmem>> -> memref<1x128xi32, #tpu.memory_space<vmem>>
            %dma_wait3A_77 = tpu.memref_squeeze %dma_wait3A_76 : memref<1x128xi32, #tpu.memory_space<vmem>> -> memref<128xi32, #tpu.memory_space<vmem>>
            %dma_wait3A_78 = arith.constant 0 : i32
            %dma_wait3A_79 = arith.constant 0 : i32
            %dma_wait3A_80 = tpu.memref_slice %arg11[%dma_wait3A_78, %dma_wait3A_79] : memref<10112x128xf32, #tpu.memory_space<vmem_shared>> -> memref<10112x128xf32, #tpu.memory_space<vmem_shared>>
            tpu.wait_indirect_dma semaphore(%run_scoped3A : memref<!tpu.dma_semaphore, #tpu.memory_space<semaphore_mem>>) src(%arg10 : memref<128x128xf32, #tpu.memory_space<vmem>>) dst(%dma_wait3A_80 : memref<10112x128xf32, #tpu.memory_space<vmem_shared>>)
            tpu.yield
          }) : () -> ()
        }
        %scan3A_39 = arith.constant 4 : i32
      } else {
      }
    }
    %scan3A_7 = arith.constant 9 : i32
    %barrier3A_8 = arith.constant 0 : index
    tpu.barrier barrier_id(%barrier3A_8)
    %mul3A_9 = arith.constant 632 : i32
    %mul3A_10 = arith.muli %arg1, %mul3A_9 : i32
    %mul3A_11 = arith.constant 632 : i32
    %mul3A_12 = arith.muli %arg1, %mul3A_11 : i32
    "tpu.region"() ({
      %run_scoped3A = tpu.sem_alloc : memref<!tpu.dma_semaphore, #tpu.memory_space<semaphore_mem>>
      %dma_start3A = arith.constant 0 : i32
      %dma_start3A_13 = arith.constant 0 : i32
      %dma_start3A_14 = tpu.memref_slice %arg6[%arg0, %dma_start3A, %dma_start3A_13] : memref<2x10112x128xf32, #tpu.memory_space<hbm>> -> memref<1x10112x128xf32, #tpu.memory_space<hbm>>
      %dma_start3A_15 = tpu.memref_squeeze %dma_start3A_14 : memref<1x10112x128xf32, #tpu.memory_space<hbm>> -> memref<10112x128xf32, #tpu.memory_space<hbm>>
      %dma_start3A_16 = arith.constant 0 : i32
      %dma_start3A_17 = tpu.memref_slice %dma_start3A_15[%mul3A_12, %dma_start3A_16] : memref<10112x128xf32, #tpu.memory_space<hbm>> -> memref<632x128xf32, #tpu.memory_space<hbm>>
      %dma_start3A_18 = arith.constant 0 : i32
      %dma_start3A_19 = tpu.memref_slice %arg11[%mul3A_10, %dma_start3A_18] : memref<10112x128xf32, #tpu.memory_space<vmem_shared>> -> memref<632x128xf32, #tpu.memory_space<vmem_shared>>
      tpu.enqueue_dma source(%dma_start3A_19 : memref<632x128xf32, #tpu.memory_space<vmem_shared>>) target(%dma_start3A_17 : memref<632x128xf32, #tpu.memory_space<hbm>>) target_semaphore(%run_scoped3A : memref<!tpu.dma_semaphore, #tpu.memory_space<semaphore_mem>>)
      %dma_wait3A = arith.constant 0 : i32
      %dma_wait3A_20 = arith.constant 0 : i32
      %dma_wait3A_21 = tpu.memref_slice %arg6[%arg0, %dma_wait3A, %dma_wait3A_20] : memref<2x10112x128xf32, #tpu.memory_space<hbm>> -> memref<1x10112x128xf32, #tpu.memory_space<hbm>>
      %dma_wait3A_22 = tpu.memref_squeeze %dma_wait3A_21 : memref<1x10112x128xf32, #tpu.memory_space<hbm>> -> memref<10112x128xf32, #tpu.memory_space<hbm>>
      %dma_wait3A_23 = arith.constant 0 : i32
      %dma_wait3A_24 = tpu.memref_slice %dma_wait3A_22[%mul3A_12, %dma_wait3A_23] : memref<10112x128xf32, #tpu.memory_space<hbm>> -> memref<632x128xf32, #tpu.memory_space<hbm>>
      %dma_wait3A_25 = arith.constant 0 : i32
      %dma_wait3A_26 = tpu.memref_slice %arg11[%mul3A_10, %dma_wait3A_25] : memref<10112x128xf32, #tpu.memory_space<vmem_shared>> -> memref<632x128xf32, #tpu.memory_space<vmem_shared>>
      tpu.wait_dma2 semaphore(%run_scoped3A : memref<!tpu.dma_semaphore, #tpu.memory_space<semaphore_mem>>) src(%dma_wait3A_26 : memref<632x128xf32, #tpu.memory_space<vmem_shared>>) dst(%dma_wait3A_24 : memref<632x128xf32, #tpu.memory_space<hbm>>)
      tpu.yield
    }) : () -> ()
    return
  }
}

module attributes {stable_mosaic.version = 14 : i64} {
  func.func @_tc_first(%arg0: memref<10000x128xf32, #tpu.memory_space<vmem>>, %arg1: memref<128x128xf32, #tpu.memory_space<vmem>>, %arg2: memref<2x10112x128xf32, #tpu.memory_space<vmem>>, %arg3: memref<10000x128xf32, #tpu.memory_space<vmem>>, %arg4: memref<10112x128xf32, #tpu.memory_space<vmem>>) attributes {dimension_semantics = [], scalar_prefetch = 0 : i64, scratch_operands = 0 : i64, tpu.core_type = #tpu.core_type<tc>} {
    %get3A = arith.constant 0 : index
    %get3A_0 = arith.constant 0 : index
    %get3A_1 = arith.constant 0 : index
    %get3A_2 = vector.load %arg2[%get3A, %get3A_0, %get3A_1] : memref<2x10112x128xf32, #tpu.memory_space<vmem>>, vector<1x10112x1xf32>
    %get3A_3 = vector.shape_cast %get3A_2 : vector<1x10112x1xf32> to vector<10112x1xf32>
    %add3A = arith.constant 1.000000e+00 : f32
    %add3A_4 = vector.broadcast %add3A : f32 to vector<10112x1xf32>
    %add3A_5 = arith.addf %add3A_4, %get3A_3 : vector<10112x1xf32>
    %get3A_6 = arith.constant 1 : index
    %get3A_7 = arith.constant 0 : index
    %get3A_8 = arith.constant 0 : index
    %get3A_9 = vector.load %arg2[%get3A_6, %get3A_7, %get3A_8] : memref<2x10112x128xf32, #tpu.memory_space<vmem>>, vector<1x10112x1xf32>
    %get3A_10 = vector.shape_cast %get3A_9 : vector<1x10112x1xf32> to vector<10112x1xf32>
    %add3A_11 = arith.addf %add3A_5, %get3A_10 : vector<10112x1xf32>
    %rsqrt3A = math.rsqrt %add3A_11 : vector<10112x1xf32>
    %broadcast_in_dim3A = vector.shape_cast %rsqrt3A : vector<10112x1xf32> to vector<10112x1xf32>
    %broadcast_in_dim3A_12 = vector.broadcast %broadcast_in_dim3A : vector<10112x1xf32> to vector<10112x128xf32>
    %swap3A = arith.constant 0 : index
    %swap3A_13 = arith.constant 0 : index
    %swap3A_14 = vector.load %arg4[%swap3A, %swap3A_13] : memref<10112x128xf32, #tpu.memory_space<vmem>>, vector<10112x128xf32>
    tpu.vector_store %arg4[%swap3A, %swap3A_13], %broadcast_in_dim3A_12 {strides = array<i32>} : memref<10112x128xf32, #tpu.memory_space<vmem>>, vector<10112x128xf32>,
    %get3A_15 = arith.constant 0 : index
    %get3A_16 = arith.constant 0 : index
    %get3A_17 = vector.load %arg0[%get3A_15, %get3A_16] : memref<10000x128xf32, #tpu.memory_space<vmem>>, vector<10000x128xf32>
    %get3A_18 = arith.constant 0 : index
    %get3A_19 = arith.constant 0 : index
    %get3A_20 = vector.load %arg1[%get3A_18, %get3A_19] : memref<128x128xf32, #tpu.memory_space<vmem>>, vector<128x128xf32>
    %dot_general3A = arith.constant dense<0.000000e+00> : vector<10000x128xf32>
    %dot_general3A_21 = tpu.matmul %get3A_17, %get3A_20, %dot_general3A {dimension_numbers = #tpu.dot_dimension_numbers<[1], [0], [0], [1], [0, 0, 1, 1], [], []>, transpose_lhs_hint = false} : vector<10000x128xf32>, vector<128x128xf32>, vector<10000x128xf32> -> vector<10000x128xf32>
    %get3A_22 = arith.constant 0 : index
    %get3A_23 = arith.constant 0 : index
    %get3A_24 = vector.load %arg4[%get3A_22, %get3A_23] : memref<10112x128xf32, #tpu.memory_space<vmem>>, vector<10000x128xf32>
    %mul3A = arith.mulf %dot_general3A_21, %get3A_24 : vector<10000x128xf32>
    %swap3A_25 = arith.constant 0 : index
    %swap3A_26 = arith.constant 0 : index
    %swap3A_27 = vector.load %arg3[%swap3A_25, %swap3A_26] : memref<10000x128xf32, #tpu.memory_space<vmem>>, vector<10000x128xf32>
    tpu.vector_store %arg3[%swap3A_25, %swap3A_26], %mul3A {strides = array<i32>} : memref<10000x128xf32, #tpu.memory_space<vmem>>, vector<10000x128xf32>,
    return
  }
}

module attributes {stable_mosaic.version = 14 : i64} {
  func.func @_tc_mid(%arg0: memref<2x10112x128xf32, #tpu.memory_space<vmem>>, %arg1: memref<10000x128xf32, #tpu.memory_space<vmem>>, %arg2: memref<10112x128xf32, #tpu.memory_space<vmem>>, %arg3: memref<1x128xf32, #tpu.memory_space<vmem>>, %arg4: memref<128x128xf32, #tpu.memory_space<vmem>>, %arg5: memref<10000x128xf32, #tpu.memory_space<vmem>>) attributes {dimension_semantics = [], scalar_prefetch = 0 : i64, scratch_operands = 0 : i64, tpu.core_type = #tpu.core_type<tc>} {
    %get3A = arith.constant 0 : index
    %get3A_0 = arith.constant 0 : index
    %get3A_1 = arith.constant 0 : index
    %get3A_2 = vector.load %arg0[%get3A, %get3A_0, %get3A_1] : memref<2x10112x128xf32, #tpu.memory_space<vmem>>, vector<1x10000x128xf32>
    %get3A_3 = vector.shape_cast %get3A_2 : vector<1x10000x128xf32> to vector<10000x128xf32>
    %get3A_4 = arith.constant 1 : index
    %get3A_5 = arith.constant 0 : index
    %get3A_6 = arith.constant 0 : index
    %get3A_7 = vector.load %arg0[%get3A_4, %get3A_5, %get3A_6] : memref<2x10112x128xf32, #tpu.memory_space<vmem>>, vector<1x10000x128xf32>
    %get3A_8 = vector.shape_cast %get3A_7 : vector<1x10000x128xf32> to vector<10000x128xf32>
    %add3A = arith.addf %get3A_3, %get3A_8 : vector<10000x128xf32>
    %get3A_9 = arith.constant 0 : index
    %get3A_10 = arith.constant 0 : index
    %get3A_11 = vector.load %arg1[%get3A_9, %get3A_10] : memref<10000x128xf32, #tpu.memory_space<vmem>>, vector<10000x128xf32>
    %add3A_12 = arith.addf %add3A, %get3A_11 : vector<10000x128xf32>
    %get3A_13 = arith.constant 0 : index
    %get3A_14 = arith.constant 0 : index
    %get3A_15 = vector.load %arg2[%get3A_13, %get3A_14] : memref<10112x128xf32, #tpu.memory_space<vmem>>, vector<10000x128xf32>
    %mul3A = arith.mulf %get3A_15, %add3A_12 : vector<10000x128xf32>
    %get3A_16 = arith.constant 0 : index
    %get3A_17 = arith.constant 0 : index
    %get3A_18 = vector.load %arg3[%get3A_16, %get3A_17] : memref<1x128xf32, #tpu.memory_space<vmem>>, vector<1x128xf32>
    %add3A_19 = vector.broadcast %get3A_18 : vector<1x128xf32> to vector<10000x128xf32>
    %add3A_20 = arith.addf %mul3A, %add3A_19 : vector<10000x128xf32>
    %max3A = arith.constant 0.000000e+00 : f32
    %max3A_21 = vector.broadcast %max3A : f32 to vector<10000x128xf32>
    %max3A_22 = arith.maximumf %add3A_20, %max3A_21 : vector<10000x128xf32>
    %get3A_23 = arith.constant 0 : index
    %get3A_24 = arith.constant 0 : index
    %get3A_25 = vector.load %arg4[%get3A_23, %get3A_24] : memref<128x128xf32, #tpu.memory_space<vmem>>, vector<128x128xf32>
    %dot_general3A = arith.constant dense<0.000000e+00> : vector<10000x128xf32>
    %dot_general3A_26 = tpu.matmul %max3A_22, %get3A_25, %dot_general3A {dimension_numbers = #tpu.dot_dimension_numbers<[1], [0], [0], [1], [0, 0, 1, 1], [], []>, transpose_lhs_hint = false} : vector<10000x128xf32>, vector<128x128xf32>, vector<10000x128xf32> -> vector<10000x128xf32>
    %mul3A_27 = arith.mulf %dot_general3A_26, %get3A_15 : vector<10000x128xf32>
    %swap3A = arith.constant 0 : index
    %swap3A_28 = arith.constant 0 : index
    %swap3A_29 = vector.load %arg5[%swap3A, %swap3A_28] : memref<10000x128xf32, #tpu.memory_space<vmem>>, vector<10000x128xf32>
    tpu.vector_store %arg5[%swap3A, %swap3A_28], %mul3A_27 {strides = array<i32>} : memref<10000x128xf32, #tpu.memory_space<vmem>>, vector<10000x128xf32>,
    return
  }
}

module attributes {stable_mosaic.version = 14 : i64} {
  func.func @_tc_pool(%arg0: memref<2x10112x128xf32, #tpu.memory_space<vmem>>, %arg1: memref<10000x128xf32, #tpu.memory_space<vmem>>, %arg2: memref<10112x128xf32, #tpu.memory_space<vmem>>, %arg3: memref<1x128xf32, #tpu.memory_space<vmem>>, %arg4: memref<1x10000xi32, #tpu.memory_space<vmem>>, %arg5: memref<128x10xf32, #tpu.memory_space<vmem>>, %arg6: memref<1x10xf32, #tpu.memory_space<vmem>>, %arg7: memref<64x10xf32, #tpu.memory_space<vmem>>) attributes {dimension_semantics = [], scalar_prefetch = 0 : i64, scratch_operands = 0 : i64, tpu.core_type = #tpu.core_type<tc>} {
    %get3A = arith.constant 0 : index
    %get3A_0 = arith.constant 0 : index
    %get3A_1 = arith.constant 0 : index
    %get3A_2 = vector.load %arg0[%get3A, %get3A_0, %get3A_1] : memref<2x10112x128xf32, #tpu.memory_space<vmem>>, vector<1x10000x128xf32>
    %get3A_3 = vector.shape_cast %get3A_2 : vector<1x10000x128xf32> to vector<10000x128xf32>
    %get3A_4 = arith.constant 1 : index
    %get3A_5 = arith.constant 0 : index
    %get3A_6 = arith.constant 0 : index
    %get3A_7 = vector.load %arg0[%get3A_4, %get3A_5, %get3A_6] : memref<2x10112x128xf32, #tpu.memory_space<vmem>>, vector<1x10000x128xf32>
    %get3A_8 = vector.shape_cast %get3A_7 : vector<1x10000x128xf32> to vector<10000x128xf32>
    %add3A = arith.addf %get3A_3, %get3A_8 : vector<10000x128xf32>
    %get3A_9 = arith.constant 0 : index
    %get3A_10 = arith.constant 0 : index
    %get3A_11 = vector.load %arg1[%get3A_9, %get3A_10] : memref<10000x128xf32, #tpu.memory_space<vmem>>, vector<10000x128xf32>
    %add3A_12 = arith.addf %add3A, %get3A_11 : vector<10000x128xf32>
    %get3A_13 = arith.constant 0 : index
    %get3A_14 = arith.constant 0 : index
    %get3A_15 = vector.load %arg2[%get3A_13, %get3A_14] : memref<10112x128xf32, #tpu.memory_space<vmem>>, vector<10000x128xf32>
    %mul3A = arith.mulf %get3A_15, %add3A_12 : vector<10000x128xf32>
    %get3A_16 = arith.constant 0 : index
    %get3A_17 = arith.constant 0 : index
    %get3A_18 = vector.load %arg3[%get3A_16, %get3A_17] : memref<1x128xf32, #tpu.memory_space<vmem>>, vector<1x128xf32>
    %add3A_19 = vector.broadcast %get3A_18 : vector<1x128xf32> to vector<10000x128xf32>
    %add3A_20 = arith.addf %mul3A, %add3A_19 : vector<10000x128xf32>
    %max3A = arith.constant 0.000000e+00 : f32
    %max3A_21 = vector.broadcast %max3A : f32 to vector<10000x128xf32>
    %max3A_22 = arith.maximumf %add3A_20, %max3A_21 : vector<10000x128xf32>
    %iota3A = tpu.iota {dimensions = array<i32: 0>} : vector<64x10000xi32>
    %get3A_23 = arith.constant 0 : index
    %get3A_24 = arith.constant 0 : index
    %get3A_25 = vector.load %arg4[%get3A_23, %get3A_24] : memref<1x10000xi32, #tpu.memory_space<vmem>>, vector<1x10000xi32>
    %eq3A = vector.broadcast %get3A_25 : vector<1x10000xi32> to vector<64x10000xi32>
    %eq3A_26 = arith.cmpi eq, %eq3A, %iota3A : vector<64x10000xi32>
    %convert_element_type3A = arith.extui %eq3A_26 : vector<64x10000xi1> to vector<64x10000xi32>
    %convert_element_type3A_27 = arith.sitofp %convert_element_type3A : vector<64x10000xi32> to vector<64x10000xf32>
    %dot_general3A = arith.constant dense<0.000000e+00> : vector<64x128xf32>
    %dot_general3A_28 = tpu.matmul %convert_element_type3A_27, %max3A_22, %dot_general3A {dimension_numbers = #tpu.dot_dimension_numbers<[1], [0], [0], [1], [0, 0, 1, 1], [], []>, transpose_lhs_hint = false} : vector<64x10000xf32>, vector<10000x128xf32>, vector<64x128xf32> -> vector<64x128xf32>
    %broadcast_in_dim3A = arith.constant 1.000000e+00 : f32
    %broadcast_in_dim3A_29 = vector.broadcast %broadcast_in_dim3A : f32 to vector<10000x1xf32>
    %dot_general3A_30 = arith.constant dense<0.000000e+00> : vector<64x1xf32>
    %dot_general3A_31 = tpu.matmul %convert_element_type3A_27, %broadcast_in_dim3A_29, %dot_general3A_30 {dimension_numbers = #tpu.dot_dimension_numbers<[1], [0], [0], [1], [0, 0, 1, 1], [], []>, transpose_lhs_hint = false} : vector<64x10000xf32>, vector<10000x1xf32>, vector<64x1xf32> -> vector<64x1xf32>
    %max3A_32 = arith.constant 1.000000e+00 : f32
    %max3A_33 = vector.broadcast %max3A_32 : f32 to vector<64x1xf32>
    %max3A_34 = arith.maximumf %dot_general3A_31, %max3A_33 : vector<64x1xf32>
    %div3A = vector.broadcast %max3A_34 : vector<64x1xf32> to vector<64x128xf32>
    %div3A_35 = arith.divf %dot_general3A_28, %div3A : vector<64x128xf32>
    %get3A_36 = arith.constant 0 : index
    %get3A_37 = arith.constant 0 : index
    %get3A_38 = vector.load %arg5[%get3A_36, %get3A_37] : memref<128x10xf32, #tpu.memory_space<vmem>>, vector<128x10xf32>
    %dot_general3A_39 = arith.constant dense<0.000000e+00> : vector<64x10xf32>
    %dot_general3A_40 = tpu.matmul %div3A_35, %get3A_38, %dot_general3A_39 {dimension_numbers = #tpu.dot_dimension_numbers<[1], [0], [0], [1], [0, 0, 1, 1], [], []>, transpose_lhs_hint = false} : vector<64x128xf32>, vector<128x10xf32>, vector<64x10xf32> -> vector<64x10xf32>
    %get3A_41 = arith.constant 0 : index
    %get3A_42 = arith.constant 0 : index
    %get3A_43 = vector.load %arg6[%get3A_41, %get3A_42] : memref<1x10xf32, #tpu.memory_space<vmem>>, vector<1x10xf32>
    %add3A_44 = vector.broadcast %get3A_43 : vector<1x10xf32> to vector<64x10xf32>
    %add3A_45 = arith.addf %dot_general3A_40, %add3A_44 : vector<64x10xf32>
    %reduce_max3A = arith.constant dense<0xFF800000> : vector<64xf32>
    %reduce_max3A_46 = vector.multi_reduction <maximumf>, %add3A_45, %reduce_max3A [1] : vector<64x10xf32> to vector<64xf32>
    %broadcast_in_dim3A_47 = vector.shape_cast %reduce_max3A_46 : vector<64xf32> to vector<64x1xf32>
    %sub3A = vector.broadcast %broadcast_in_dim3A_47 : vector<64x1xf32> to vector<64x10xf32>
    %sub3A_48 = arith.subf %add3A_45, %sub3A : vector<64x10xf32>
    %exp3A = math.exp %sub3A_48 : vector<64x10xf32>
    %reduce_sum3A = arith.constant dense<0.000000e+00> : vector<64xf32>
    %reduce_sum3A_49 = vector.multi_reduction <add>, %exp3A, %reduce_sum3A [1] : vector<64x10xf32> to vector<64xf32>
    %broadcast_in_dim3A_50 = vector.shape_cast %reduce_sum3A_49 : vector<64xf32> to vector<64x1xf32>
    %log3A = math.log %broadcast_in_dim3A_50 : vector<64x1xf32>
    %sub3A_51 = vector.broadcast %broadcast_in_dim3A_47 : vector<64x1xf32> to vector<64x10xf32>
    %sub3A_52 = arith.subf %add3A_45, %sub3A_51 : vector<64x10xf32>
    %sub3A_53 = vector.broadcast %log3A : vector<64x1xf32> to vector<64x10xf32>
    %sub3A_54 = arith.subf %sub3A_52, %sub3A_53 : vector<64x10xf32>
    %swap3A = arith.constant 0 : index
    %swap3A_55 = arith.constant 0 : index
    %swap3A_56 = vector.load %arg7[%swap3A, %swap3A_55] : memref<64x10xf32, #tpu.memory_space<vmem>>, vector<64x10xf32>
    tpu.vector_store %arg7[%swap3A, %swap3A_55], %sub3A_54 {strides = array<i32>} : memref<64x10xf32, #tpu.memory_space<vmem>>, vector<64x10xf32>,
    return
  }
}

</mosaic_0001>

<sc_bundles>
// kernel: kernel.10.cloned.1.call-start
scs
__scs_entry_jumppad:
0x0: {  	(pc) =	sbr.rel $0x88, $3  }
0x1: {  	(tag) =	ssettag $0x0;
	lr =	simm.s32 $0x1  }
0x2: {  	[smem:$0x3F96] =	sst lr;
	_ =	strace $0xD0000000  }
0x3: {  	_ = 	snop  }
0x4: {  	_ = 	snop  }
0x5: {  	_ = 	snop  }
0x6: {  	_ = 	snop  }
0x7: {  	_ = 	snop  }
__scs_overlays_trampoline_lowered:
0x8: {  	[smem:$0x3FA5] =	sst s0  }
0x9: {  	[smem:$0x3FA6] =	sst s1  }
0xa: {  	[smem:$0x3FA7] =	sst s2  }
0xb: {  	[smem:$0x3FA8] =	sst s3  }
0xc: {  	[smem:$0x3FA9] =	sst s4  }
0xd: {  	[smem:$0x3FAA] =	sst s5  }
0xe: {  	[smem:$0x3FAB] =	sst s6  }
0xf: {  	[smem:$0x3FAC] =	sst s7  }
0x10: {  	[smem:$0x3FAD] =	sst s8  }
0x11: {  	[smem:$0x3FAE] =	sst s9;
	s0 =	simm.s32 @!p0 $0x0  }
0x12: {  	s1 =	sld [smem:$0x3F94];
	s0 =	simm.s32 @p0 $0x1  }
0x13: {  	[smem:$0x3FAF] =	sst s0;
	s0 =	simm.s32 @!p1 $0x0  }
0x14: {  	s2 =	sld [smem:$0x3F93];
	s0 =	simm.s32 @p1 $0x1  }
0x15: {  	[smem:$0x3FB0] =	sst s0;
	s0 =	simm.s32 @!p2 $0x0  }
0x16: {  	s3 =	sld [smem:$0x3FDB];
	s0 =	simm.s32 @p2 $0x1  }
0x17: {  	s4 =	simm.s32 $0x1BF5;
	[smem:$0x3FB2] =	sst s0  }
0x18: {  	s0 =	sld [smem:$0x3F95];
	_ =	swait.ge [sflag:s4], $0x0  }
0x19: {  	s7 =	sld [smem:$0x3F96]  }
0x1a: {  	s8 =	sadd.s32 $0xFFFFE003, lr  }
0x1b: {  	s9 =	sadd.s32 $0xFFFFFEF7, lr;
	s5 =	simm.s32 $0xFFFFFFFF;
	p2 =	slt.u32 s8, $0xFFFFF086  }
0x1c: {  	p1 =	slt.u32 s9, $0xF7A;
	s5 =	simm.s32 @!p2 $0x0  }
0x1d: {  	s5 =	simm.s32 @p1 $0x1;
	p0 =	seq.s32 s7, s2  }
0x1e: {  	s7 =	smul.u32 @!p0 $0xF7A, s2;
	p2 =	seq.s32 @!p0 s5, $0x0  }
0x1f: {  	s9 =	smul.u32 $0xF7A, s1;
	s8 =	simm.s32 @!p0 $0x1BF5;
	p2 =	por !p2, p0  }
0x20: {  	[sflag:s8] =	ssyncset.s32 @!p0 $0xFFFFF086;
	s6 =	sadd.s32 @!p0 s3, s7;
	s7 =	simm.s32 @!p0 $0x108  }
0x21: {  	s3 =	sadd.s32 s3, s9;
	s6 =	sadd.s32 @!p0 $0x88, s6;
	s7 =	simm.s32 @p2 $0x1082  }
0x22: {  	[simem:s7], [sflag:s8] =	dma.local @!p0 [hbm:s6], $0xF7A  }
0x23: {  	s9 =	sor.u32 $0xD0000000, s2;
	s6 =	simm.s32 $0x108;
	_ =	swait.ge @!p0 [sflag:s8], $0x0  }
0x24: {  	s3 =	sadd.s32 $0x88, s3;
	s6 =	simm.s32 @!p1 $0x1082;
	[sflag:s4] =	ssyncset.s32 $0xFFFFF086  }
0x25: {  	[simem:s6], [sflag:s4] =	dma.local [hbm:s3], $0xF7A  }
0x26: {  	[smem:$0x3F96] =	sst s1;
	(tag) =	ssettag s2;
	_ =	strace s9  }
0x27: {  	s1 =	sld [smem:$0x3FA6]  }
0x28: {  	s2 =	sld [smem:$0x3FA7]  }
0x29: {  	s4 =	sld [smem:$0x3FA9]  }
0x2a: {  	p0 =	seq.s32 s5, $0x0;
	s5 =	sld [smem:$0x3FAA]  }
0x2b: {  	s6 =	sld [smem:$0x3FAB]  }
0x2c: {  	s7 =	sld [smem:$0x3FAC]  }
0x2d: {  	s3 =	simm.s32 $0x108;
	s8 =	sld [smem:$0x3FAD]  }
0x2e: {  	s3 =	simm.s32 @!p0 $0x1082;
	s9 =	sld [smem:$0x3FAE]  }
0x2f: {  	lr =	sadd.s32 s0, s3;
	s0 =	sld [smem:$0x3FA5]  }
0x30: {  	s3 =	sld [smem:$0x3FA8]  }
0x31: {  	[smem:$0x3FB1] =	sst s10  }
0x32: {  	s10 =	sld [smem:$0x3FAF];
	_ =	sdelay $0x3  }
0x33: {  	p0 =	seq.s32 s10, $0x1;
	s10 =	sld [smem:$0x3FB1];
	_ =	sdelay $0x3  }
0x34: {  	[smem:$0x3FB1] =	sst s10  }
0x35: {  	s10 =	sld [smem:$0x3FB0];
	_ =	sdelay $0x3  }
0x36: {  	p1 =	seq.s32 s10, $0x1;
	s10 =	sld [smem:$0x3FB1];
	_ =	sdelay $0x3  }
0x37: {  	[smem:$0x3FB1] =	sst s10  }
0x38: {  	s10 =	sld [smem:$0x3FB2]  }
0x39: {  	_ = 	snop;
	(pc) =	sbr.ind lr, $3  }
0x3a: {  	_ = 	snop  }
0x3b: {  	_ = 	snop  }
0x3c: {  	p2 =	seq.s32 s10, $0x1;
	s10 =	sld [smem:$0x3FB1]  }
0x3d: {  	_ =	shalt  }
0x3e: {  	_ =	shalt  }
0x3f: {  	_ =	shalt  }
0x40: {  	_ =	shalt  }
0x41: {  	_ =	shalt  }
0x42: {  	_ =	shalt  }
0x43: {  	_ =	shalt  }
0x44: {  	_ =	shalt  }
0x45: {  	_ =	shalt  }
0x46: {  	_ =	shalt  }
0x47: {  	_ =	shalt  }
0x48: {  	_ =	shalt  }
0x49: {  	_ =	shalt  }
0x4a: {  	_ =	shalt  }
0x4b: {  	_ =	shalt  }
0x4c: {  	_ =	shalt  }
0x4d: {  	_ =	shalt  }
0x4e: {  	_ =	shalt  }
0x4f: {  	_ =	shalt  }
0x50: {  	_ =	shalt  }
0x51: {  	_ =	shalt  }
0x52: {  	_ =	shalt  }
0x53: {  	_ =	shalt  }
0x54: {  	_ =	shalt  }
0x55: {  	_ =	shalt  }
0x56: {  	_ =	shalt  }
0x57: {  	_ =	shalt  }
0x58: {  	_ =	shalt  }
0x59: {  	_ =	shalt  }
0x5a: {  	_ =	shalt  }
0x5b: {  	_ =	shalt  }
0x5c: {  	_ =	shalt  }
0x5d: {  	_ =	shalt  }
0x5e: {  	_ =	shalt  }
0x5f: {  	_ =	shalt  }
0x60: {  	_ =	shalt  }
0x61: {  	_ =	shalt  }
0x62: {  	_ =	shalt  }
0x63: {  	_ =	shalt  }
0x64: {  	_ =	shalt  }
0x65: {  	_ =	shalt  }
0x66: {  	_ =	shalt  }
0x67: {  	_ =	shalt  }
0x68: {  	_ =	shalt  }
0x69: {  	_ =	shalt  }
0x6a: {  	_ =	shalt  }
0x6b: {  	_ =	shalt  }
0x6c: {  	_ =	shalt  }
0x6d: {  	_ =	shalt  }
0x6e: {  	_ =	shalt  }
0x6f: {  	_ =	shalt  }
0x70: {  	_ =	shalt  }
0x71: {  	_ =	shalt  }
0x72: {  	_ =	shalt  }
0x73: {  	_ =	shalt  }
0x74: {  	_ =	shalt  }
0x75: {  	_ =	shalt  }
0x76: {  	_ =	shalt  }
0x77: {  	_ =	shalt  }
0x78: {  	_ =	shalt  }
0x79: {  	_ =	shalt  }
0x7a: {  	_ =	shalt  }
0x7b: {  	_ =	shalt  }
0x7c: {  	_ =	shalt  }
0x7d: {  	_ =	shalt  }
0x7e: {  	_ =	shalt  }
0x7f: {  	_ =	shalt  }
0x80: {  	_ =	shalt  }
0x81: {  	_ =	shalt  }
0x82: {  	_ =	shalt  }
0x83: {  	_ =	shalt  }
0x84: {  	_ =	shalt  }
0x85: {  	_ =	shalt  }
0x86: {  	_ =	shalt  }
0x87: {  	_ =	shalt  }
.Lfunc_end0:
.L_simem_size_0:
called_computation_lowered:
.L_overlay_start_0:
0x88: {  	s2 =	sld [smem:$0x3FD9]  }
0x89: {  	s3 =	sld [smem:$0x3FFE];
	_ =	sdelay $0x1  }
0x8a: {  	s1 =	srdreg.scid  }
0x8b: {  	s0 =	sand.u32 $0x1, s1  }
0x8c: {  	s16 =	sshll.u32 s0, $0xA;
	s2 =	sadd.s32 s3, s2  }
0x8d: {  	s2 =	sadd.s32 s2, s16  }
0x8e: {  	[smem:$0x3FBD] =	sst s2  }
0x8f: {  	_ = 	snop  }
0x90: {  	(tm) =	ssettm $0x1  }
0x91: {  	s17 =	sld [smem:$0x3FFB];
	_ =	sdelay $0x3  }
0x92: {  	_ =	strace s17  }
0x93: {  	s2 =	sld [smem:$0x3FFC];
	_ =	sdelay $0x3  }
0x94: {  	_ =	strace s2  }
0x95: {  	s2 =	sld [smem:$0x3FFD];
	_ =	sdelay $0x3  }
0x96: {  	_ =	strace s2  }
0x97: {  	_ =	strace $0x8FFFFFFF  }
0x98: {  	s18 =	sld [smem:$0x3FDB];
	_ =	sdelay $0x1  }
0x99: {  	s19 =	simm.s32 $_scs_section_size  }
0x9a: {  	s4 =	simm.s32 $_size__tile_overlayer_lowered;
	s5 =	simm.s32 $_tile_overlayer_lowered  }
0x9b: {  	s22 =	simm.s32 $0x1BFF;
	s21 =	sshll.u32 s5, $0x1;
	s2 =	sadd.s32 s19, s18  }
0x9c: {  	s6 =	simm.s32 $0x0;
	s20 =	sshll.u32 s4, $0x1;
	s4 =	sadd.s32 s21, s2  }
0x9d: {  	[timem:s6], [sflag:s22] =	dma.local [hbm:s4], s20  }
0x9e: {  	_ =	swait.ge [sflag:s22], s20  }
0x9f: {  	s3 =	ssub.s32 $0x0, s20;
	[sflag:s22] =	ssyncset.done $0x0  }
0xa0: {  	[sflag:s22] =	ssyncadd.s32 s3;
	_ =	sdelay $0x1  }
0xa1: {  	s23 =	simm.s32 $0x1B8B  }
0xa2: {  	_ =	swait.ge [sflag:s23], $0x1  }
0xa3: {  	[sflag:s23] =	ssyncset.done $0x0  }
0xa4: {  	s25 =	simm.s32 $0x1B8E;
	s24 =	sld [smem:$0x3FFE];
	[sflag:s23] =	ssyncadd.s32 $0xFFFFFFFF  }
0xa5: {  	s26 =	simm.s32 $execute0_lowered;
	[smem:$0x3FD2] =	sst s25  }
0xa6: {  	s4 =	sshll.u32 s26, $0x1;
	_ =	strace $0x80000046;
	[dreg:$0x1] =	wrdreg $0xFFFFFFFF  }
0xa7: {  	s28 =	simm.s32 $_size_execute0_lowered;
	s2 =	sadd.s32 s2, s4;
	[dreg:$0x0] =	wrdreg $0x0  }
0xa8: {  	s4 =	sshll.u32 s28, $0x1;
	[dreg:$0x2] =	wrdreg s2  }
0xa9: {  	[dreg:$0x3] =	wrdreg s4  }
0xaa: {  	[dreg:$0x4] =	wrdreg $0xC0  }
0xab: {  	_ =	task [dreg:s6], $0x5FFFF  }
0xac: {  	[dreg:$0x1] =	wrdreg $0xFFFFFFFF  }
0xad: {  	[dreg:$0x0] =	wrdreg $0x60  }
0xae: {  	[dreg:$0x2] =	wrdreg s24  }
0xaf: {  	[dreg:$0x3] =	wrdreg $0x70000  }
0xb0: {  	[dreg:$0x4] =	wrdreg $0x9  }
0xb1: {  	_ =	task.clear_ibuf [dreg:s6], $0x5FFFF;
	_ =	strace $0x90000046  }
0xb2: {  	s29 =	simm.s32 $0x9;
	_ =	strace $0x80000048  }
0xb3: {  	_ =	swait.ge [sflag:s29], $0x1  }
0xb4: {  	[sflag:s29] =	ssyncadd.s32 $0xFFFFFFFF  }
0xb5: {  	_ =	strace $0x90000048  }
0xb6: {  	_ =	sfence  }
0xb7: {  	s30 =	sld [smem:$0x0];
	_ =	sdelay $0x2  }
0xb8: {  	s31 =	sshll.u32 s1, $0xD;
	s1 =	sshrl.u32 s1, $0x2  }
0xb9: {  	s3 =	sand.u32 $0x4000, s31;
	s1 =	sadd.s32 s1, s30  }
0xba: {  	s0 =	sor.u32 s3, s0;
	s1 =	sshll.u32 s1, $0x11  }
0xbb: {  	s0 =	sor.u32 s1, s0  }
0xbc: {  	s0 =	sadd.s32 $0x8F2B, s0  }
0xbd: {  	[sflag:s0] =	ssyncadd.remote.s32 $0x1  }
0xbe: {  	_ =	sfence.sel $0xFFFF  }
0xbf: {  	[dreg:$0x0] =	wrdreg $0xFFFFFFFF;
	(pc) =	sbr.abs _section_cstart, $3  }
0xc0: {  	[dreg:$0x1] =	wrdreg $0xFFFFFFFF  }
0xc1: {  	_ =	task.clear_ibuf [dreg:s6], $0x2FFFF;
	_ =	strace $0x9FFFFFFF  }
0xc2: {  	(tm) =	ssettm $0x7FFFFFFF  }
0xc3: {  	_ =	shalt  }
tec
execute0_lowered:
.L_overlay_start_1:
0x0: {  	(tag) =	ssettag $0x1  }
0x1: {  	s0 =	srdreg.scid  }
0x2: {  	s6 =	rddreg [dreg:$0x0];
	s5 =	sand.u32 $0x1, s0;
	s0 =	stileid.u32  }
0x3: {  	s2 =	rddreg [dreg:$0x1];
	s3 =	simm.s32 $0x0;
	s13 =	smul.u32 $0x2780, s0  }
0x4: {  	[smem:$0x7FF] =	sst s3;
	s8 =	smul.u32 $0x27800, s5  }
0x5: {  	s1 =	sshll.u32 s5, $0x4;
	s5 =	ssub.s32 $0x2, s5;
	s9 =	smul.u32 $0x4F000, s0  }
0x6: {  	s31 =	sshll.u32 s0, $0x6;
	s4 =	sor.u32 s0, s1;
	s1 =	rddreg [dreg:$0x2]  }
0x7: {  	_ =	strace $0x80000047;
	s29 =	sshrl.u32 s5, $0x1;
	s4 =	smul.u32 $0xA00, s4  }
0x8: {  	s10 =	sadd.s32 s13, s6;
	s8 =	sadd.s32 s8, s6;
	s30 =	sshrl.u32 s9, $0x2  }
0x9: {  	s11 =	ssub.s32 s5, s29;
	s9 =	simm.s32 $0x5000;
	s12 =	sadd.s32 s30, s2  }
0xa: {  	s14 =	sadd.s32 $0x49600, s8;
	s8 =	simm.s32 $0x1;
	s7 =	sadd.s32 s4, s6  }
0xb: {  	s4 =	sadd.s32 $0x49200, s6;
	s6 =	sadd.s32 $0x21A00, s10;
	s10 =	sor.u32 $0x1C01, s31  }
0xc: {  	s13 =	sadd.s32 s13, s14;
	s14 =	simm.s32 $0x0;
	s5 =	sadd.s32 $0xDA00, s7  }
0xd: {  	s7 =	smax.u32 s11, $0x1;
	s11 =	sshrl.u32 s12, $0x3;
	s12 =	simm.s32 $0x40  }
.LBB2_1:
0xe: {  	[tilespmem:s3], [sflag:$0x1] =	stream.linear.gather [hbm4b:s5+s3], $0x5000, $0x38;
	[tilespmem:$0x1AC00] =	vst v63  }
0xf: {  	_ =	swait.ge [sflag:s8], $0x5000  }
0x10: {  	[sflag:s8] =	ssyncset.done $0x0  }
0x11: {  	[sflag:s8] =	ssyncadd.s32 $0xFFFFB000  }
0x12: {  	[tilespmem:s9], [sflag:$0x1] =	stream.linear.gather [hbm4b:s4+s3], $0x2000, $0x38;
	[tilespmem:$0x1AC00] =	vst v63  }
0x13: {  	_ =	swait.ge [sflag:s8], $0x2000  }
0x14: {  	[sflag:s8] =	ssyncset.done $0x0  }
0x15: {  	[sflag:s8] =	ssyncadd.s32 $0xFFFFE000  }
0x16: {  	[spmem:s11], [sflag:s10] =	dma.local [hbm:s6], $0x2780  }
0x17: {  	_ =	swait.ge [sflag:s8], $0x2780  }
0x18: {  	[sflag:s8] =	ssyncset.done $0x0  }
0x19: {  	[sflag:s8] =	ssyncadd.s32 $0xFFFFD880  }
0x1a: {  	s15 =	simm.s32 $0x0;
	[bflag:$0x0] =	sbarrier.arrive $0xFFFF  }
0x1b: {  	[spmem:s2] =	stream.indirect.scatter.add.f32 [tilespmem:s9], [sflag:$0x1], $0x80, s15, s12, $0xb8;
	[tilespmem:$0x1AC00] =	vst v63  }
0x1c: {  	_ =	swait.ge [sflag:s8], $0x2000  }
0x1d: {  	s15 =	simm.s32 $0x200;
	[sflag:s8] =	ssyncset.done $0x0  }
.LBB2_2:
0x1e: {  	s16 =	sshra.s32 s15, $0x2;
	[sflag:s8] =	ssyncadd.s32 $0xFFFFE000;
	p0 =	sne.s32 s15, $0x13E00  }
0x1f: {  	[spmem:s2] =	stream.indirect.scatter.add.f32 [tilespmem:s9], [sflag:$0x1], $0x80, s16, s12, $0xb8;
	[tilespmem:$0x1AC00] =	vst v63  }
.Ltmp0:
0x20: {  	_ = 	snop;
	(pc) =	sbr.rel @p0 .LBB2_2-.Ltmp0, $4  }
0x21: {  	_ = 	snop  }
0x22: {  	s15 =	sadd.s32 $0x200, s15  }
0x23: {  	_ =	swait.ge [sflag:s8], $0x2000  }
0x24: {  	[sflag:s8] =	ssyncset.done $0x0  }
0x25: {  	s14 =	sadd.s32 $0x1, s14  }
0x26: {  	[sflag:s8] =	ssyncadd.s32 $0xFFFFE000;
	p0 =	sne.s32 s14, s7  }
.Ltmp1:
0x27: {  	[bflag:$0x0] =	sbarrier.arrive $0xFFFF;
	(pc) =	sbr.rel @p0 .LBB2_1-.Ltmp1, $4  }
0x28: {  	[hbm:s13], [sflag:s10] =	dma.local [spmem:s11], $0x2780  }
0x29: {  	_ =	swait.ge [sflag:s8], $0x2780  }
0x2a: {  	[sflag:s8] =	ssyncset.done $0x0  }
0x2b: {  	[sflag:s8] =	ssyncadd.s32 $0xFFFFD880  }
0x2c: {  	_ =	sfence.sel $0x180000  }
0x2d: {  	[bflag:$0x0] =	sbarrier.arrive $0xFFFF  }
0x2e: {  	p0 =	sne.s32 s0, $0x0;
	_ =	strace $0x90000047  }
0x2f: {  	s0 =	sadd.s32 @!p0 $0x100000, s1;
	[bflag:$0x2] =	sbarrier.arrive $0xFFFF  }
0x30: {  	[sflag:s0] =	ssyncadd.tile.s32 @!p0 $0x1;
	_ =	shalt  }
.Lfunc_end2:
_tile_overlayer_lowered:
.L_overlay_start_2:
0x31: {  	(tag) =	ssettag $0x2  }
0x32: {  	s0 =	rddreg [dreg:$0x0];
	s2 =	stileid.u32  }
0x33: {  	s1 =	rddreg [dreg:$0x1];
	p0 =	sne.s32 s2, $0x0  }
0x34: {  	s3 =	rddreg [dreg:$0x2];
	[bflag:$0x3] =	sbarrier.arrive $0xFFFF;
	s2 =	simm.s32 @!p0 $0x1C01  }
0x35: {  	[timem:s3], [sflag:s2] =	dma.local @!p0 [hbm:s0], s1  }
0x36: {  	s0 =	simm.s32 @!p0 $0x1  }
0x37: {  	_ =	swait.ge @!p0 [sflag:s0], s1  }
0x38: {  	s1 =	ssub.s32 @!p0 $0x0, s1;
	[sflag:s0] =	ssyncset.done @!p0 $0x0  }
0x39: {  	[sflag:s0] =	ssyncadd.s32 @!p0 s1  }
0x3a: {  	[bflag:$0x3] =	sbarrier.arrive $0xFFFF  }
0x3b: {  	_ =	shalt  }

// kernel: kernel.13.cloned.1.call-start
scs
__scs_entry_jumppad:
0x0: {  	(pc) =	sbr.rel $0x88, $3  }
0x1: {  	(tag) =	ssettag $0x0;
	lr =	simm.s32 $0x1  }
0x2: {  	[smem:$0x3F96] =	sst lr;
	_ =	strace $0xD0000000  }
0x3: {  	_ = 	snop  }
0x4: {  	_ = 	snop  }
0x5: {  	_ = 	snop  }
0x6: {  	_ = 	snop  }
0x7: {  	_ = 	snop  }
__scs_overlays_trampoline_lowered:
0x8: {  	[smem:$0x3FA5] =	sst s0  }
0x9: {  	[smem:$0x3FA6] =	sst s1  }
0xa: {  	[smem:$0x3FA7] =	sst s2  }
0xb: {  	[smem:$0x3FA8] =	sst s3  }
0xc: {  	[smem:$0x3FA9] =	sst s4  }
0xd: {  	[smem:$0x3FAA] =	sst s5  }
0xe: {  	[smem:$0x3FAB] =	sst s6  }
0xf: {  	[smem:$0x3FAC] =	sst s7  }
0x10: {  	[smem:$0x3FAD] =	sst s8  }
0x11: {  	[smem:$0x3FAE] =	sst s9;
	s0 =	simm.s32 @!p0 $0x0  }
0x12: {  	s1 =	sld [smem:$0x3F94];
	s0 =	simm.s32 @p0 $0x1  }
0x13: {  	[smem:$0x3FAF] =	sst s0;
	s0 =	simm.s32 @!p1 $0x0  }
0x14: {  	s2 =	sld [smem:$0x3F93];
	s0 =	simm.s32 @p1 $0x1  }
0x15: {  	[smem:$0x3FB0] =	sst s0;
	s0 =	simm.s32 @!p2 $0x0  }
0x16: {  	s3 =	sld [smem:$0x3FDB];
	s0 =	simm.s32 @p2 $0x1  }
0x17: {  	s4 =	simm.s32 $0x1BF5;
	[smem:$0x3FB2] =	sst s0  }
0x18: {  	s0 =	sld [smem:$0x3F95];
	_ =	swait.ge [sflag:s4], $0x0  }
0x19: {  	s7 =	sld [smem:$0x3F96]  }
0x1a: {  	s8 =	sadd.s32 $0xFFFFE003, lr  }
0x1b: {  	s9 =	sadd.s32 $0xFFFFFEF7, lr;
	s5 =	simm.s32 $0xFFFFFFFF;
	p2 =	slt.u32 s8, $0xFFFFF086  }
0x1c: {  	p1 =	slt.u32 s9, $0xF7A;
	s5 =	simm.s32 @!p2 $0x0  }
0x1d: {  	s5 =	simm.s32 @p1 $0x1;
	p0 =	seq.s32 s7, s2  }
0x1e: {  	s7 =	smul.u32 @!p0 $0xF7A, s2;
	p2 =	seq.s32 @!p0 s5, $0x0  }
0x1f: {  	s9 =	smul.u32 $0xF7A, s1;
	s8 =	simm.s32 @!p0 $0x1BF5;
	p2 =	por !p2, p0  }
0x20: {  	[sflag:s8] =	ssyncset.s32 @!p0 $0xFFFFF086;
	s6 =	sadd.s32 @!p0 s3, s7;
	s7 =	simm.s32 @!p0 $0x108  }
0x21: {  	s3 =	sadd.s32 s3, s9;
	s6 =	sadd.s32 @!p0 $0x88, s6;
	s7 =	simm.s32 @p2 $0x1082  }
0x22: {  	[simem:s7], [sflag:s8] =	dma.local @!p0 [hbm:s6], $0xF7A  }
0x23: {  	s9 =	sor.u32 $0xD0000000, s2;
	s6 =	simm.s32 $0x108;
	_ =	swait.ge @!p0 [sflag:s8], $0x0  }
0x24: {  	s3 =	sadd.s32 $0x88, s3;
	s6 =	simm.s32 @!p1 $0x1082;
	[sflag:s4] =	ssyncset.s32 $0xFFFFF086  }
0x25: {  	[simem:s6], [sflag:s4] =	dma.local [hbm:s3], $0xF7A  }
0x26: {  	[smem:$0x3F96] =	sst s1;
	(tag) =	ssettag s2;
	_ =	strace s9  }
0x27: {  	s1 =	sld [smem:$0x3FA6]  }
0x28: {  	s2 =	sld [smem:$0x3FA7]  }
0x29: {  	s4 =	sld [smem:$0x3FA9]  }
0x2a: {  	p0 =	seq.s32 s5, $0x0;
	s5 =	sld [smem:$0x3FAA]  }
0x2b: {  	s6 =	sld [smem:$0x3FAB]  }
0x2c: {  	s7 =	sld [smem:$0x3FAC]  }
0x2d: {  	s3 =	simm.s32 $0x108;
	s8 =	sld [smem:$0x3FAD]  }
0x2e: {  	s3 =	simm.s32 @!p0 $0x1082;
	s9 =	sld [smem:$0x3FAE]  }
0x2f: {  	lr =	sadd.s32 s0, s3;
	s0 =	sld [smem:$0x3FA5]  }
0x30: {  	s3 =	sld [smem:$0x3FA8]  }
0x31: {  	[smem:$0x3FB1] =	sst s10  }
0x32: {  	s10 =	sld [smem:$0x3FAF];
	_ =	sdelay $0x3  }
0x33: {  	p0 =	seq.s32 s10, $0x1;
	s10 =	sld [smem:$0x3FB1];
	_ =	sdelay $0x3  }
0x34: {  	[smem:$0x3FB1] =	sst s10  }
0x35: {  	s10 =	sld [smem:$0x3FB0];
	_ =	sdelay $0x3  }
0x36: {  	p1 =	seq.s32 s10, $0x1;
	s10 =	sld [smem:$0x3FB1];
	_ =	sdelay $0x3  }
0x37: {  	[smem:$0x3FB1] =	sst s10  }
0x38: {  	s10 =	sld [smem:$0x3FB2]  }
0x39: {  	_ = 	snop;
	(pc) =	sbr.ind lr, $3  }
0x3a: {  	_ = 	snop  }
0x3b: {  	_ = 	snop  }
0x3c: {  	p2 =	seq.s32 s10, $0x1;
	s10 =	sld [smem:$0x3FB1]  }
0x3d: {  	_ =	shalt  }
0x3e: {  	_ =	shalt  }
0x3f: {  	_ =	shalt  }
0x40: {  	_ =	shalt  }
0x41: {  	_ =	shalt  }
0x42: {  	_ =	shalt  }
0x43: {  	_ =	shalt  }
0x44: {  	_ =	shalt  }
0x45: {  	_ =	shalt  }
0x46: {  	_ =	shalt  }
0x47: {  	_ =	shalt  }
0x48: {  	_ =	shalt  }
0x49: {  	_ =	shalt  }
0x4a: {  	_ =	shalt  }
0x4b: {  	_ =	shalt  }
0x4c: {  	_ =	shalt  }
0x4d: {  	_ =	shalt  }
0x4e: {  	_ =	shalt  }
0x4f: {  	_ =	shalt  }
0x50: {  	_ =	shalt  }
0x51: {  	_ =	shalt  }
0x52: {  	_ =	shalt  }
0x53: {  	_ =	shalt  }
0x54: {  	_ =	shalt  }
0x55: {  	_ =	shalt  }
0x56: {  	_ =	shalt  }
0x57: {  	_ =	shalt  }
0x58: {  	_ =	shalt  }
0x59: {  	_ =	shalt  }
0x5a: {  	_ =	shalt  }
0x5b: {  	_ =	shalt  }
0x5c: {  	_ =	shalt  }
0x5d: {  	_ =	shalt  }
0x5e: {  	_ =	shalt  }
0x5f: {  	_ =	shalt  }
0x60: {  	_ =	shalt  }
0x61: {  	_ =	shalt  }
0x62: {  	_ =	shalt  }
0x63: {  	_ =	shalt  }
0x64: {  	_ =	shalt  }
0x65: {  	_ =	shalt  }
0x66: {  	_ =	shalt  }
0x67: {  	_ =	shalt  }
0x68: {  	_ =	shalt  }
0x69: {  	_ =	shalt  }
0x6a: {  	_ =	shalt  }
0x6b: {  	_ =	shalt  }
0x6c: {  	_ =	shalt  }
0x6d: {  	_ =	shalt  }
0x6e: {  	_ =	shalt  }
0x6f: {  	_ =	shalt  }
0x70: {  	_ =	shalt  }
0x71: {  	_ =	shalt  }
0x72: {  	_ =	shalt  }
0x73: {  	_ =	shalt  }
0x74: {  	_ =	shalt  }
0x75: {  	_ =	shalt  }
0x76: {  	_ =	shalt  }
0x77: {  	_ =	shalt  }
0x78: {  	_ =	shalt  }
0x79: {  	_ =	shalt  }
0x7a: {  	_ =	shalt  }
0x7b: {  	_ =	shalt  }
0x7c: {  	_ =	shalt  }
0x7d: {  	_ =	shalt  }
0x7e: {  	_ =	shalt  }
0x7f: {  	_ =	shalt  }
0x80: {  	_ =	shalt  }
0x81: {  	_ =	shalt  }
0x82: {  	_ =	shalt  }
0x83: {  	_ =	shalt  }
0x84: {  	_ =	shalt  }
0x85: {  	_ =	shalt  }
0x86: {  	_ =	shalt  }
0x87: {  	_ =	shalt  }
.Lfunc_end0:
.L_simem_size_0:
called_computation.1_lowered:
.L_overlay_start_0:
0x88: {  	s2 =	sld [smem:$0x3FD9]  }
0x89: {  	s3 =	sld [smem:$0x3FFE];
	_ =	sdelay $0x1  }
0x8a: {  	s1 =	srdreg.scid  }
0x8b: {  	s0 =	sand.u32 $0x1, s1  }
0x8c: {  	s16 =	sshll.u32 s0, $0xA;
	s2 =	sadd.s32 s3, s2  }
0x8d: {  	s2 =	sadd.s32 s2, s16  }
0x8e: {  	[smem:$0x3FBD] =	sst s2  }
0x8f: {  	_ = 	snop  }
0x90: {  	(tm) =	ssettm $0x1  }
0x91: {  	s17 =	sld [smem:$0x3FFB];
	_ =	sdelay $0x3  }
0x92: {  	_ =	strace s17  }
0x93: {  	s2 =	sld [smem:$0x3FFC];
	_ =	sdelay $0x3  }
0x94: {  	_ =	strace s2  }
0x95: {  	s2 =	sld [smem:$0x3FFD];
	_ =	sdelay $0x3  }
0x96: {  	_ =	strace s2  }
0x97: {  	_ =	strace $0x8FFFFFFF  }
0x98: {  	s18 =	sld [smem:$0x3FDB];
	_ =	sdelay $0x1  }
0x99: {  	s19 =	simm.s32 $_scs_section_size  }
0x9a: {  	s4 =	simm.s32 $_size__tile_overlayer_lowered;
	s5 =	simm.s32 $_tile_overlayer_lowered  }
0x9b: {  	s22 =	simm.s32 $0x1BFF;
	s21 =	sshll.u32 s5, $0x1;
	s2 =	sadd.s32 s19, s18  }
0x9c: {  	s6 =	simm.s32 $0x0;
	s20 =	sshll.u32 s4, $0x1;
	s4 =	sadd.s32 s21, s2  }
0x9d: {  	[timem:s6], [sflag:s22] =	dma.local [hbm:s4], s20  }
0x9e: {  	_ =	swait.ge [sflag:s22], s20  }
0x9f: {  	s3 =	ssub.s32 $0x0, s20;
	[sflag:s22] =	ssyncset.done $0x0  }
0xa0: {  	[sflag:s22] =	ssyncadd.s32 s3;
	_ =	sdelay $0x1  }
0xa1: {  	s23 =	simm.s32 $0x1B8B  }
0xa2: {  	_ =	swait.ge [sflag:s23], $0x1  }
0xa3: {  	[sflag:s23] =	ssyncset.done $0x0  }
0xa4: {  	s25 =	simm.s32 $0x1B8E;
	s24 =	sld [smem:$0x3FFE];
	[sflag:s23] =	ssyncadd.s32 $0xFFFFFFFF  }
0xa5: {  	s26 =	simm.s32 $execute0_lowered;
	[smem:$0x3FD2] =	sst s25  }
0xa6: {  	s4 =	sshll.u32 s26, $0x1;
	_ =	strace $0x80000049;
	[dreg:$0x1] =	wrdreg $0xFFFFFFFF  }
0xa7: {  	s28 =	simm.s32 $_size_execute0_lowered;
	s2 =	sadd.s32 s2, s4;
	[dreg:$0x0] =	wrdreg $0x0  }
0xa8: {  	s4 =	sshll.u32 s28, $0x1;
	[dreg:$0x2] =	wrdreg s2  }
0xa9: {  	[dreg:$0x3] =	wrdreg s4  }
0xaa: {  	[dreg:$0x4] =	wrdreg $0xC0  }
0xab: {  	_ =	task [dreg:s6], $0x5FFFF  }
0xac: {  	[dreg:$0x1] =	wrdreg $0xFFFFFFFF  }
0xad: {  	[dreg:$0x0] =	wrdreg $0x60  }
0xae: {  	[dreg:$0x2] =	wrdreg s24  }
0xaf: {  	[dreg:$0x3] =	wrdreg $0x90000  }
0xb0: {  	[dreg:$0x4] =	wrdreg $0x9  }
0xb1: {  	_ =	task.clear_ibuf [dreg:s6], $0x5FFFF;
	_ =	strace $0x90000049  }
0xb2: {  	s29 =	simm.s32 $0x9;
	_ =	strace $0x8000004B  }
0xb3: {  	_ =	swait.ge [sflag:s29], $0x1  }
0xb4: {  	[sflag:s29] =	ssyncadd.s32 $0xFFFFFFFF  }
0xb5: {  	_ =	strace $0x9000004B  }
0xb6: {  	_ =	sfence  }
0xb7: {  	s30 =	sld [smem:$0x0];
	_ =	sdelay $0x2  }
0xb8: {  	s31 =	sshll.u32 s1, $0xD;
	s1 =	sshrl.u32 s1, $0x2  }
0xb9: {  	s3 =	sand.u32 $0x4000, s31;
	s1 =	sadd.s32 s1, s30  }
0xba: {  	s0 =	sor.u32 s3, s0;
	s1 =	sshll.u32 s1, $0x11  }
0xbb: {  	s0 =	sor.u32 s1, s0  }
0xbc: {  	s0 =	sadd.s32 $0x8F2B, s0  }
0xbd: {  	[sflag:s0] =	ssyncadd.remote.s32 $0x1  }
0xbe: {  	_ =	sfence.sel $0xFFFF  }
0xbf: {  	[dreg:$0x0] =	wrdreg $0xFFFFFFFF;
	(pc) =	sbr.abs _section_cstart, $3  }
0xc0: {  	[dreg:$0x1] =	wrdreg $0xFFFFFFFF  }
0xc1: {  	_ =	task.clear_ibuf [dreg:s6], $0x2FFFF;
	_ =	strace $0x9FFFFFFF  }
0xc2: {  	(tm) =	ssettm $0x7FFFFFFF  }
0xc3: {  	_ =	shalt  }
tec
execute0_lowered:
.L_overlay_start_1:
0x0: {  	(tag) =	ssettag $0x1  }
0x1: {  	s0 =	rddreg [dreg:$0x0]  }
0x2: {  	s2 =	rddreg [dreg:$0x1]  }
0x3: {  	s3 =	simm.s32 $0x0;
	s12 =	stileid.u32;
	s1 =	srdreg.scid  }
0x4: {  	s13 =	simm.s32 $0x2;
	s14 =	simm.s32 $0x800;
	s15 =	simm.s32 $0x80  }
0x5: {  	s16 =	simm.s32 $0x1000;
	s17 =	simm.s32 $0x5000;
	s18 =	simm.s32 $0x1  }
0x6: {  	s19 =	simm.s32 $0x100;
	s20 =	simm.s32 $0x880;
	s21 =	simm.s32 $0x180  }
0x7: {  	s28 =	simm.s32 $0xA00;
	s29 =	simm.s32 $0x300;
	s30 =	simm.s32 $0xA80  }
0x8: {  	s31 =	simm.s32 $0x380;
	[smem:$0x7FF] =	sst s3;
	s7 =	smul.u32 $0x2780, s12  }
0x9: {  	s1 =	sand.u32 $0x1, s1;
	s4 =	sadd.s32 $0x49200, s0;
	s5 =	sadd.s32 $0x98600, s0  }
0xa: {  	s9 =	smul.u32 $0x4F000, s12;
	s6 =	sadd.s32 $0x3A00, s0;
	s23 =	sshll.u32 s12, $0x6  }
0xb: {  	s24 =	sshll.u32 s12, $0x8;
	s26 =	smul.u32 $0x900, s12;
	s12 =	simm.s32 $0x780  }
0xc: {  	_ =	strace $0x8000004A;
	s8 =	smul.u32 $0x27800, s1;
	s11 =	ssub.s32 $0x2, s1  }
0xd: {  	p1 =	seq.s32 s1, $0x1;
	s25 =	sor.u32 $0x9000, s24;
	p0 =	sne.s32 s1, $0x0  }
0xe: {  	s1 =	simm.s32 $0xF00;
	s24 =	simm.s32 $0x0;
	s10 =	sadd.s32 s7, s0  }
0xf: {  	s22 =	sshrl.u32 s11, $0x1;
	s9 =	sshrl.u32 s9, $0x2;
	[dreg:$0x6] =	wrdreg s25  }
0x10: {  	[dreg:$0x7] =	wrdreg s26;
	s25 =	simm.s32 $0x980;
	p1 =	por !p1, !p1  }
0x11: {  	s26 =	simm.s32 $0x280;
	s0 =	sadd.s32 s8, s0;
	s8 =	ssub.s32 s11, s22  }
0x12: {  	s9 =	sadd.s32 s9, s2;
	s10 =	sadd.s32 $0x21A00, s10;
	s11 =	sor.u32 $0x1C02, s23  }
.Ltmp0:
0x13: {  	s22 =	simm.s32 $0x900;
	[dreg:$0x3] =	wrdreg s10;
	(pc) =	sbr.rel .LBB2_1-.Ltmp0, $4  }
0x14: {  	s23 =	simm.s32 $0x200;
	s8 =	smax.u32 s8, $0x1;
	[dreg:$0x4] =	wrdreg s11  }
0x15: {  	s0 =	sadd.s32 $0xA2600, s0;
	s10 =	sshrl.u32 s9, $0x3;
	[dreg:$0x5] =	wrdreg s8  }
0x16: {  	s9 =	simm.s32 $0xF80;
	s0 =	sadd.s32 s7, s0;
	[dreg:$0x8] =	wrdreg s10  }
0x17: {  	s7 =	simm.s32 $0xB80;
	[dreg:$0x9] =	wrdreg s0;
	s0 =	simm.s32 $0xB00  }
.LBB2_7:
0x18: {  	[bflag:$0x0] =	sbarrier.arrive $0xFFFF  }
0x19: {  	s11 =	rddreg [dreg:$0x4]  }
0x1a: {  	s10 =	rddreg [dreg:$0x8]  }
0x1b: {  	s8 =	rddreg [dreg:$0x9]  }
0x1c: {  	[hbm:s8], [sflag:s11] =	dma.local [spmem:s10], $0x2780  }
0x1d: {  	_ =	swait.ge [sflag:s13], $0x2780  }
0x1e: {  	s24 =	rddreg [dreg:$0xa]  }
0x1f: {  	s8 =	rddreg [dreg:$0x5];
	s24 =	sadd.s32 $0x1, s24  }
0x20: {  	p2 =	sne.s32 s24, s8  }
.Ltmp1:
0x21: {  	_ = 	snop;
	(pc) =	sbr.rel @!p2 .LBB2_8-.Ltmp1, $3  }
0x22: {  	_ =	sdelay $0x1  }
0x23: {  	[sflag:s13] =	ssyncset.done $0x0  }
0x24: {  	[sflag:s13] =	ssyncadd.s32 $0xFFFFD880  }
.LBB2_1:
0x25: {  	[dreg:$0xa] =	wrdreg s24  }
0x26: {  	s8 =	rddreg [dreg:$0x3]  }
0x27: {  	[spmem:s10], [sflag:s11] =	dma.local [hbm:s8], $0x2780  }
0x28: {  	_ =	swait.ge [sflag:s13], $0x2780  }
.Ltmp2:
0x29: {  	[sflag:s13] =	ssyncset.done $0x0;
	(pc) =	sbr.rel .LBB2_2-.Ltmp2, $4  }
0x2a: {  	[sflag:s13] =	ssyncadd.s32 $0xFFFFD880  }
0x2b: {  	[bflag:$0x0] =	sbarrier.arrive $0xFFFF  }
0x2c: {  	s10 =	rddreg [dreg:$0x7]  }
0x2d: {  	s24 =	simm.s32 $0x0;
	s11 =	rddreg [dreg:$0x6]  }
.LBB2_6:
0x2e: {  	s24 =	sadd.s32 $0x1, s24  }
0x2f: {  	p2 =	sne.s32 s24, $0x9  }
.Ltmp3:
0x30: {  	_ = 	snop;
	(pc) =	sbr.rel @!p2 .LBB2_7-.Ltmp3, $2  }
0x31: {  	_ =	sdelay $0x2  }
0x32: {  	s11 =	sadd.s32 $0x80, s11;
	s10 =	sadd.s32 $0x100, s10  }
.LBB2_2:
.Ltmp4:
0x33: {  	(pc) =	sbr.rel @p0 .LBB2_4-.Ltmp4, $1  }
0x34: {  	_ =	sdelay $0x3  }
0x35: {  	s8 =	sadd.s32 s10, s5  }
0x36: {  	[tilespmem:s3], [sflag:$0x2] =	stream.linear.gather [hbm4b:s8+s3], $0x800, $0x38;
	[tilespmem:$0x1CC00] =	vst v63  }
0x37: {  	_ =	swait.ge [sflag:s13], $0x800  }
0x38: {  	[sflag:s13] =	ssyncset.done $0x0  }
0x39: {  	s8 =	sadd.s32 s10, s6;
	[sflag:s13] =	ssyncadd.s32 $0xFFFFF800  }
0x3a: {  	[tilespmem:s14], [sflag:$0x2] =	stream.linear.gather [hbm4b:s8+s3], $0x800, $0x38;
	[tilespmem:$0x1CC00] =	vst v63  }
0x3b: {  	_ =	swait.ge [sflag:s13], $0x800  }
0x3c: {  	[sflag:s13] =	ssyncset.done $0x0  }
0x3d: {  	[sflag:s13] =	ssyncadd.s32 $0xFFFFF800  }
0x3e: {  	[tilespmem:s16], [sflag:$0x1] =	stream.indirect.gather [hbm4b:s4+s15], $0x80, s3, s15, $0xb8;
	[tilespmem:$0x1CC00] =	vst v63  }
0x3f: {  	_ = 	snop  }
0x40: {  	[tilespmem:s17], [sflag:$0x1] =	stream.indirect.gather [hbm4b:s4+s15], $0x80, s15, s15, $0xb8;
	[tilespmem:$0x1CC00] =	vst v63  }
0x41: {  	_ =	swait.ge [sflag:s18], $0x4000  }
0x42: {  	[sflag:s18] =	ssyncset.done $0x0  }
0x43: {  	[sflag:s18] =	ssyncadd.s32 $0xFFFFC000  }
0x44: {  	[spmem:s2] =	stream.indirect.scatter.add.f32 [tilespmem:s16], [sflag:$0x2], $0x80, s14, s15, $0xb8;
	[tilespmem:$0x1CC00] =	vst v63  }
0x45: {  	_ =	swait.ge [sflag:s13], $0x4000  }
0x46: {  	[sflag:s13] =	ssyncset.done $0x0  }
0x47: {  	[sflag:s13] =	ssyncadd.s32 $0xFFFFC000  }
0x48: {  	[tilespmem:s16], [sflag:$0x1] =	stream.indirect.gather [hbm4b:s4+s15], $0x80, s19, s15, $0xb8;
	[tilespmem:$0x1CC00] =	vst v63  }
0x49: {  	_ =	swait.ge [sflag:s18], $0x4000  }
0x4a: {  	[sflag:s18] =	ssyncset.done $0x0  }
0x4b: {  	[sflag:s18] =	ssyncadd.s32 $0xFFFFC000  }
0x4c: {  	[spmem:s2] =	stream.indirect.scatter.add.f32 [tilespmem:s17], [sflag:$0x2], $0x80, s20, s15, $0xb8;
	[tilespmem:$0x1CC00] =	vst v63  }
0x4d: {  	_ =	swait.ge [sflag:s13], $0x4000  }
0x4e: {  	[sflag:s13] =	ssyncset.done $0x0  }
0x4f: {  	[sflag:s13] =	ssyncadd.s32 $0xFFFFC000  }
0x50: {  	[tilespmem:s17], [sflag:$0x1] =	stream.indirect.gather [hbm4b:s4+s15], $0x80, s21, s15, $0xb8;
	[tilespmem:$0x1CC00] =	vst v63  }
0x51: {  	_ =	swait.ge [sflag:s18], $0x4000  }
0x52: {  	[sflag:s18] =	ssyncset.done $0x0  }
0x53: {  	[sflag:s18] =	ssyncadd.s32 $0xFFFFC000  }
0x54: {  	[spmem:s2] =	stream.indirect.scatter.add.f32 [tilespmem:s16], [sflag:$0x2], $0x80, s22, s15, $0xb8;
	[tilespmem:$0x1CC00] =	vst v63  }
0x55: {  	_ =	swait.ge [sflag:s13], $0x4000  }
0x56: {  	[sflag:s13] =	ssyncset.done $0x0  }
0x57: {  	[sflag:s13] =	ssyncadd.s32 $0xFFFFC000  }
0x58: {  	[tilespmem:s16], [sflag:$0x1] =	stream.indirect.gather [hbm4b:s4+s15], $0x80, s23, s15, $0xb8;
	[tilespmem:$0x1CC00] =	vst v63  }
0x59: {  	_ =	swait.ge [sflag:s18], $0x4000  }
0x5a: {  	[sflag:s18] =	ssyncset.done $0x0  }
0x5b: {  	[sflag:s18] =	ssyncadd.s32 $0xFFFFC000  }
0x5c: {  	[spmem:s2] =	stream.indirect.scatter.add.f32 [tilespmem:s17], [sflag:$0x2], $0x80, s25, s15, $0xb8;
	[tilespmem:$0x1CC00] =	vst v63  }
0x5d: {  	_ =	swait.ge [sflag:s13], $0x4000  }
0x5e: {  	[sflag:s13] =	ssyncset.done $0x0  }
0x5f: {  	[sflag:s13] =	ssyncadd.s32 $0xFFFFC000  }
0x60: {  	[tilespmem:s17], [sflag:$0x1] =	stream.indirect.gather [hbm4b:s4+s15], $0x80, s26, s15, $0xb8;
	[tilespmem:$0x1CC00] =	vst v63  }
0x61: {  	_ =	swait.ge [sflag:s18], $0x4000  }
0x62: {  	[sflag:s18] =	ssyncset.done $0x0  }
0x63: {  	[sflag:s18] =	ssyncadd.s32 $0xFFFFC000  }
0x64: {  	[spmem:s2] =	stream.indirect.scatter.add.f32 [tilespmem:s16], [sflag:$0x2], $0x80, s28, s15, $0xb8;
	[tilespmem:$0x1CC00] =	vst v63  }
0x65: {  	_ =	swait.ge [sflag:s13], $0x4000  }
0x66: {  	[sflag:s13] =	ssyncset.done $0x0  }
0x67: {  	[sflag:s13] =	ssyncadd.s32 $0xFFFFC000  }
0x68: {  	[tilespmem:s16], [sflag:$0x1] =	stream.indirect.gather [hbm4b:s4+s15], $0x80, s29, s15, $0xb8;
	[tilespmem:$0x1CC00] =	vst v63  }
0x69: {  	_ =	swait.ge [sflag:s18], $0x4000  }
0x6a: {  	[sflag:s18] =	ssyncset.done $0x0  }
0x6b: {  	[sflag:s18] =	ssyncadd.s32 $0xFFFFC000  }
0x6c: {  	[spmem:s2] =	stream.indirect.scatter.add.f32 [tilespmem:s17], [sflag:$0x2], $0x80, s30, s15, $0xb8;
	[tilespmem:$0x1CC00] =	vst v63  }
0x6d: {  	_ =	swait.ge [sflag:s13], $0x4000  }
0x6e: {  	[sflag:s13] =	ssyncset.done $0x0  }
0x6f: {  	[sflag:s13] =	ssyncadd.s32 $0xFFFFC000  }
0x70: {  	[tilespmem:s17], [sflag:$0x1] =	stream.indirect.gather [hbm4b:s4+s15], $0x80, s31, s15, $0xb8;
	[tilespmem:$0x1CC00] =	vst v63  }
0x71: {  	_ =	swait.ge [sflag:s18], $0x4000  }
0x72: {  	[sflag:s18] =	ssyncset.done $0x0  }
0x73: {  	[sflag:s18] =	ssyncadd.s32 $0xFFFFC000  }
0x74: {  	[spmem:s2] =	stream.indirect.scatter.add.f32 [tilespmem:s16], [sflag:$0x2], $0x80, s0, s15, $0xb8;
	[tilespmem:$0x1CC00] =	vst v63  }
0x75: {  	_ =	swait.ge [sflag:s13], $0x4000  }
0x76: {  	[sflag:s13] =	ssyncset.done $0x0  }
0x77: {  	s8 =	simm.s32 $0x400;
	[sflag:s13] =	ssyncadd.s32 $0xFFFFC000  }
0x78: {  	[tilespmem:s16], [sflag:$0x1] =	stream.indirect.gather [hbm4b:s4+s15], $0x80, s8, s15, $0xb8;
	[tilespmem:$0x1CC00] =	vst v63  }
0x79: {  	_ =	swait.ge [sflag:s18], $0x4000  }
0x7a: {  	[sflag:s18] =	ssyncset.done $0x0  }
0x7b: {  	[sflag:s18] =	ssyncadd.s32 $0xFFFFC000  }
0x7c: {  	[spmem:s2] =	stream.indirect.scatter.add.f32 [tilespmem:s17], [sflag:$0x2], $0x80, s7, s15, $0xb8;
	[tilespmem:$0x1CC00] =	vst v63  }
0x7d: {  	_ =	swait.ge [sflag:s13], $0x4000  }
0x7e: {  	[sflag:s13] =	ssyncset.done $0x0  }
0x7f: {  	s8 =	simm.s32 $0x480;
	[sflag:s13] =	ssyncadd.s32 $0xFFFFC000  }
0x80: {  	[tilespmem:s17], [sflag:$0x1] =	stream.indirect.gather [hbm4b:s4+s15], $0x80, s8, s15, $0xb8;
	[tilespmem:$0x1CC00] =	vst v63  }
0x81: {  	_ =	swait.ge [sflag:s18], $0x4000  }
0x82: {  	[sflag:s18] =	ssyncset.done $0x0  }
0x83: {  	s8 =	simm.s32 $0xC00;
	[sflag:s18] =	ssyncadd.s32 $0xFFFFC000  }
0x84: {  	[spmem:s2] =	stream.indirect.scatter.add.f32 [tilespmem:s16], [sflag:$0x2], $0x80, s8, s15, $0xb8;
	[tilespmem:$0x1CC00] =	vst v63  }
0x85: {  	_ =	swait.ge [sflag:s13], $0x4000  }
0x86: {  	[sflag:s13] =	ssyncset.done $0x0  }
0x87: {  	s8 =	simm.s32 $0x500;
	[sflag:s13] =	ssyncadd.s32 $0xFFFFC000  }
0x88: {  	[tilespmem:s16], [sflag:$0x1] =	stream.indirect.gather [hbm4b:s4+s15], $0x80, s8, s15, $0xb8;
	[tilespmem:$0x1CC00] =	vst v63  }
0x89: {  	_ =	swait.ge [sflag:s18], $0x4000  }
0x8a: {  	[sflag:s18] =	ssyncset.done $0x0  }
0x8b: {  	s8 =	simm.s32 $0xC80;
	[sflag:s18] =	ssyncadd.s32 $0xFFFFC000  }
0x8c: {  	[spmem:s2] =	stream.indirect.scatter.add.f32 [tilespmem:s17], [sflag:$0x2], $0x80, s8, s15, $0xb8;
	[tilespmem:$0x1CC00] =	vst v63  }
0x8d: {  	_ =	swait.ge [sflag:s13], $0x4000  }
0x8e: {  	[sflag:s13] =	ssyncset.done $0x0  }
0x8f: {  	s8 =	simm.s32 $0x580;
	[sflag:s13] =	ssyncadd.s32 $0xFFFFC000  }
0x90: {  	[tilespmem:s17], [sflag:$0x1] =	stream.indirect.gather [hbm4b:s4+s15], $0x80, s8, s15, $0xb8;
	[tilespmem:$0x1CC00] =	vst v63  }
0x91: {  	_ =	swait.ge [sflag:s18], $0x4000  }
0x92: {  	[sflag:s18] =	ssyncset.done $0x0  }
0x93: {  	s8 =	simm.s32 $0xD00;
	[sflag:s18] =	ssyncadd.s32 $0xFFFFC000  }
0x94: {  	[spmem:s2] =	stream.indirect.scatter.add.f32 [tilespmem:s16], [sflag:$0x2], $0x80, s8, s15, $0xb8;
	[tilespmem:$0x1CC00] =	vst v63  }
0x95: {  	_ =	swait.ge [sflag:s13], $0x4000  }
0x96: {  	[sflag:s13] =	ssyncset.done $0x0  }
0x97: {  	s8 =	simm.s32 $0x600;
	[sflag:s13] =	ssyncadd.s32 $0xFFFFC000  }
0x98: {  	[tilespmem:s16], [sflag:$0x1] =	stream.indirect.gather [hbm4b:s4+s15], $0x80, s8, s15, $0xb8;
	[tilespmem:$0x1CC00] =	vst v63  }
0x99: {  	_ =	swait.ge [sflag:s18], $0x4000  }
0x9a: {  	[sflag:s18] =	ssyncset.done $0x0  }
0x9b: {  	s8 =	simm.s32 $0xD80;
	[sflag:s18] =	ssyncadd.s32 $0xFFFFC000  }
0x9c: {  	[spmem:s2] =	stream.indirect.scatter.add.f32 [tilespmem:s17], [sflag:$0x2], $0x80, s8, s15, $0xb8;
	[tilespmem:$0x1CC00] =	vst v63  }
0x9d: {  	_ =	swait.ge [sflag:s13], $0x4000  }
0x9e: {  	[sflag:s13] =	ssyncset.done $0x0  }
0x9f: {  	s8 =	simm.s32 $0x680;
	[sflag:s13] =	ssyncadd.s32 $0xFFFFC000  }
0xa0: {  	[tilespmem:s17], [sflag:$0x1] =	stream.indirect.gather [hbm4b:s4+s15], $0x80, s8, s15, $0xb8;
	[tilespmem:$0x1CC00] =	vst v63  }
0xa1: {  	_ =	swait.ge [sflag:s18], $0x4000  }
0xa2: {  	[sflag:s18] =	ssyncset.done $0x0  }
0xa3: {  	s8 =	simm.s32 $0xE00;
	[sflag:s18] =	ssyncadd.s32 $0xFFFFC000  }
0xa4: {  	[spmem:s2] =	stream.indirect.scatter.add.f32 [tilespmem:s16], [sflag:$0x2], $0x80, s8, s15, $0xb8;
	[tilespmem:$0x1CC00] =	vst v63  }
0xa5: {  	_ =	swait.ge [sflag:s13], $0x4000  }
0xa6: {  	[sflag:s13] =	ssyncset.done $0x0  }
0xa7: {  	s8 =	simm.s32 $0x700;
	[sflag:s13] =	ssyncadd.s32 $0xFFFFC000  }
0xa8: {  	[tilespmem:s16], [sflag:$0x1] =	stream.indirect.gather [hbm4b:s4+s15], $0x80, s8, s15, $0xb8;
	[tilespmem:$0x1CC00] =	vst v63  }
0xa9: {  	_ =	swait.ge [sflag:s18], $0x4000  }
0xaa: {  	[sflag:s18] =	ssyncset.done $0x0  }
0xab: {  	s8 =	simm.s32 $0xE80;
	[sflag:s18] =	ssyncadd.s32 $0xFFFFC000  }
0xac: {  	[spmem:s2] =	stream.indirect.scatter.add.f32 [tilespmem:s17], [sflag:$0x2], $0x80, s8, s15, $0xb8;
	[tilespmem:$0x1CC00] =	vst v63  }
0xad: {  	_ =	swait.ge [sflag:s13], $0x4000  }
0xae: {  	[sflag:s13] =	ssyncset.done $0x0  }
0xaf: {  	[sflag:s13] =	ssyncadd.s32 $0xFFFFC000  }
0xb0: {  	[tilespmem:s17], [sflag:$0x1] =	stream.indirect.gather [hbm4b:s4+s15], $0x80, s12, s15, $0xb8;
	[tilespmem:$0x1CC00] =	vst v63  }
0xb1: {  	_ =	swait.ge [sflag:s18], $0x4000  }
0xb2: {  	[sflag:s18] =	ssyncset.done $0x0  }
0xb3: {  	[sflag:s18] =	ssyncadd.s32 $0xFFFFC000  }
0xb4: {  	[spmem:s2] =	stream.indirect.scatter.add.f32 [tilespmem:s16], [sflag:$0x2], $0x80, s1, s15, $0xb8;
	[tilespmem:$0x1CC00] =	vst v63  }
0xb5: {  	_ =	swait.ge [sflag:s13], $0x4000  }
0xb6: {  	[sflag:s13] =	ssyncset.done $0x0  }
0xb7: {  	[sflag:s13] =	ssyncadd.s32 $0xFFFFC000  }
0xb8: {  	_ =	swait.ge [sflag:s18], $0x4000  }
0xb9: {  	[sflag:s18] =	ssyncset.done $0x0  }
0xba: {  	[sflag:s18] =	ssyncadd.s32 $0xFFFFC000  }
0xbb: {  	[spmem:s2] =	stream.indirect.scatter.add.f32 [tilespmem:s17], [sflag:$0x2], $0x80, s9, s15, $0xb8;
	[tilespmem:$0x1CC00] =	vst v63  }
0xbc: {  	_ =	swait.ge [sflag:s13], $0x4000  }
0xbd: {  	[sflag:s13] =	ssyncset.done $0x0  }
0xbe: {  	[sflag:s13] =	ssyncadd.s32 $0xFFFFC000  }
.LBB2_4:
0xbf: {  	p2 =	sgt.u32 s24, $0x1  }
0xc0: {  	p2 =	por p2, p1  }
.Ltmp5:
0xc1: {  	_ = 	snop;
	(pc) =	sbr.rel @p2 .LBB2_6-.Ltmp5, $1  }
0xc2: {  	_ =	sdelay $0x3  }
0xc3: {  	s8 =	sadd.s32 s11, s5  }
0xc4: {  	[tilespmem:s3], [sflag:$0x2] =	stream.linear.gather [hbm4b:s8+s3], $0x400, $0x38;
	[tilespmem:$0x1CC00] =	vst v63  }
0xc5: {  	_ =	swait.ge [sflag:s13], $0x400  }
0xc6: {  	[sflag:s13] =	ssyncset.done $0x0  }
0xc7: {  	s8 =	sadd.s32 s11, s6;
	[sflag:s13] =	ssyncadd.s32 $0xFFFFFC00  }
0xc8: {  	[tilespmem:s14], [sflag:$0x2] =	stream.linear.gather [hbm4b:s8+s3], $0x400, $0x38;
	[tilespmem:$0x1CC00] =	vst v63  }
0xc9: {  	_ =	swait.ge [sflag:s13], $0x400  }
0xca: {  	[sflag:s13] =	ssyncset.done $0x0  }
0xcb: {  	[sflag:s13] =	ssyncadd.s32 $0xFFFFFC00  }
0xcc: {  	[tilespmem:s16], [sflag:$0x1] =	stream.indirect.gather [hbm4b:s4+s15], $0x80, s3, s15, $0xb8;
	[tilespmem:$0x1CC00] =	vst v63  }
0xcd: {  	_ = 	snop  }
0xce: {  	[tilespmem:s17], [sflag:$0x1] =	stream.indirect.gather [hbm4b:s4+s15], $0x80, s15, s15, $0xb8;
	[tilespmem:$0x1CC00] =	vst v63  }
0xcf: {  	_ =	swait.ge [sflag:s18], $0x4000  }
0xd0: {  	[sflag:s18] =	ssyncset.done $0x0  }
0xd1: {  	[sflag:s18] =	ssyncadd.s32 $0xFFFFC000  }
0xd2: {  	[spmem:s2] =	stream.indirect.scatter.add.f32 [tilespmem:s16], [sflag:$0x2], $0x80, s14, s15, $0xb8;
	[tilespmem:$0x1CC00] =	vst v63  }
0xd3: {  	_ =	swait.ge [sflag:s13], $0x4000  }
0xd4: {  	[sflag:s13] =	ssyncset.done $0x0  }
0xd5: {  	[sflag:s13] =	ssyncadd.s32 $0xFFFFC000  }
0xd6: {  	[tilespmem:s16], [sflag:$0x1] =	stream.indirect.gather [hbm4b:s4+s15], $0x80, s19, s15, $0xb8;
	[tilespmem:$0x1CC00] =	vst v63  }
0xd7: {  	_ =	swait.ge [sflag:s18], $0x4000  }
0xd8: {  	[sflag:s18] =	ssyncset.done $0x0  }
0xd9: {  	[sflag:s18] =	ssyncadd.s32 $0xFFFFC000  }
0xda: {  	[spmem:s2] =	stream.indirect.scatter.add.f32 [tilespmem:s17], [sflag:$0x2], $0x80, s20, s15, $0xb8;
	[tilespmem:$0x1CC00] =	vst v63  }
0xdb: {  	_ =	swait.ge [sflag:s13], $0x4000  }
0xdc: {  	[sflag:s13] =	ssyncset.done $0x0  }
0xdd: {  	[sflag:s13] =	ssyncadd.s32 $0xFFFFC000  }
0xde: {  	[tilespmem:s17], [sflag:$0x1] =	stream.indirect.gather [hbm4b:s4+s15], $0x80, s21, s15, $0xb8;
	[tilespmem:$0x1CC00] =	vst v63  }
0xdf: {  	_ =	swait.ge [sflag:s18], $0x4000  }
0xe0: {  	[sflag:s18] =	ssyncset.done $0x0  }
0xe1: {  	[sflag:s18] =	ssyncadd.s32 $0xFFFFC000  }
0xe2: {  	[spmem:s2] =	stream.indirect.scatter.add.f32 [tilespmem:s16], [sflag:$0x2], $0x80, s22, s15, $0xb8;
	[tilespmem:$0x1CC00] =	vst v63  }
0xe3: {  	_ =	swait.ge [sflag:s13], $0x4000  }
0xe4: {  	[sflag:s13] =	ssyncset.done $0x0  }
0xe5: {  	[sflag:s13] =	ssyncadd.s32 $0xFFFFC000  }
0xe6: {  	[tilespmem:s16], [sflag:$0x1] =	stream.indirect.gather [hbm4b:s4+s15], $0x80, s23, s15, $0xb8;
	[tilespmem:$0x1CC00] =	vst v63  }
0xe7: {  	_ =	swait.ge [sflag:s18], $0x4000  }
0xe8: {  	[sflag:s18] =	ssyncset.done $0x0  }
0xe9: {  	[sflag:s18] =	ssyncadd.s32 $0xFFFFC000  }
0xea: {  	[spmem:s2] =	stream.indirect.scatter.add.f32 [tilespmem:s17], [sflag:$0x2], $0x80, s25, s15, $0xb8;
	[tilespmem:$0x1CC00] =	vst v63  }
0xeb: {  	_ =	swait.ge [sflag:s13], $0x4000  }
0xec: {  	[sflag:s13] =	ssyncset.done $0x0  }
0xed: {  	[sflag:s13] =	ssyncadd.s32 $0xFFFFC000  }
0xee: {  	[tilespmem:s17], [sflag:$0x1] =	stream.indirect.gather [hbm4b:s4+s15], $0x80, s26, s15, $0xb8;
	[tilespmem:$0x1CC00] =	vst v63  }
0xef: {  	_ =	swait.ge [sflag:s18], $0x4000  }
0xf0: {  	[sflag:s18] =	ssyncset.done $0x0  }
0xf1: {  	[sflag:s18] =	ssyncadd.s32 $0xFFFFC000  }
0xf2: {  	[spmem:s2] =	stream.indirect.scatter.add.f32 [tilespmem:s16], [sflag:$0x2], $0x80, s28, s15, $0xb8;
	[tilespmem:$0x1CC00] =	vst v63  }
0xf3: {  	_ =	swait.ge [sflag:s13], $0x4000  }
0xf4: {  	[sflag:s13] =	ssyncset.done $0x0  }
0xf5: {  	[sflag:s13] =	ssyncadd.s32 $0xFFFFC000  }
0xf6: {  	[tilespmem:s16], [sflag:$0x1] =	stream.indirect.gather [hbm4b:s4+s15], $0x80, s29, s15, $0xb8;
	[tilespmem:$0x1CC00] =	vst v63  }
0xf7: {  	_ =	swait.ge [sflag:s18], $0x4000  }
0xf8: {  	[sflag:s18] =	ssyncset.done $0x0  }
0xf9: {  	[sflag:s18] =	ssyncadd.s32 $0xFFFFC000  }
0xfa: {  	[spmem:s2] =	stream.indirect.scatter.add.f32 [tilespmem:s17], [sflag:$0x2], $0x80, s30, s15, $0xb8;
	[tilespmem:$0x1CC00] =	vst v63  }
0xfb: {  	_ =	swait.ge [sflag:s13], $0x4000  }
0xfc: {  	[sflag:s13] =	ssyncset.done $0x0  }
0xfd: {  	[sflag:s13] =	ssyncadd.s32 $0xFFFFC000  }
0xfe: {  	[tilespmem:s17], [sflag:$0x1] =	stream.indirect.gather [hbm4b:s4+s15], $0x80, s31, s15, $0xb8;
	[tilespmem:$0x1CC00] =	vst v63  }
0xff: {  	_ =	swait.ge [sflag:s18], $0x4000  }
0x100: {  	[sflag:s18] =	ssyncset.done $0x0  }
0x101: {  	[sflag:s18] =	ssyncadd.s32 $0xFFFFC000  }
0x102: {  	[spmem:s2] =	stream.indirect.scatter.add.f32 [tilespmem:s16], [sflag:$0x2], $0x80, s0, s15, $0xb8;
	[tilespmem:$0x1CC00] =	vst v63  }
0x103: {  	_ =	swait.ge [sflag:s13], $0x4000  }
0x104: {  	[sflag:s13] =	ssyncset.done $0x0  }
0x105: {  	[sflag:s13] =	ssyncadd.s32 $0xFFFFC000  }
0x106: {  	_ =	swait.ge [sflag:s18], $0x4000  }
0x107: {  	[sflag:s18] =	ssyncset.done $0x0  }
.Ltmp6:
0x108: {  	[sflag:s18] =	ssyncadd.s32 $0xFFFFC000;
	(pc) =	sbr.rel .LBB2_6-.Ltmp6, $4  }
0x109: {  	[spmem:s2] =	stream.indirect.scatter.add.f32 [tilespmem:s17], [sflag:$0x2], $0x80, s7, s15, $0xb8;
	[tilespmem:$0x1CC00] =	vst v63  }
0x10a: {  	_ =	swait.ge [sflag:s13], $0x4000  }
0x10b: {  	[sflag:s13] =	ssyncset.done $0x0  }
0x10c: {  	[sflag:s13] =	ssyncadd.s32 $0xFFFFC000  }
.LBB2_8:
0x10d: {  	_ =	sfence.sel $0x180000  }
0x10e: {  	[bflag:$0x0] =	sbarrier.arrive $0xFFFF  }
0x10f: {  	_ =	strace $0x9000004A  }
0x110: {  	s0 =	stileid.u32;
	[bflag:$0x2] =	sbarrier.arrive $0xFFFF  }
0x111: {  	p0 =	sne.s32 s0, $0x0;
	s0 =	rddreg [dreg:$0x2]  }
0x112: {  	s0 =	sadd.s32 @!p0 $0x100000, s0  }
0x113: {  	[sflag:s0] =	ssyncadd.tile.s32 @!p0 $0x1;
	_ =	shalt  }
.Lfunc_end2:
_tile_overlayer_lowered:
.L_overlay_start_2:
0x114: {  	(tag) =	ssettag $0x2  }
0x115: {  	s0 =	rddreg [dreg:$0x0];
	s2 =	stileid.u32  }
0x116: {  	s1 =	rddreg [dreg:$0x1];
	p0 =	sne.s32 s2, $0x0  }
0x117: {  	s3 =	rddreg [dreg:$0x2];
	[bflag:$0x3] =	sbarrier.arrive $0xFFFF;
	s2 =	simm.s32 @!p0 $0x1C02  }
0x118: {  	[timem:s3], [sflag:s2] =	dma.local @!p0 [hbm:s0], s1  }
0x119: {  	s0 =	simm.s32 @!p0 $0x2  }
0x11a: {  	_ =	swait.ge @!p0 [sflag:s0], s1  }
0x11b: {  	s1 =	ssub.s32 @!p0 $0x0, s1;
	[sflag:s0] =	ssyncset.done @!p0 $0x0  }
0x11c: {  	[sflag:s0] =	ssyncadd.s32 @!p0 s1  }
0x11d: {  	[bflag:$0x3] =	sbarrier.arrive $0xFFFF  }
0x11e: {  	_ =	shalt  }

// kernel: kernel.16.cloned.1.call-start
scs
__scs_entry_jumppad:
0x0: {  	(pc) =	sbr.rel $0x88, $3  }
0x1: {  	(tag) =	ssettag $0x0;
	lr =	simm.s32 $0x1  }
0x2: {  	[smem:$0x3F96] =	sst lr;
	_ =	strace $0xD0000000  }
0x3: {  	_ = 	snop  }
0x4: {  	_ = 	snop  }
0x5: {  	_ = 	snop  }
0x6: {  	_ = 	snop  }
0x7: {  	_ = 	snop  }
__scs_overlays_trampoline_lowered:
0x8: {  	[smem:$0x3FA5] =	sst s0  }
0x9: {  	[smem:$0x3FA6] =	sst s1  }
0xa: {  	[smem:$0x3FA7] =	sst s2  }
0xb: {  	[smem:$0x3FA8] =	sst s3  }
0xc: {  	[smem:$0x3FA9] =	sst s4  }
0xd: {  	[smem:$0x3FAA] =	sst s5  }
0xe: {  	[smem:$0x3FAB] =	sst s6  }
0xf: {  	[smem:$0x3FAC] =	sst s7  }
0x10: {  	[smem:$0x3FAD] =	sst s8  }
0x11: {  	[smem:$0x3FAE] =	sst s9;
	s0 =	simm.s32 @!p0 $0x0  }
0x12: {  	s1 =	sld [smem:$0x3F94];
	s0 =	simm.s32 @p0 $0x1  }
0x13: {  	[smem:$0x3FAF] =	sst s0;
	s0 =	simm.s32 @!p1 $0x0  }
0x14: {  	s2 =	sld [smem:$0x3F93];
	s0 =	simm.s32 @p1 $0x1  }
0x15: {  	[smem:$0x3FB0] =	sst s0;
	s0 =	simm.s32 @!p2 $0x0  }
0x16: {  	s3 =	sld [smem:$0x3FDB];
	s0 =	simm.s32 @p2 $0x1  }
0x17: {  	s4 =	simm.s32 $0x1BF5;
	[smem:$0x3FB2] =	sst s0  }
0x18: {  	s0 =	sld [smem:$0x3F95];
	_ =	swait.ge [sflag:s4], $0x0  }
0x19: {  	s7 =	sld [smem:$0x3F96]  }
0x1a: {  	s8 =	sadd.s32 $0xFFFFE003, lr  }
0x1b: {  	s9 =	sadd.s32 $0xFFFFFEF7, lr;
	s5 =	simm.s32 $0xFFFFFFFF;
	p2 =	slt.u32 s8, $0xFFFFF086  }
0x1c: {  	p1 =	slt.u32 s9, $0xF7A;
	s5 =	simm.s32 @!p2 $0x0  }
0x1d: {  	s5 =	simm.s32 @p1 $0x1;
	p0 =	seq.s32 s7, s2  }
0x1e: {  	s7 =	smul.u32 @!p0 $0xF7A, s2;
	p2 =	seq.s32 @!p0 s5, $0x0  }
0x1f: {  	s9 =	smul.u32 $0xF7A, s1;
	s8 =	simm.s32 @!p0 $0x1BF5;
	p2 =	por !p2, p0  }
0x20: {  	[sflag:s8] =	ssyncset.s32 @!p0 $0xFFFFF086;
	s6 =	sadd.s32 @!p0 s3, s7;
	s7 =	simm.s32 @!p0 $0x108  }
0x21: {  	s3 =	sadd.s32 s3, s9;
	s6 =	sadd.s32 @!p0 $0x88, s6;
	s7 =	simm.s32 @p2 $0x1082  }
0x22: {  	[simem:s7], [sflag:s8] =	dma.local @!p0 [hbm:s6], $0xF7A  }
0x23: {  	s9 =	sor.u32 $0xD0000000, s2;
	s6 =	simm.s32 $0x108;
	_ =	swait.ge @!p0 [sflag:s8], $0x0  }
0x24: {  	s3 =	sadd.s32 $0x88, s3;
	s6 =	simm.s32 @!p1 $0x1082;
	[sflag:s4] =	ssyncset.s32 $0xFFFFF086  }
0x25: {  	[simem:s6], [sflag:s4] =	dma.local [hbm:s3], $0xF7A  }
0x26: {  	[smem:$0x3F96] =	sst s1;
	(tag) =	ssettag s2;
	_ =	strace s9  }
0x27: {  	s1 =	sld [smem:$0x3FA6]  }
0x28: {  	s2 =	sld [smem:$0x3FA7]  }
0x29: {  	s4 =	sld [smem:$0x3FA9]  }
0x2a: {  	p0 =	seq.s32 s5, $0x0;
	s5 =	sld [smem:$0x3FAA]  }
0x2b: {  	s6 =	sld [smem:$0x3FAB]  }
0x2c: {  	s7 =	sld [smem:$0x3FAC]  }
0x2d: {  	s3 =	simm.s32 $0x108;
	s8 =	sld [smem:$0x3FAD]  }
0x2e: {  	s3 =	simm.s32 @!p0 $0x1082;
	s9 =	sld [smem:$0x3FAE]  }
0x2f: {  	lr =	sadd.s32 s0, s3;
	s0 =	sld [smem:$0x3FA5]  }
0x30: {  	s3 =	sld [smem:$0x3FA8]  }
0x31: {  	[smem:$0x3FB1] =	sst s10  }
0x32: {  	s10 =	sld [smem:$0x3FAF];
	_ =	sdelay $0x3  }
0x33: {  	p0 =	seq.s32 s10, $0x1;
	s10 =	sld [smem:$0x3FB1];
	_ =	sdelay $0x3  }
0x34: {  	[smem:$0x3FB1] =	sst s10  }
0x35: {  	s10 =	sld [smem:$0x3FB0];
	_ =	sdelay $0x3  }
0x36: {  	p1 =	seq.s32 s10, $0x1;
	s10 =	sld [smem:$0x3FB1];
	_ =	sdelay $0x3  }
0x37: {  	[smem:$0x3FB1] =	sst s10  }
0x38: {  	s10 =	sld [smem:$0x3FB2]  }
0x39: {  	_ = 	snop;
	(pc) =	sbr.ind lr, $3  }
0x3a: {  	_ = 	snop  }
0x3b: {  	_ = 	snop  }
0x3c: {  	p2 =	seq.s32 s10, $0x1;
	s10 =	sld [smem:$0x3FB1]  }
0x3d: {  	_ =	shalt  }
0x3e: {  	_ =	shalt  }
0x3f: {  	_ =	shalt  }
0x40: {  	_ =	shalt  }
0x41: {  	_ =	shalt  }
0x42: {  	_ =	shalt  }
0x43: {  	_ =	shalt  }
0x44: {  	_ =	shalt  }
0x45: {  	_ =	shalt  }
0x46: {  	_ =	shalt  }
0x47: {  	_ =	shalt  }
0x48: {  	_ =	shalt  }
0x49: {  	_ =	shalt  }
0x4a: {  	_ =	shalt  }
0x4b: {  	_ =	shalt  }
0x4c: {  	_ =	shalt  }
0x4d: {  	_ =	shalt  }
0x4e: {  	_ =	shalt  }
0x4f: {  	_ =	shalt  }
0x50: {  	_ =	shalt  }
0x51: {  	_ =	shalt  }
0x52: {  	_ =	shalt  }
0x53: {  	_ =	shalt  }
0x54: {  	_ =	shalt  }
0x55: {  	_ =	shalt  }
0x56: {  	_ =	shalt  }
0x57: {  	_ =	shalt  }
0x58: {  	_ =	shalt  }
0x59: {  	_ =	shalt  }
0x5a: {  	_ =	shalt  }
0x5b: {  	_ =	shalt  }
0x5c: {  	_ =	shalt  }
0x5d: {  	_ =	shalt  }
0x5e: {  	_ =	shalt  }
0x5f: {  	_ =	shalt  }
0x60: {  	_ =	shalt  }
0x61: {  	_ =	shalt  }
0x62: {  	_ =	shalt  }
0x63: {  	_ =	shalt  }
0x64: {  	_ =	shalt  }
0x65: {  	_ =	shalt  }
0x66: {  	_ =	shalt  }
0x67: {  	_ =	shalt  }
0x68: {  	_ =	shalt  }
0x69: {  	_ =	shalt  }
0x6a: {  	_ =	shalt  }
0x6b: {  	_ =	shalt  }
0x6c: {  	_ =	shalt  }
0x6d: {  	_ =	shalt  }
0x6e: {  	_ =	shalt  }
0x6f: {  	_ =	shalt  }
0x70: {  	_ =	shalt  }
0x71: {  	_ =	shalt  }
0x72: {  	_ =	shalt  }
0x73: {  	_ =	shalt  }
0x74: {  	_ =	shalt  }
0x75: {  	_ =	shalt  }
0x76: {  	_ =	shalt  }
0x77: {  	_ =	shalt  }
0x78: {  	_ =	shalt  }
0x79: {  	_ =	shalt  }
0x7a: {  	_ =	shalt  }
0x7b: {  	_ =	shalt  }
0x7c: {  	_ =	shalt  }
0x7d: {  	_ =	shalt  }
0x7e: {  	_ =	shalt  }
0x7f: {  	_ =	shalt  }
0x80: {  	_ =	shalt  }
0x81: {  	_ =	shalt  }
0x82: {  	_ =	shalt  }
0x83: {  	_ =	shalt  }
0x84: {  	_ =	shalt  }
0x85: {  	_ =	shalt  }
0x86: {  	_ =	shalt  }
0x87: {  	_ =	shalt  }
.Lfunc_end0:
.L_simem_size_0:
called_computation.2_lowered:
.L_overlay_start_0:
0x88: {  	s2 =	sld [smem:$0x3FD9]  }
0x89: {  	s3 =	sld [smem:$0x3FFE];
	_ =	sdelay $0x1  }
0x8a: {  	s1 =	srdreg.scid  }
0x8b: {  	s0 =	sand.u32 $0x1, s1  }
0x8c: {  	s16 =	sshll.u32 s0, $0xA;
	s2 =	sadd.s32 s3, s2  }
0x8d: {  	s2 =	sadd.s32 s2, s16  }
0x8e: {  	[smem:$0x3FBD] =	sst s2  }
0x8f: {  	_ = 	snop  }
0x90: {  	(tm) =	ssettm $0x1  }
0x91: {  	s17 =	sld [smem:$0x3FFB];
	_ =	sdelay $0x3  }
0x92: {  	_ =	strace s17  }
0x93: {  	s2 =	sld [smem:$0x3FFC];
	_ =	sdelay $0x3  }
0x94: {  	_ =	strace s2  }
0x95: {  	s2 =	sld [smem:$0x3FFD];
	_ =	sdelay $0x3  }
0x96: {  	_ =	strace s2  }
0x97: {  	_ =	strace $0x8FFFFFFF  }
0x98: {  	s18 =	sld [smem:$0x3FDB];
	_ =	sdelay $0x1  }
0x99: {  	s19 =	simm.s32 $_scs_section_size  }
0x9a: {  	s4 =	simm.s32 $_size__tile_overlayer_lowered;
	s5 =	simm.s32 $_tile_overlayer_lowered  }
0x9b: {  	s22 =	simm.s32 $0x1BFF;
	s21 =	sshll.u32 s5, $0x1;
	s2 =	sadd.s32 s19, s18  }
0x9c: {  	s6 =	simm.s32 $0x0;
	s20 =	sshll.u32 s4, $0x1;
	s4 =	sadd.s32 s21, s2  }
0x9d: {  	[timem:s6], [sflag:s22] =	dma.local [hbm:s4], s20  }
0x9e: {  	_ =	swait.ge [sflag:s22], s20  }
0x9f: {  	s3 =	ssub.s32 $0x0, s20;
	[sflag:s22] =	ssyncset.done $0x0  }
0xa0: {  	[sflag:s22] =	ssyncadd.s32 s3;
	_ =	sdelay $0x1  }
0xa1: {  	s23 =	simm.s32 $0x1B8B  }
0xa2: {  	_ =	swait.ge [sflag:s23], $0x1  }
0xa3: {  	[sflag:s23] =	ssyncset.done $0x0  }
0xa4: {  	s25 =	simm.s32 $0x1B8E;
	s24 =	sld [smem:$0x3FFE];
	[sflag:s23] =	ssyncadd.s32 $0xFFFFFFFF  }
0xa5: {  	s26 =	simm.s32 $execute0_lowered;
	[smem:$0x3FD2] =	sst s25  }
0xa6: {  	s4 =	sshll.u32 s26, $0x1;
	_ =	strace $0x8000004C;
	[dreg:$0x1] =	wrdreg $0xFFFFFFFF  }
0xa7: {  	s28 =	simm.s32 $_size_execute0_lowered;
	s2 =	sadd.s32 s2, s4;
	[dreg:$0x0] =	wrdreg $0x0  }
0xa8: {  	s4 =	sshll.u32 s28, $0x1;
	[dreg:$0x2] =	wrdreg s2  }
0xa9: {  	[dreg:$0x3] =	wrdreg s4  }
0xaa: {  	[dreg:$0x4] =	wrdreg $0xC0  }
0xab: {  	_ =	task [dreg:s6], $0x5FFFF  }
0xac: {  	[dreg:$0x1] =	wrdreg $0xFFFFFFFF  }
0xad: {  	[dreg:$0x0] =	wrdreg $0x60  }
0xae: {  	[dreg:$0x2] =	wrdreg s24  }
0xaf: {  	[dreg:$0x3] =	wrdreg $0x90000  }
0xb0: {  	[dreg:$0x4] =	wrdreg $0x9  }
0xb1: {  	_ =	task.clear_ibuf [dreg:s6], $0x5FFFF;
	_ =	strace $0x9000004C  }
0xb2: {  	s29 =	simm.s32 $0x9;
	_ =	strace $0x8000004E  }
0xb3: {  	_ =	swait.ge [sflag:s29], $0x1  }
0xb4: {  	[sflag:s29] =	ssyncadd.s32 $0xFFFFFFFF  }
0xb5: {  	_ =	strace $0x9000004E  }
0xb6: {  	_ =	sfence  }
0xb7: {  	s30 =	sld [smem:$0x0];
	_ =	sdelay $0x2  }
0xb8: {  	s31 =	sshll.u32 s1, $0xD;
	s1 =	sshrl.u32 s1, $0x2  }
0xb9: {  	s3 =	sand.u32 $0x4000, s31;
	s1 =	sadd.s32 s1, s30  }
0xba: {  	s0 =	sor.u32 s3, s0;
	s1 =	sshll.u32 s1, $0x11  }
0xbb: {  	s0 =	sor.u32 s1, s0  }
0xbc: {  	s0 =	sadd.s32 $0x8F2B, s0  }
0xbd: {  	[sflag:s0] =	ssyncadd.remote.s32 $0x1  }
0xbe: {  	_ =	sfence.sel $0xFFFF  }
0xbf: {  	[dreg:$0x0] =	wrdreg $0xFFFFFFFF;
	(pc) =	sbr.abs _section_cstart, $3  }
0xc0: {  	[dreg:$0x1] =	wrdreg $0xFFFFFFFF  }
0xc1: {  	_ =	task.clear_ibuf [dreg:s6], $0x2FFFF;
	_ =	strace $0x9FFFFFFF  }
0xc2: {  	(tm) =	ssettm $0x7FFFFFFF  }
0xc3: {  	_ =	shalt  }
tec
execute0_lowered:
.L_overlay_start_1:
0x0: {  	(tag) =	ssettag $0x1  }
0x1: {  	s0 =	rddreg [dreg:$0x0]  }
0x2: {  	s2 =	rddreg [dreg:$0x1]  }
0x3: {  	s3 =	simm.s32 $0x0;
	s12 =	stileid.u32;
	s1 =	srdreg.scid  }
0x4: {  	s13 =	simm.s32 $0x2;
	s14 =	simm.s32 $0x800;
	s15 =	simm.s32 $0x80  }
0x5: {  	s16 =	simm.s32 $0x1000;
	s17 =	simm.s32 $0x5000;
	s18 =	simm.s32 $0x1  }
0x6: {  	s19 =	simm.s32 $0x100;
	s20 =	simm.s32 $0x880;
	s21 =	simm.s32 $0x180  }
0x7: {  	s28 =	simm.s32 $0xA00;
	s29 =	simm.s32 $0x300;
	s30 =	simm.s32 $0xA80  }
0x8: {  	s31 =	simm.s32 $0x380;
	[smem:$0x7FF] =	sst s3;
	s7 =	smul.u32 $0x2780, s12  }
0x9: {  	s1 =	sand.u32 $0x1, s1;
	s4 =	sadd.s32 $0x49200, s0;
	s5 =	sadd.s32 $0x98600, s0  }
0xa: {  	s9 =	smul.u32 $0x4F000, s12;
	s6 =	sadd.s32 $0x3A00, s0;
	s23 =	sshll.u32 s12, $0x6  }
0xb: {  	s24 =	sshll.u32 s12, $0x8;
	s26 =	smul.u32 $0x900, s12;
	s12 =	simm.s32 $0x780  }
0xc: {  	_ =	strace $0x8000004D;
	s8 =	smul.u32 $0x27800, s1;
	s11 =	ssub.s32 $0x2, s1  }
0xd: {  	p1 =	seq.s32 s1, $0x1;
	s25 =	sor.u32 $0x9000, s24;
	p0 =	sne.s32 s1, $0x0  }
0xe: {  	s1 =	simm.s32 $0xF00;
	s24 =	simm.s32 $0x0;
	s10 =	sadd.s32 s7, s0  }
0xf: {  	s22 =	sshrl.u32 s11, $0x1;
	s9 =	sshrl.u32 s9, $0x2;
	[dreg:$0x6] =	wrdreg s25  }
0x10: {  	[dreg:$0x7] =	wrdreg s26;
	s25 =	simm.s32 $0x980;
	p1 =	por !p1, !p1  }
0x11: {  	s26 =	simm.s32 $0x280;
	s0 =	sadd.s32 s8, s0;
	s8 =	ssub.s32 s11, s22  }
0x12: {  	s9 =	sadd.s32 s9, s2;
	s10 =	sadd.s32 $0x21A00, s10;
	s11 =	sor.u32 $0x1C02, s23  }
.Ltmp0:
0x13: {  	s22 =	simm.s32 $0x900;
	[dreg:$0x3] =	wrdreg s10;
	(pc) =	sbr.rel .LBB2_1-.Ltmp0, $4  }
0x14: {  	s23 =	simm.s32 $0x200;
	s8 =	smax.u32 s8, $0x1;
	[dreg:$0x4] =	wrdreg s11  }
0x15: {  	s0 =	sadd.s32 $0xA2600, s0;
	s10 =	sshrl.u32 s9, $0x3;
	[dreg:$0x5] =	wrdreg s8  }
0x16: {  	s9 =	simm.s32 $0xF80;
	s0 =	sadd.s32 s7, s0;
	[dreg:$0x8] =	wrdreg s10  }
0x17: {  	s7 =	simm.s32 $0xB80;
	[dreg:$0x9] =	wrdreg s0;
	s0 =	simm.s32 $0xB00  }
.LBB2_7:
0x18: {  	[bflag:$0x0] =	sbarrier.arrive $0xFFFF  }
0x19: {  	s11 =	rddreg [dreg:$0x4]  }
0x1a: {  	s10 =	rddreg [dreg:$0x8]  }
0x1b: {  	s8 =	rddreg [dreg:$0x9]  }
0x1c: {  	[hbm:s8], [sflag:s11] =	dma.local [spmem:s10], $0x2780  }
0x1d: {  	_ =	swait.ge [sflag:s13], $0x2780  }
0x1e: {  	s24 =	rddreg [dreg:$0xa]  }
0x1f: {  	s8 =	rddreg [dreg:$0x5];
	s24 =	sadd.s32 $0x1, s24  }
0x20: {  	p2 =	sne.s32 s24, s8  }
.Ltmp1:
0x21: {  	_ = 	snop;
	(pc) =	sbr.rel @!p2 .LBB2_8-.Ltmp1, $3  }
0x22: {  	_ =	sdelay $0x1  }
0x23: {  	[sflag:s13] =	ssyncset.done $0x0  }
0x24: {  	[sflag:s13] =	ssyncadd.s32 $0xFFFFD880  }
.LBB2_1:
0x25: {  	[dreg:$0xa] =	wrdreg s24  }
0x26: {  	s8 =	rddreg [dreg:$0x3]  }
0x27: {  	[spmem:s10], [sflag:s11] =	dma.local [hbm:s8], $0x2780  }
0x28: {  	_ =	swait.ge [sflag:s13], $0x2780  }
.Ltmp2:
0x29: {  	[sflag:s13] =	ssyncset.done $0x0;
	(pc) =	sbr.rel .LBB2_2-.Ltmp2, $4  }
0x2a: {  	[sflag:s13] =	ssyncadd.s32 $0xFFFFD880  }
0x2b: {  	[bflag:$0x0] =	sbarrier.arrive $0xFFFF  }
0x2c: {  	s10 =	rddreg [dreg:$0x7]  }
0x2d: {  	s24 =	simm.s32 $0x0;
	s11 =	rddreg [dreg:$0x6]  }
.LBB2_6:
0x2e: {  	s24 =	sadd.s32 $0x1, s24  }
0x2f: {  	p2 =	sne.s32 s24, $0x9  }
.Ltmp3:
0x30: {  	_ = 	snop;
	(pc) =	sbr.rel @!p2 .LBB2_7-.Ltmp3, $2  }
0x31: {  	_ =	sdelay $0x2  }
0x32: {  	s11 =	sadd.s32 $0x80, s11;
	s10 =	sadd.s32 $0x100, s10  }
.LBB2_2:
.Ltmp4:
0x33: {  	(pc) =	sbr.rel @p0 .LBB2_4-.Ltmp4, $1  }
0x34: {  	_ =	sdelay $0x3  }
0x35: {  	s8 =	sadd.s32 s10, s5  }
0x36: {  	[tilespmem:s3], [sflag:$0x2] =	stream.linear.gather [hbm4b:s8+s3], $0x800, $0x38;
	[tilespmem:$0x1CC00] =	vst v63  }
0x37: {  	_ =	swait.ge [sflag:s13], $0x800  }
0x38: {  	[sflag:s13] =	ssyncset.done $0x0  }
0x39: {  	s8 =	sadd.s32 s10, s6;
	[sflag:s13] =	ssyncadd.s32 $0xFFFFF800  }
0x3a: {  	[tilespmem:s14], [sflag:$0x2] =	stream.linear.gather [hbm4b:s8+s3], $0x800, $0x38;
	[tilespmem:$0x1CC00] =	vst v63  }
0x3b: {  	_ =	swait.ge [sflag:s13], $0x800  }
0x3c: {  	[sflag:s13] =	ssyncset.done $0x0  }
0x3d: {  	[sflag:s13] =	ssyncadd.s32 $0xFFFFF800  }
0x3e: {  	[tilespmem:s16], [sflag:$0x1] =	stream.indirect.gather [hbm4b:s4+s15], $0x80, s3, s15, $0xb8;
	[tilespmem:$0x1CC00] =	vst v63  }
0x3f: {  	_ = 	snop  }
0x40: {  	[tilespmem:s17], [sflag:$0x1] =	stream.indirect.gather [hbm4b:s4+s15], $0x80, s15, s15, $0xb8;
	[tilespmem:$0x1CC00] =	vst v63  }
0x41: {  	_ =	swait.ge [sflag:s18], $0x4000  }
0x42: {  	[sflag:s18] =	ssyncset.done $0x0  }
0x43: {  	[sflag:s18] =	ssyncadd.s32 $0xFFFFC000  }
0x44: {  	[spmem:s2] =	stream.indirect.scatter.add.f32 [tilespmem:s16], [sflag:$0x2], $0x80, s14, s15, $0xb8;
	[tilespmem:$0x1CC00] =	vst v63  }
0x45: {  	_ =	swait.ge [sflag:s13], $0x4000  }
0x46: {  	[sflag:s13] =	ssyncset.done $0x0  }
0x47: {  	[sflag:s13] =	ssyncadd.s32 $0xFFFFC000  }
0x48: {  	[tilespmem:s16], [sflag:$0x1] =	stream.indirect.gather [hbm4b:s4+s15], $0x80, s19, s15, $0xb8;
	[tilespmem:$0x1CC00] =	vst v63  }
0x49: {  	_ =	swait.ge [sflag:s18], $0x4000  }
0x4a: {  	[sflag:s18] =	ssyncset.done $0x0  }
0x4b: {  	[sflag:s18] =	ssyncadd.s32 $0xFFFFC000  }
0x4c: {  	[spmem:s2] =	stream.indirect.scatter.add.f32 [tilespmem:s17], [sflag:$0x2], $0x80, s20, s15, $0xb8;
	[tilespmem:$0x1CC00] =	vst v63  }
0x4d: {  	_ =	swait.ge [sflag:s13], $0x4000  }
0x4e: {  	[sflag:s13] =	ssyncset.done $0x0  }
0x4f: {  	[sflag:s13] =	ssyncadd.s32 $0xFFFFC000  }
0x50: {  	[tilespmem:s17], [sflag:$0x1] =	stream.indirect.gather [hbm4b:s4+s15], $0x80, s21, s15, $0xb8;
	[tilespmem:$0x1CC00] =	vst v63  }
0x51: {  	_ =	swait.ge [sflag:s18], $0x4000  }
0x52: {  	[sflag:s18] =	ssyncset.done $0x0  }
0x53: {  	[sflag:s18] =	ssyncadd.s32 $0xFFFFC000  }
0x54: {  	[spmem:s2] =	stream.indirect.scatter.add.f32 [tilespmem:s16], [sflag:$0x2], $0x80, s22, s15, $0xb8;
	[tilespmem:$0x1CC00] =	vst v63  }
0x55: {  	_ =	swait.ge [sflag:s13], $0x4000  }
0x56: {  	[sflag:s13] =	ssyncset.done $0x0  }
0x57: {  	[sflag:s13] =	ssyncadd.s32 $0xFFFFC000  }
0x58: {  	[tilespmem:s16], [sflag:$0x1] =	stream.indirect.gather [hbm4b:s4+s15], $0x80, s23, s15, $0xb8;
	[tilespmem:$0x1CC00] =	vst v63  }
0x59: {  	_ =	swait.ge [sflag:s18], $0x4000  }
0x5a: {  	[sflag:s18] =	ssyncset.done $0x0  }
0x5b: {  	[sflag:s18] =	ssyncadd.s32 $0xFFFFC000  }
0x5c: {  	[spmem:s2] =	stream.indirect.scatter.add.f32 [tilespmem:s17], [sflag:$0x2], $0x80, s25, s15, $0xb8;
	[tilespmem:$0x1CC00] =	vst v63  }
0x5d: {  	_ =	swait.ge [sflag:s13], $0x4000  }
0x5e: {  	[sflag:s13] =	ssyncset.done $0x0  }
0x5f: {  	[sflag:s13] =	ssyncadd.s32 $0xFFFFC000  }
0x60: {  	[tilespmem:s17], [sflag:$0x1] =	stream.indirect.gather [hbm4b:s4+s15], $0x80, s26, s15, $0xb8;
	[tilespmem:$0x1CC00] =	vst v63  }
0x61: {  	_ =	swait.ge [sflag:s18], $0x4000  }
0x62: {  	[sflag:s18] =	ssyncset.done $0x0  }
0x63: {  	[sflag:s18] =	ssyncadd.s32 $0xFFFFC000  }
0x64: {  	[spmem:s2] =	stream.indirect.scatter.add.f32 [tilespmem:s16], [sflag:$0x2], $0x80, s28, s15, $0xb8;
	[tilespmem:$0x1CC00] =	vst v63  }
0x65: {  	_ =	swait.ge [sflag:s13], $0x4000  }
0x66: {  	[sflag:s13] =	ssyncset.done $0x0  }
0x67: {  	[sflag:s13] =	ssyncadd.s32 $0xFFFFC000  }
0x68: {  	[tilespmem:s16], [sflag:$0x1] =	stream.indirect.gather [hbm4b:s4+s15], $0x80, s29, s15, $0xb8;
	[tilespmem:$0x1CC00] =	vst v63  }
0x69: {  	_ =	swait.ge [sflag:s18], $0x4000  }
0x6a: {  	[sflag:s18] =	ssyncset.done $0x0  }
0x6b: {  	[sflag:s18] =	ssyncadd.s32 $0xFFFFC000  }
0x6c: {  	[spmem:s2] =	stream.indirect.scatter.add.f32 [tilespmem:s17], [sflag:$0x2], $0x80, s30, s15, $0xb8;
	[tilespmem:$0x1CC00] =	vst v63  }
0x6d: {  	_ =	swait.ge [sflag:s13], $0x4000  }
0x6e: {  	[sflag:s13] =	ssyncset.done $0x0  }
0x6f: {  	[sflag:s13] =	ssyncadd.s32 $0xFFFFC000  }
0x70: {  	[tilespmem:s17], [sflag:$0x1] =	stream.indirect.gather [hbm4b:s4+s15], $0x80, s31, s15, $0xb8;
	[tilespmem:$0x1CC00] =	vst v63  }
0x71: {  	_ =	swait.ge [sflag:s18], $0x4000  }
0x72: {  	[sflag:s18] =	ssyncset.done $0x0  }
0x73: {  	[sflag:s18] =	ssyncadd.s32 $0xFFFFC000  }
0x74: {  	[spmem:s2] =	stream.indirect.scatter.add.f32 [tilespmem:s16], [sflag:$0x2], $0x80, s0, s15, $0xb8;
	[tilespmem:$0x1CC00] =	vst v63  }
0x75: {  	_ =	swait.ge [sflag:s13], $0x4000  }
0x76: {  	[sflag:s13] =	ssyncset.done $0x0  }
0x77: {  	s8 =	simm.s32 $0x400;
	[sflag:s13] =	ssyncadd.s32 $0xFFFFC000  }
0x78: {  	[tilespmem:s16], [sflag:$0x1] =	stream.indirect.gather [hbm4b:s4+s15], $0x80, s8, s15, $0xb8;
	[tilespmem:$0x1CC00] =	vst v63  }
0x79: {  	_ =	swait.ge [sflag:s18], $0x4000  }
0x7a: {  	[sflag:s18] =	ssyncset.done $0x0  }
0x7b: {  	[sflag:s18] =	ssyncadd.s32 $0xFFFFC000  }
0x7c: {  	[spmem:s2] =	stream.indirect.scatter.add.f32 [tilespmem:s17], [sflag:$0x2], $0x80, s7, s15, $0xb8;
	[tilespmem:$0x1CC00] =	vst v63  }
0x7d: {  	_ =	swait.ge [sflag:s13], $0x4000  }
0x7e: {  	[sflag:s13] =	ssyncset.done $0x0  }
0x7f: {  	s8 =	simm.s32 $0x480;
	[sflag:s13] =	ssyncadd.s32 $0xFFFFC000  }
0x80: {  	[tilespmem:s17], [sflag:$0x1] =	stream.indirect.gather [hbm4b:s4+s15], $0x80, s8, s15, $0xb8;
	[tilespmem:$0x1CC00] =	vst v63  }
0x81: {  	_ =	swait.ge [sflag:s18], $0x4000  }
0x82: {  	[sflag:s18] =	ssyncset.done $0x0  }
0x83: {  	s8 =	simm.s32 $0xC00;
	[sflag:s18] =	ssyncadd.s32 $0xFFFFC000  }
0x84: {  	[spmem:s2] =	stream.indirect.scatter.add.f32 [tilespmem:s16], [sflag:$0x2], $0x80, s8, s15, $0xb8;
	[tilespmem:$0x1CC00] =	vst v63  }
0x85: {  	_ =	swait.ge [sflag:s13], $0x4000  }
0x86: {  	[sflag:s13] =	ssyncset.done $0x0  }
0x87: {  	s8 =	simm.s32 $0x500;
	[sflag:s13] =	ssyncadd.s32 $0xFFFFC000  }
0x88: {  	[tilespmem:s16], [sflag:$0x1] =	stream.indirect.gather [hbm4b:s4+s15], $0x80, s8, s15, $0xb8;
	[tilespmem:$0x1CC00] =	vst v63  }
0x89: {  	_ =	swait.ge [sflag:s18], $0x4000  }
0x8a: {  	[sflag:s18] =	ssyncset.done $0x0  }
0x8b: {  	s8 =	simm.s32 $0xC80;
	[sflag:s18] =	ssyncadd.s32 $0xFFFFC000  }
0x8c: {  	[spmem:s2] =	stream.indirect.scatter.add.f32 [tilespmem:s17], [sflag:$0x2], $0x80, s8, s15, $0xb8;
	[tilespmem:$0x1CC00] =	vst v63  }
0x8d: {  	_ =	swait.ge [sflag:s13], $0x4000  }
0x8e: {  	[sflag:s13] =	ssyncset.done $0x0  }
0x8f: {  	s8 =	simm.s32 $0x580;
	[sflag:s13] =	ssyncadd.s32 $0xFFFFC000  }
0x90: {  	[tilespmem:s17], [sflag:$0x1] =	stream.indirect.gather [hbm4b:s4+s15], $0x80, s8, s15, $0xb8;
	[tilespmem:$0x1CC00] =	vst v63  }
0x91: {  	_ =	swait.ge [sflag:s18], $0x4000  }
0x92: {  	[sflag:s18] =	ssyncset.done $0x0  }
0x93: {  	s8 =	simm.s32 $0xD00;
	[sflag:s18] =	ssyncadd.s32 $0xFFFFC000  }
0x94: {  	[spmem:s2] =	stream.indirect.scatter.add.f32 [tilespmem:s16], [sflag:$0x2], $0x80, s8, s15, $0xb8;
	[tilespmem:$0x1CC00] =	vst v63  }
0x95: {  	_ =	swait.ge [sflag:s13], $0x4000  }
0x96: {  	[sflag:s13] =	ssyncset.done $0x0  }
0x97: {  	s8 =	simm.s32 $0x600;
	[sflag:s13] =	ssyncadd.s32 $0xFFFFC000  }
0x98: {  	[tilespmem:s16], [sflag:$0x1] =	stream.indirect.gather [hbm4b:s4+s15], $0x80, s8, s15, $0xb8;
	[tilespmem:$0x1CC00] =	vst v63  }
0x99: {  	_ =	swait.ge [sflag:s18], $0x4000  }
0x9a: {  	[sflag:s18] =	ssyncset.done $0x0  }
0x9b: {  	s8 =	simm.s32 $0xD80;
	[sflag:s18] =	ssyncadd.s32 $0xFFFFC000  }
0x9c: {  	[spmem:s2] =	stream.indirect.scatter.add.f32 [tilespmem:s17], [sflag:$0x2], $0x80, s8, s15, $0xb8;
	[tilespmem:$0x1CC00] =	vst v63  }
0x9d: {  	_ =	swait.ge [sflag:s13], $0x4000  }
0x9e: {  	[sflag:s13] =	ssyncset.done $0x0  }
0x9f: {  	s8 =	simm.s32 $0x680;
	[sflag:s13] =	ssyncadd.s32 $0xFFFFC000  }
0xa0: {  	[tilespmem:s17], [sflag:$0x1] =	stream.indirect.gather [hbm4b:s4+s15], $0x80, s8, s15, $0xb8;
	[tilespmem:$0x1CC00] =	vst v63  }
0xa1: {  	_ =	swait.ge [sflag:s18], $0x4000  }
0xa2: {  	[sflag:s18] =	ssyncset.done $0x0  }
0xa3: {  	s8 =	simm.s32 $0xE00;
	[sflag:s18] =	ssyncadd.s32 $0xFFFFC000  }
0xa4: {  	[spmem:s2] =	stream.indirect.scatter.add.f32 [tilespmem:s16], [sflag:$0x2], $0x80, s8, s15, $0xb8;
	[tilespmem:$0x1CC00] =	vst v63  }
0xa5: {  	_ =	swait.ge [sflag:s13], $0x4000  }
0xa6: {  	[sflag:s13] =	ssyncset.done $0x0  }
0xa7: {  	s8 =	simm.s32 $0x700;
	[sflag:s13] =	ssyncadd.s32 $0xFFFFC000  }
0xa8: {  	[tilespmem:s16], [sflag:$0x1] =	stream.indirect.gather [hbm4b:s4+s15], $0x80, s8, s15, $0xb8;
	[tilespmem:$0x1CC00] =	vst v63  }
0xa9: {  	_ =	swait.ge [sflag:s18], $0x4000  }
0xaa: {  	[sflag:s18] =	ssyncset.done $0x0  }
0xab: {  	s8 =	simm.s32 $0xE80;
	[sflag:s18] =	ssyncadd.s32 $0xFFFFC000  }
0xac: {  	[spmem:s2] =	stream.indirect.scatter.add.f32 [tilespmem:s17], [sflag:$0x2], $0x80, s8, s15, $0xb8;
	[tilespmem:$0x1CC00] =	vst v63  }
0xad: {  	_ =	swait.ge [sflag:s13], $0x4000  }
0xae: {  	[sflag:s13] =	ssyncset.done $0x0  }
0xaf: {  	[sflag:s13] =	ssyncadd.s32 $0xFFFFC000  }
0xb0: {  	[tilespmem:s17], [sflag:$0x1] =	stream.indirect.gather [hbm4b:s4+s15], $0x80, s12, s15, $0xb8;
	[tilespmem:$0x1CC00] =	vst v63  }
0xb1: {  	_ =	swait.ge [sflag:s18], $0x4000  }
0xb2: {  	[sflag:s18] =	ssyncset.done $0x0  }
0xb3: {  	[sflag:s18] =	ssyncadd.s32 $0xFFFFC000  }
0xb4: {  	[spmem:s2] =	stream.indirect.scatter.add.f32 [tilespmem:s16], [sflag:$0x2], $0x80, s1, s15, $0xb8;
	[tilespmem:$0x1CC00] =	vst v63  }
0xb5: {  	_ =	swait.ge [sflag:s13], $0x4000  }
0xb6: {  	[sflag:s13] =	ssyncset.done $0x0  }
0xb7: {  	[sflag:s13] =	ssyncadd.s32 $0xFFFFC000  }
0xb8: {  	_ =	swait.ge [sflag:s18], $0x4000  }
0xb9: {  	[sflag:s18] =	ssyncset.done $0x0  }
0xba: {  	[sflag:s18] =	ssyncadd.s32 $0xFFFFC000  }
0xbb: {  	[spmem:s2] =	stream.indirect.scatter.add.f32 [tilespmem:s17], [sflag:$0x2], $0x80, s9, s15, $0xb8;
	[tilespmem:$0x1CC00] =	vst v63  }
0xbc: {  	_ =	swait.ge [sflag:s13], $0x4000  }
0xbd: {  	[sflag:s13] =	ssyncset.done $0x0  }
0xbe: {  	[sflag:s13] =	ssyncadd.s32 $0xFFFFC000  }
.LBB2_4:
0xbf: {  	p2 =	sgt.u32 s24, $0x1  }
0xc0: {  	p2 =	por p2, p1  }
.Ltmp5:
0xc1: {  	_ = 	snop;
	(pc) =	sbr.rel @p2 .LBB2_6-.Ltmp5, $1  }
0xc2: {  	_ =	sdelay $0x3  }
0xc3: {  	s8 =	sadd.s32 s11, s5  }
0xc4: {  	[tilespmem:s3], [sflag:$0x2] =	stream.linear.gather [hbm4b:s8+s3], $0x400, $0x38;
	[tilespmem:$0x1CC00] =	vst v63  }
0xc5: {  	_ =	swait.ge [sflag:s13], $0x400  }
0xc6: {  	[sflag:s13] =	ssyncset.done $0x0  }
0xc7: {  	s8 =	sadd.s32 s11, s6;
	[sflag:s13] =	ssyncadd.s32 $0xFFFFFC00  }
0xc8: {  	[tilespmem:s14], [sflag:$0x2] =	stream.linear.gather [hbm4b:s8+s3], $0x400, $0x38;
	[tilespmem:$0x1CC00] =	vst v63  }
0xc9: {  	_ =	swait.ge [sflag:s13], $0x400  }
0xca: {  	[sflag:s13] =	ssyncset.done $0x0  }
0xcb: {  	[sflag:s13] =	ssyncadd.s32 $0xFFFFFC00  }
0xcc: {  	[tilespmem:s16], [sflag:$0x1] =	stream.indirect.gather [hbm4b:s4+s15], $0x80, s3, s15, $0xb8;
	[tilespmem:$0x1CC00] =	vst v63  }
0xcd: {  	_ = 	snop  }
0xce: {  	[tilespmem:s17], [sflag:$0x1] =	stream.indirect.gather [hbm4b:s4+s15], $0x80, s15, s15, $0xb8;
	[tilespmem:$0x1CC00] =	vst v63  }
0xcf: {  	_ =	swait.ge [sflag:s18], $0x4000  }
0xd0: {  	[sflag:s18] =	ssyncset.done $0x0  }
0xd1: {  	[sflag:s18] =	ssyncadd.s32 $0xFFFFC000  }
0xd2: {  	[spmem:s2] =	stream.indirect.scatter.add.f32 [tilespmem:s16], [sflag:$0x2], $0x80, s14, s15, $0xb8;
	[tilespmem:$0x1CC00] =	vst v63  }
0xd3: {  	_ =	swait.ge [sflag:s13], $0x4000  }
0xd4: {  	[sflag:s13] =	ssyncset.done $0x0  }
0xd5: {  	[sflag:s13] =	ssyncadd.s32 $0xFFFFC000  }
0xd6: {  	[tilespmem:s16], [sflag:$0x1] =	stream.indirect.gather [hbm4b:s4+s15], $0x80, s19, s15, $0xb8;
	[tilespmem:$0x1CC00] =	vst v63  }
0xd7: {  	_ =	swait.ge [sflag:s18], $0x4000  }
0xd8: {  	[sflag:s18] =	ssyncset.done $0x0  }
0xd9: {  	[sflag:s18] =	ssyncadd.s32 $0xFFFFC000  }
0xda: {  	[spmem:s2] =	stream.indirect.scatter.add.f32 [tilespmem:s17], [sflag:$0x2], $0x80, s20, s15, $0xb8;
	[tilespmem:$0x1CC00] =	vst v63  }
0xdb: {  	_ =	swait.ge [sflag:s13], $0x4000  }
0xdc: {  	[sflag:s13] =	ssyncset.done $0x0  }
0xdd: {  	[sflag:s13] =	ssyncadd.s32 $0xFFFFC000  }
0xde: {  	[tilespmem:s17], [sflag:$0x1] =	stream.indirect.gather [hbm4b:s4+s15], $0x80, s21, s15, $0xb8;
	[tilespmem:$0x1CC00] =	vst v63  }
0xdf: {  	_ =	swait.ge [sflag:s18], $0x4000  }
0xe0: {  	[sflag:s18] =	ssyncset.done $0x0  }
0xe1: {  	[sflag:s18] =	ssyncadd.s32 $0xFFFFC000  }
0xe2: {  	[spmem:s2] =	stream.indirect.scatter.add.f32 [tilespmem:s16], [sflag:$0x2], $0x80, s22, s15, $0xb8;
	[tilespmem:$0x1CC00] =	vst v63  }
0xe3: {  	_ =	swait.ge [sflag:s13], $0x4000  }
0xe4: {  	[sflag:s13] =	ssyncset.done $0x0  }
0xe5: {  	[sflag:s13] =	ssyncadd.s32 $0xFFFFC000  }
0xe6: {  	[tilespmem:s16], [sflag:$0x1] =	stream.indirect.gather [hbm4b:s4+s15], $0x80, s23, s15, $0xb8;
	[tilespmem:$0x1CC00] =	vst v63  }
0xe7: {  	_ =	swait.ge [sflag:s18], $0x4000  }
0xe8: {  	[sflag:s18] =	ssyncset.done $0x0  }
0xe9: {  	[sflag:s18] =	ssyncadd.s32 $0xFFFFC000  }
0xea: {  	[spmem:s2] =	stream.indirect.scatter.add.f32 [tilespmem:s17], [sflag:$0x2], $0x80, s25, s15, $0xb8;
	[tilespmem:$0x1CC00] =	vst v63  }
0xeb: {  	_ =	swait.ge [sflag:s13], $0x4000  }
0xec: {  	[sflag:s13] =	ssyncset.done $0x0  }
0xed: {  	[sflag:s13] =	ssyncadd.s32 $0xFFFFC000  }
0xee: {  	[tilespmem:s17], [sflag:$0x1] =	stream.indirect.gather [hbm4b:s4+s15], $0x80, s26, s15, $0xb8;
	[tilespmem:$0x1CC00] =	vst v63  }
0xef: {  	_ =	swait.ge [sflag:s18], $0x4000  }
0xf0: {  	[sflag:s18] =	ssyncset.done $0x0  }
0xf1: {  	[sflag:s18] =	ssyncadd.s32 $0xFFFFC000  }
0xf2: {  	[spmem:s2] =	stream.indirect.scatter.add.f32 [tilespmem:s16], [sflag:$0x2], $0x80, s28, s15, $0xb8;
	[tilespmem:$0x1CC00] =	vst v63  }
0xf3: {  	_ =	swait.ge [sflag:s13], $0x4000  }
0xf4: {  	[sflag:s13] =	ssyncset.done $0x0  }
0xf5: {  	[sflag:s13] =	ssyncadd.s32 $0xFFFFC000  }
0xf6: {  	[tilespmem:s16], [sflag:$0x1] =	stream.indirect.gather [hbm4b:s4+s15], $0x80, s29, s15, $0xb8;
	[tilespmem:$0x1CC00] =	vst v63  }
0xf7: {  	_ =	swait.ge [sflag:s18], $0x4000  }
0xf8: {  	[sflag:s18] =	ssyncset.done $0x0  }
0xf9: {  	[sflag:s18] =	ssyncadd.s32 $0xFFFFC000  }
0xfa: {  	[spmem:s2] =	stream.indirect.scatter.add.f32 [tilespmem:s17], [sflag:$0x2], $0x80, s30, s15, $0xb8;
	[tilespmem:$0x1CC00] =	vst v63  }
0xfb: {  	_ =	swait.ge [sflag:s13], $0x4000  }
0xfc: {  	[sflag:s13] =	ssyncset.done $0x0  }
0xfd: {  	[sflag:s13] =	ssyncadd.s32 $0xFFFFC000  }
0xfe: {  	[tilespmem:s17], [sflag:$0x1] =	stream.indirect.gather [hbm4b:s4+s15], $0x80, s31, s15, $0xb8;
	[tilespmem:$0x1CC00] =	vst v63  }
0xff: {  	_ =	swait.ge [sflag:s18], $0x4000  }
0x100: {  	[sflag:s18] =	ssyncset.done $0x0  }
0x101: {  	[sflag:s18] =	ssyncadd.s32 $0xFFFFC000  }
0x102: {  	[spmem:s2] =	stream.indirect.scatter.add.f32 [tilespmem:s16], [sflag:$0x2], $0x80, s0, s15, $0xb8;
	[tilespmem:$0x1CC00] =	vst v63  }
0x103: {  	_ =	swait.ge [sflag:s13], $0x4000  }
0x104: {  	[sflag:s13] =	ssyncset.done $0x0  }
0x105: {  	[sflag:s13] =	ssyncadd.s32 $0xFFFFC000  }
0x106: {  	_ =	swait.ge [sflag:s18], $0x4000  }
0x107: {  	[sflag:s18] =	ssyncset.done $0x0  }
.Ltmp6:
0x108: {  	[sflag:s18] =	ssyncadd.s32 $0xFFFFC000;
	(pc) =	sbr.rel .LBB2_6-.Ltmp6, $4  }
0x109: {  	[spmem:s2] =	stream.indirect.scatter.add.f32 [tilespmem:s17], [sflag:$0x2], $0x80, s7, s15, $0xb8;
	[tilespmem:$0x1CC00] =	vst v63  }
0x10a: {  	_ =	swait.ge [sflag:s13], $0x4000  }
0x10b: {  	[sflag:s13] =	ssyncset.done $0x0  }
0x10c: {  	[sflag:s13] =	ssyncadd.s32 $0xFFFFC000  }
.LBB2_8:
0x10d: {  	_ =	sfence.sel $0x180000  }
0x10e: {  	[bflag:$0x0] =	sbarrier.arrive $0xFFFF  }
0x10f: {  	_ =	strace $0x9000004D  }
0x110: {  	s0 =	stileid.u32;
	[bflag:$0x2] =	sbarrier.arrive $0xFFFF  }
0x111: {  	p0 =	sne.s32 s0, $0x0;
	s0 =	rddreg [dreg:$0x2]  }
0x112: {  	s0 =	sadd.s32 @!p0 $0x100000, s0  }
0x113: {  	[sflag:s0] =	ssyncadd.tile.s32 @!p0 $0x1;
	_ =	shalt  }
.Lfunc_end2:
_tile_overlayer_lowered:
.L_overlay_start_2:
0x114: {  	(tag) =	ssettag $0x2  }
0x115: {  	s0 =	rddreg [dreg:$0x0];
	s2 =	stileid.u32  }
0x116: {  	s1 =	rddreg [dreg:$0x1];
	p0 =	sne.s32 s2, $0x0  }
0x117: {  	s3 =	rddreg [dreg:$0x2];
	[bflag:$0x3] =	sbarrier.arrive $0xFFFF;
	s2 =	simm.s32 @!p0 $0x1C02  }
0x118: {  	[timem:s3], [sflag:s2] =	dma.local @!p0 [hbm:s0], s1  }
0x119: {  	s0 =	simm.s32 @!p0 $0x2  }
0x11a: {  	_ =	swait.ge @!p0 [sflag:s0], s1  }
0x11b: {  	s1 =	ssub.s32 @!p0 $0x0, s1;
	[sflag:s0] =	ssyncset.done @!p0 $0x0  }
0x11c: {  	[sflag:s0] =	ssyncadd.s32 @!p0 s1  }
0x11d: {  	[bflag:$0x3] =	sbarrier.arrive $0xFFFF  }
0x11e: {  	_ =	shalt  }

// kernel: kernel.19.cloned.1.call-start
scs
__scs_entry_jumppad:
0x0: {  	(pc) =	sbr.rel $0x88, $3  }
0x1: {  	(tag) =	ssettag $0x0;
	lr =	simm.s32 $0x1  }
0x2: {  	[smem:$0x3F96] =	sst lr;
	_ =	strace $0xD0000000  }
0x3: {  	_ = 	snop  }
0x4: {  	_ = 	snop  }
0x5: {  	_ = 	snop  }
0x6: {  	_ = 	snop  }
0x7: {  	_ = 	snop  }
__scs_overlays_trampoline_lowered:
0x8: {  	[smem:$0x3FA5] =	sst s0  }
0x9: {  	[smem:$0x3FA6] =	sst s1  }
0xa: {  	[smem:$0x3FA7] =	sst s2  }
0xb: {  	[smem:$0x3FA8] =	sst s3  }
0xc: {  	[smem:$0x3FA9] =	sst s4  }
0xd: {  	[smem:$0x3FAA] =	sst s5  }
0xe: {  	[smem:$0x3FAB] =	sst s6  }
0xf: {  	[smem:$0x3FAC] =	sst s7  }
0x10: {  	[smem:$0x3FAD] =	sst s8  }
0x11: {  	[smem:$0x3FAE] =	sst s9;
	s0 =	simm.s32 @!p0 $0x0  }
0x12: {  	s1 =	sld [smem:$0x3F94];
	s0 =	simm.s32 @p0 $0x1  }
0x13: {  	[smem:$0x3FAF] =	sst s0;
	s0 =	simm.s32 @!p1 $0x0  }
0x14: {  	s2 =	sld [smem:$0x3F93];
	s0 =	simm.s32 @p1 $0x1  }
0x15: {  	[smem:$0x3FB0] =	sst s0;
	s0 =	simm.s32 @!p2 $0x0  }
0x16: {  	s3 =	sld [smem:$0x3FDB];
	s0 =	simm.s32 @p2 $0x1  }
0x17: {  	s4 =	simm.s32 $0x1BF5;
	[smem:$0x3FB2] =	sst s0  }
0x18: {  	s0 =	sld [smem:$0x3F95];
	_ =	swait.ge [sflag:s4], $0x0  }
0x19: {  	s7 =	sld [smem:$0x3F96]  }
0x1a: {  	s8 =	sadd.s32 $0xFFFFE003, lr  }
0x1b: {  	s9 =	sadd.s32 $0xFFFFFEF7, lr;
	s5 =	simm.s32 $0xFFFFFFFF;
	p2 =	slt.u32 s8, $0xFFFFF086  }
0x1c: {  	p1 =	slt.u32 s9, $0xF7A;
	s5 =	simm.s32 @!p2 $0x0  }
0x1d: {  	s5 =	simm.s32 @p1 $0x1;
	p0 =	seq.s32 s7, s2  }
0x1e: {  	s7 =	smul.u32 @!p0 $0xF7A, s2;
	p2 =	seq.s32 @!p0 s5, $0x0  }
0x1f: {  	s9 =	smul.u32 $0xF7A, s1;
	s8 =	simm.s32 @!p0 $0x1BF5;
	p2 =	por !p2, p0  }
0x20: {  	[sflag:s8] =	ssyncset.s32 @!p0 $0xFFFFF086;
	s6 =	sadd.s32 @!p0 s3, s7;
	s7 =	simm.s32 @!p0 $0x108  }
0x21: {  	s3 =	sadd.s32 s3, s9;
	s6 =	sadd.s32 @!p0 $0x88, s6;
	s7 =	simm.s32 @p2 $0x1082  }
0x22: {  	[simem:s7], [sflag:s8] =	dma.local @!p0 [hbm:s6], $0xF7A  }
0x23: {  	s9 =	sor.u32 $0xD0000000, s2;
	s6 =	simm.s32 $0x108;
	_ =	swait.ge @!p0 [sflag:s8], $0x0  }
0x24: {  	s3 =	sadd.s32 $0x88, s3;
	s6 =	simm.s32 @!p1 $0x1082;
	[sflag:s4] =	ssyncset.s32 $0xFFFFF086  }
0x25: {  	[simem:s6], [sflag:s4] =	dma.local [hbm:s3], $0xF7A  }
0x26: {  	[smem:$0x3F96] =	sst s1;
	(tag) =	ssettag s2;
	_ =	strace s9  }
0x27: {  	s1 =	sld [smem:$0x3FA6]  }
0x28: {  	s2 =	sld [smem:$0x3FA7]  }
0x29: {  	s4 =	sld [smem:$0x3FA9]  }
0x2a: {  	p0 =	seq.s32 s5, $0x0;
	s5 =	sld [smem:$0x3FAA]  }
0x2b: {  	s6 =	sld [smem:$0x3FAB]  }
0x2c: {  	s7 =	sld [smem:$0x3FAC]  }
0x2d: {  	s3 =	simm.s32 $0x108;
	s8 =	sld [smem:$0x3FAD]  }
0x2e: {  	s3 =	simm.s32 @!p0 $0x1082;
	s9 =	sld [smem:$0x3FAE]  }
0x2f: {  	lr =	sadd.s32 s0, s3;
	s0 =	sld [smem:$0x3FA5]  }
0x30: {  	s3 =	sld [smem:$0x3FA8]  }
0x31: {  	[smem:$0x3FB1] =	sst s10  }
0x32: {  	s10 =	sld [smem:$0x3FAF];
	_ =	sdelay $0x3  }
0x33: {  	p0 =	seq.s32 s10, $0x1;
	s10 =	sld [smem:$0x3FB1];
	_ =	sdelay $0x3  }
0x34: {  	[smem:$0x3FB1] =	sst s10  }
0x35: {  	s10 =	sld [smem:$0x3FB0];
	_ =	sdelay $0x3  }
0x36: {  	p1 =	seq.s32 s10, $0x1;
	s10 =	sld [smem:$0x3FB1];
	_ =	sdelay $0x3  }
0x37: {  	[smem:$0x3FB1] =	sst s10  }
0x38: {  	s10 =	sld [smem:$0x3FB2]  }
0x39: {  	_ = 	snop;
	(pc) =	sbr.ind lr, $3  }
0x3a: {  	_ = 	snop  }
0x3b: {  	_ = 	snop  }
0x3c: {  	p2 =	seq.s32 s10, $0x1;
	s10 =	sld [smem:$0x3FB1]  }
0x3d: {  	_ =	shalt  }
0x3e: {  	_ =	shalt  }
0x3f: {  	_ =	shalt  }
0x40: {  	_ =	shalt  }
0x41: {  	_ =	shalt  }
0x42: {  	_ =	shalt  }
0x43: {  	_ =	shalt  }
0x44: {  	_ =	shalt  }
0x45: {  	_ =	shalt  }
0x46: {  	_ =	shalt  }
0x47: {  	_ =	shalt  }
0x48: {  	_ =	shalt  }
0x49: {  	_ =	shalt  }
0x4a: {  	_ =	shalt  }
0x4b: {  	_ =	shalt  }
0x4c: {  	_ =	shalt  }
0x4d: {  	_ =	shalt  }
0x4e: {  	_ =	shalt  }
0x4f: {  	_ =	shalt  }
0x50: {  	_ =	shalt  }
0x51: {  	_ =	shalt  }
0x52: {  	_ =	shalt  }
0x53: {  	_ =	shalt  }
0x54: {  	_ =	shalt  }
0x55: {  	_ =	shalt  }
0x56: {  	_ =	shalt  }
0x57: {  	_ =	shalt  }
0x58: {  	_ =	shalt  }
0x59: {  	_ =	shalt  }
0x5a: {  	_ =	shalt  }
0x5b: {  	_ =	shalt  }
0x5c: {  	_ =	shalt  }
0x5d: {  	_ =	shalt  }
0x5e: {  	_ =	shalt  }
0x5f: {  	_ =	shalt  }
0x60: {  	_ =	shalt  }
0x61: {  	_ =	shalt  }
0x62: {  	_ =	shalt  }
0x63: {  	_ =	shalt  }
0x64: {  	_ =	shalt  }
0x65: {  	_ =	shalt  }
0x66: {  	_ =	shalt  }
0x67: {  	_ =	shalt  }
0x68: {  	_ =	shalt  }
0x69: {  	_ =	shalt  }
0x6a: {  	_ =	shalt  }
0x6b: {  	_ =	shalt  }
0x6c: {  	_ =	shalt  }
0x6d: {  	_ =	shalt  }
0x6e: {  	_ =	shalt  }
0x6f: {  	_ =	shalt  }
0x70: {  	_ =	shalt  }
0x71: {  	_ =	shalt  }
0x72: {  	_ =	shalt  }
0x73: {  	_ =	shalt  }
0x74: {  	_ =	shalt  }
0x75: {  	_ =	shalt  }
0x76: {  	_ =	shalt  }
0x77: {  	_ =	shalt  }
0x78: {  	_ =	shalt  }
0x79: {  	_ =	shalt  }
0x7a: {  	_ =	shalt  }
0x7b: {  	_ =	shalt  }
0x7c: {  	_ =	shalt  }
0x7d: {  	_ =	shalt  }
0x7e: {  	_ =	shalt  }
0x7f: {  	_ =	shalt  }
0x80: {  	_ =	shalt  }
0x81: {  	_ =	shalt  }
0x82: {  	_ =	shalt  }
0x83: {  	_ =	shalt  }
0x84: {  	_ =	shalt  }
0x85: {  	_ =	shalt  }
0x86: {  	_ =	shalt  }
0x87: {  	_ =	shalt  }
.Lfunc_end0:
.L_simem_size_0:
called_computation.3_lowered:
.L_overlay_start_0:
0x88: {  	s2 =	sld [smem:$0x3FD9]  }
0x89: {  	s3 =	sld [smem:$0x3FFE];
	_ =	sdelay $0x1  }
0x8a: {  	s1 =	srdreg.scid  }
0x8b: {  	s0 =	sand.u32 $0x1, s1  }
0x8c: {  	s16 =	sshll.u32 s0, $0xA;
	s2 =	sadd.s32 s3, s2  }
0x8d: {  	s2 =	sadd.s32 s2, s16  }
0x8e: {  	[smem:$0x3FBD] =	sst s2  }
0x8f: {  	_ = 	snop  }
0x90: {  	(tm) =	ssettm $0x1  }
0x91: {  	s17 =	sld [smem:$0x3FFB];
	_ =	sdelay $0x3  }
0x92: {  	_ =	strace s17  }
0x93: {  	s2 =	sld [smem:$0x3FFC];
	_ =	sdelay $0x3  }
0x94: {  	_ =	strace s2  }
0x95: {  	s2 =	sld [smem:$0x3FFD];
	_ =	sdelay $0x3  }
0x96: {  	_ =	strace s2  }
0x97: {  	_ =	strace $0x8FFFFFFF  }
0x98: {  	s18 =	sld [smem:$0x3FDB];
	_ =	sdelay $0x1  }
0x99: {  	s19 =	simm.s32 $_scs_section_size  }
0x9a: {  	s4 =	simm.s32 $_size__tile_overlayer_lowered;
	s5 =	simm.s32 $_tile_overlayer_lowered  }
0x9b: {  	s22 =	simm.s32 $0x1BFF;
	s21 =	sshll.u32 s5, $0x1;
	s2 =	sadd.s32 s19, s18  }
0x9c: {  	s6 =	simm.s32 $0x0;
	s20 =	sshll.u32 s4, $0x1;
	s4 =	sadd.s32 s21, s2  }
0x9d: {  	[timem:s6], [sflag:s22] =	dma.local [hbm:s4], s20  }
0x9e: {  	_ =	swait.ge [sflag:s22], s20  }
0x9f: {  	s3 =	ssub.s32 $0x0, s20;
	[sflag:s22] =	ssyncset.done $0x0  }
0xa0: {  	[sflag:s22] =	ssyncadd.s32 s3;
	_ =	sdelay $0x1  }
0xa1: {  	s23 =	simm.s32 $0x1B8B  }
0xa2: {  	_ =	swait.ge [sflag:s23], $0x1  }
0xa3: {  	[sflag:s23] =	ssyncset.done $0x0  }
0xa4: {  	s25 =	simm.s32 $0x1B8E;
	s24 =	sld [smem:$0x3FFE];
	[sflag:s23] =	ssyncadd.s32 $0xFFFFFFFF  }
0xa5: {  	s26 =	simm.s32 $execute0_lowered;
	[smem:$0x3FD2] =	sst s25  }
0xa6: {  	s4 =	sshll.u32 s26, $0x1;
	_ =	strace $0x8000004F;
	[dreg:$0x1] =	wrdreg $0xFFFFFFFF  }
0xa7: {  	s28 =	simm.s32 $_size_execute0_lowered;
	s2 =	sadd.s32 s2, s4;
	[dreg:$0x0] =	wrdreg $0x0  }
0xa8: {  	s4 =	sshll.u32 s28, $0x1;
	[dreg:$0x2] =	wrdreg s2  }
0xa9: {  	[dreg:$0x3] =	wrdreg s4  }
0xaa: {  	[dreg:$0x4] =	wrdreg $0xC0  }
0xab: {  	_ =	task [dreg:s6], $0x5FFFF  }
0xac: {  	[dreg:$0x1] =	wrdreg $0xFFFFFFFF  }
0xad: {  	[dreg:$0x0] =	wrdreg $0x60  }
0xae: {  	[dreg:$0x2] =	wrdreg s24  }
0xaf: {  	[dreg:$0x3] =	wrdreg $0x90000  }
0xb0: {  	[dreg:$0x4] =	wrdreg $0x9  }
0xb1: {  	_ =	task.clear_ibuf [dreg:s6], $0x5FFFF;
	_ =	strace $0x9000004F  }
0xb2: {  	s29 =	simm.s32 $0x9;
	_ =	strace $0x80000051  }
0xb3: {  	_ =	swait.ge [sflag:s29], $0x1  }
0xb4: {  	[sflag:s29] =	ssyncadd.s32 $0xFFFFFFFF  }
0xb5: {  	_ =	strace $0x90000051  }
0xb6: {  	_ =	sfence  }
0xb7: {  	s30 =	sld [smem:$0x0];
	_ =	sdelay $0x2  }
0xb8: {  	s31 =	sshll.u32 s1, $0xD;
	s1 =	sshrl.u32 s1, $0x2  }
0xb9: {  	s3 =	sand.u32 $0x4000, s31;
	s1 =	sadd.s32 s1, s30  }
0xba: {  	s0 =	sor.u32 s3, s0;
	s1 =	sshll.u32 s1, $0x11  }
0xbb: {  	s0 =	sor.u32 s1, s0  }
0xbc: {  	s0 =	sadd.s32 $0x8F2B, s0  }
0xbd: {  	[sflag:s0] =	ssyncadd.remote.s32 $0x1  }
0xbe: {  	_ =	sfence.sel $0xFFFF  }
0xbf: {  	[dreg:$0x0] =	wrdreg $0xFFFFFFFF;
	(pc) =	sbr.abs _section_cstart, $3  }
0xc0: {  	[dreg:$0x1] =	wrdreg $0xFFFFFFFF  }
0xc1: {  	_ =	task.clear_ibuf [dreg:s6], $0x2FFFF;
	_ =	strace $0x9FFFFFFF  }
0xc2: {  	(tm) =	ssettm $0x7FFFFFFF  }
0xc3: {  	_ =	shalt  }
tec
execute0_lowered:
.L_overlay_start_1:
0x0: {  	(tag) =	ssettag $0x1  }
0x1: {  	s0 =	rddreg [dreg:$0x0]  }
0x2: {  	s2 =	rddreg [dreg:$0x1]  }
0x3: {  	s3 =	simm.s32 $0x0;
	s12 =	stileid.u32;
	s1 =	srdreg.scid  }
0x4: {  	s13 =	simm.s32 $0x2;
	s14 =	simm.s32 $0x800;
	s15 =	simm.s32 $0x80  }
0x5: {  	s16 =	simm.s32 $0x1000;
	s17 =	simm.s32 $0x5000;
	s18 =	simm.s32 $0x1  }
0x6: {  	s19 =	simm.s32 $0x100;
	s20 =	simm.s32 $0x880;
	s21 =	simm.s32 $0x180  }
0x7: {  	s28 =	simm.s32 $0xA00;
	s29 =	simm.s32 $0x300;
	s30 =	simm.s32 $0xA80  }
0x8: {  	s31 =	simm.s32 $0x380;
	[smem:$0x7FF] =	sst s3;
	s7 =	smul.u32 $0x2780, s12  }
0x9: {  	s1 =	sand.u32 $0x1, s1;
	s4 =	sadd.s32 $0x49200, s0;
	s5 =	sadd.s32 $0x98600, s0  }
0xa: {  	s9 =	smul.u32 $0x4F000, s12;
	s6 =	sadd.s32 $0x3A00, s0;
	s23 =	sshll.u32 s12, $0x6  }
0xb: {  	s24 =	sshll.u32 s12, $0x8;
	s26 =	smul.u32 $0x900, s12;
	s12 =	simm.s32 $0x780  }
0xc: {  	_ =	strace $0x80000050;
	s8 =	smul.u32 $0x27800, s1;
	s11 =	ssub.s32 $0x2, s1  }
0xd: {  	p1 =	seq.s32 s1, $0x1;
	s25 =	sor.u32 $0x9000, s24;
	p0 =	sne.s32 s1, $0x0  }
0xe: {  	s1 =	simm.s32 $0xF00;
	s24 =	simm.s32 $0x0;
	s10 =	sadd.s32 s7, s0  }
0xf: {  	s22 =	sshrl.u32 s11, $0x1;
	s9 =	sshrl.u32 s9, $0x2;
	[dreg:$0x6] =	wrdreg s25  }
0x10: {  	[dreg:$0x7] =	wrdreg s26;
	s25 =	simm.s32 $0x980;
	p1 =	por !p1, !p1  }
0x11: {  	s26 =	simm.s32 $0x280;
	s0 =	sadd.s32 s8, s0;
	s8 =	ssub.s32 s11, s22  }
0x12: {  	s9 =	sadd.s32 s9, s2;
	s10 =	sadd.s32 $0x21A00, s10;
	s11 =	sor.u32 $0x1C02, s23  }
.Ltmp0:
0x13: {  	s22 =	simm.s32 $0x900;
	[dreg:$0x3] =	wrdreg s10;
	(pc) =	sbr.rel .LBB2_1-.Ltmp0, $4  }
0x14: {  	s23 =	simm.s32 $0x200;
	s8 =	smax.u32 s8, $0x1;
	[dreg:$0x4] =	wrdreg s11  }
0x15: {  	s0 =	sadd.s32 $0xA2600, s0;
	s10 =	sshrl.u32 s9, $0x3;
	[dreg:$0x5] =	wrdreg s8  }
0x16: {  	s9 =	simm.s32 $0xF80;
	s0 =	sadd.s32 s7, s0;
	[dreg:$0x8] =	wrdreg s10  }
0x17: {  	s7 =	simm.s32 $0xB80;
	[dreg:$0x9] =	wrdreg s0;
	s0 =	simm.s32 $0xB00  }
.LBB2_7:
0x18: {  	[bflag:$0x0] =	sbarrier.arrive $0xFFFF  }
0x19: {  	s11 =	rddreg [dreg:$0x4]  }
0x1a: {  	s10 =	rddreg [dreg:$0x8]  }
0x1b: {  	s8 =	rddreg [dreg:$0x9]  }
0x1c: {  	[hbm:s8], [sflag:s11] =	dma.local [spmem:s10], $0x2780  }
0x1d: {  	_ =	swait.ge [sflag:s13], $0x2780  }
0x1e: {  	s24 =	rddreg [dreg:$0xa]  }
0x1f: {  	s8 =	rddreg [dreg:$0x5];
	s24 =	sadd.s32 $0x1, s24  }
0x20: {  	p2 =	sne.s32 s24, s8  }
.Ltmp1:
0x21: {  	_ = 	snop;
	(pc) =	sbr.rel @!p2 .LBB2_8-.Ltmp1, $3  }
0x22: {  	_ =	sdelay $0x1  }
0x23: {  	[sflag:s13] =	ssyncset.done $0x0  }
0x24: {  	[sflag:s13] =	ssyncadd.s32 $0xFFFFD880  }
.LBB2_1:
0x25: {  	[dreg:$0xa] =	wrdreg s24  }
0x26: {  	s8 =	rddreg [dreg:$0x3]  }
0x27: {  	[spmem:s10], [sflag:s11] =	dma.local [hbm:s8], $0x2780  }
0x28: {  	_ =	swait.ge [sflag:s13], $0x2780  }
.Ltmp2:
0x29: {  	[sflag:s13] =	ssyncset.done $0x0;
	(pc) =	sbr.rel .LBB2_2-.Ltmp2, $4  }
0x2a: {  	[sflag:s13] =	ssyncadd.s32 $0xFFFFD880  }
0x2b: {  	[bflag:$0x0] =	sbarrier.arrive $0xFFFF  }
0x2c: {  	s10 =	rddreg [dreg:$0x7]  }
0x2d: {  	s24 =	simm.s32 $0x0;
	s11 =	rddreg [dreg:$0x6]  }
.LBB2_6:
0x2e: {  	s24 =	sadd.s32 $0x1, s24  }
0x2f: {  	p2 =	sne.s32 s24, $0x9  }
.Ltmp3:
0x30: {  	_ = 	snop;
	(pc) =	sbr.rel @!p2 .LBB2_7-.Ltmp3, $2  }
0x31: {  	_ =	sdelay $0x2  }
0x32: {  	s11 =	sadd.s32 $0x80, s11;
	s10 =	sadd.s32 $0x100, s10  }
.LBB2_2:
.Ltmp4:
0x33: {  	(pc) =	sbr.rel @p0 .LBB2_4-.Ltmp4, $1  }
0x34: {  	_ =	sdelay $0x3  }
0x35: {  	s8 =	sadd.s32 s10, s5  }
0x36: {  	[tilespmem:s3], [sflag:$0x2] =	stream.linear.gather [hbm4b:s8+s3], $0x800, $0x38;
	[tilespmem:$0x1CC00] =	vst v63  }
0x37: {  	_ =	swait.ge [sflag:s13], $0x800  }
0x38: {  	[sflag:s13] =	ssyncset.done $0x0  }
0x39: {  	s8 =	sadd.s32 s10, s6;
	[sflag:s13] =	ssyncadd.s32 $0xFFFFF800  }
0x3a: {  	[tilespmem:s14], [sflag:$0x2] =	stream.linear.gather [hbm4b:s8+s3], $0x800, $0x38;
	[tilespmem:$0x1CC00] =	vst v63  }
0x3b: {  	_ =	swait.ge [sflag:s13], $0x800  }
0x3c: {  	[sflag:s13] =	ssyncset.done $0x0  }
0x3d: {  	[sflag:s13] =	ssyncadd.s32 $0xFFFFF800  }
0x3e: {  	[tilespmem:s16], [sflag:$0x1] =	stream.indirect.gather [hbm4b:s4+s15], $0x80, s3, s15, $0xb8;
	[tilespmem:$0x1CC00] =	vst v63  }
0x3f: {  	_ = 	snop  }
0x40: {  	[tilespmem:s17], [sflag:$0x1] =	stream.indirect.gather [hbm4b:s4+s15], $0x80, s15, s15, $0xb8;
	[tilespmem:$0x1CC00] =	vst v63  }
0x41: {  	_ =	swait.ge [sflag:s18], $0x4000  }
0x42: {  	[sflag:s18] =	ssyncset.done $0x0  }
0x43: {  	[sflag:s18] =	ssyncadd.s32 $0xFFFFC000  }
0x44: {  	[spmem:s2] =	stream.indirect.scatter.add.f32 [tilespmem:s16], [sflag:$0x2], $0x80, s14, s15, $0xb8;
	[tilespmem:$0x1CC00] =	vst v63  }
0x45: {  	_ =	swait.ge [sflag:s13], $0x4000  }
0x46: {  	[sflag:s13] =	ssyncset.done $0x0  }
0x47: {  	[sflag:s13] =	ssyncadd.s32 $0xFFFFC000  }
0x48: {  	[tilespmem:s16], [sflag:$0x1] =	stream.indirect.gather [hbm4b:s4+s15], $0x80, s19, s15, $0xb8;
	[tilespmem:$0x1CC00] =	vst v63  }
0x49: {  	_ =	swait.ge [sflag:s18], $0x4000  }
0x4a: {  	[sflag:s18] =	ssyncset.done $0x0  }
0x4b: {  	[sflag:s18] =	ssyncadd.s32 $0xFFFFC000  }
0x4c: {  	[spmem:s2] =	stream.indirect.scatter.add.f32 [tilespmem:s17], [sflag:$0x2], $0x80, s20, s15, $0xb8;
	[tilespmem:$0x1CC00] =	vst v63  }
0x4d: {  	_ =	swait.ge [sflag:s13], $0x4000  }
0x4e: {  	[sflag:s13] =	ssyncset.done $0x0  }
0x4f: {  	[sflag:s13] =	ssyncadd.s32 $0xFFFFC000  }
0x50: {  	[tilespmem:s17], [sflag:$0x1] =	stream.indirect.gather [hbm4b:s4+s15], $0x80, s21, s15, $0xb8;
	[tilespmem:$0x1CC00] =	vst v63  }
0x51: {  	_ =	swait.ge [sflag:s18], $0x4000  }
0x52: {  	[sflag:s18] =	ssyncset.done $0x0  }
0x53: {  	[sflag:s18] =	ssyncadd.s32 $0xFFFFC000  }
0x54: {  	[spmem:s2] =	stream.indirect.scatter.add.f32 [tilespmem:s16], [sflag:$0x2], $0x80, s22, s15, $0xb8;
	[tilespmem:$0x1CC00] =	vst v63  }
0x55: {  	_ =	swait.ge [sflag:s13], $0x4000  }
0x56: {  	[sflag:s13] =	ssyncset.done $0x0  }
0x57: {  	[sflag:s13] =	ssyncadd.s32 $0xFFFFC000  }
0x58: {  	[tilespmem:s16], [sflag:$0x1] =	stream.indirect.gather [hbm4b:s4+s15], $0x80, s23, s15, $0xb8;
	[tilespmem:$0x1CC00] =	vst v63  }
0x59: {  	_ =	swait.ge [sflag:s18], $0x4000  }
0x5a: {  	[sflag:s18] =	ssyncset.done $0x0  }
0x5b: {  	[sflag:s18] =	ssyncadd.s32 $0xFFFFC000  }
0x5c: {  	[spmem:s2] =	stream.indirect.scatter.add.f32 [tilespmem:s17], [sflag:$0x2], $0x80, s25, s15, $0xb8;
	[tilespmem:$0x1CC00] =	vst v63  }
0x5d: {  	_ =	swait.ge [sflag:s13], $0x4000  }
0x5e: {  	[sflag:s13] =	ssyncset.done $0x0  }
0x5f: {  	[sflag:s13] =	ssyncadd.s32 $0xFFFFC000  }
0x60: {  	[tilespmem:s17], [sflag:$0x1] =	stream.indirect.gather [hbm4b:s4+s15], $0x80, s26, s15, $0xb8;
	[tilespmem:$0x1CC00] =	vst v63  }
0x61: {  	_ =	swait.ge [sflag:s18], $0x4000  }
0x62: {  	[sflag:s18] =	ssyncset.done $0x0  }
0x63: {  	[sflag:s18] =	ssyncadd.s32 $0xFFFFC000  }
0x64: {  	[spmem:s2] =	stream.indirect.scatter.add.f32 [tilespmem:s16], [sflag:$0x2], $0x80, s28, s15, $0xb8;
	[tilespmem:$0x1CC00] =	vst v63  }
0x65: {  	_ =	swait.ge [sflag:s13], $0x4000  }
0x66: {  	[sflag:s13] =	ssyncset.done $0x0  }
0x67: {  	[sflag:s13] =	ssyncadd.s32 $0xFFFFC000  }
0x68: {  	[tilespmem:s16], [sflag:$0x1] =	stream.indirect.gather [hbm4b:s4+s15], $0x80, s29, s15, $0xb8;
	[tilespmem:$0x1CC00] =	vst v63  }
0x69: {  	_ =	swait.ge [sflag:s18], $0x4000  }
0x6a: {  	[sflag:s18] =	ssyncset.done $0x0  }
0x6b: {  	[sflag:s18] =	ssyncadd.s32 $0xFFFFC000  }
0x6c: {  	[spmem:s2] =	stream.indirect.scatter.add.f32 [tilespmem:s17], [sflag:$0x2], $0x80, s30, s15, $0xb8;
	[tilespmem:$0x1CC00] =	vst v63  }
0x6d: {  	_ =	swait.ge [sflag:s13], $0x4000  }
0x6e: {  	[sflag:s13] =	ssyncset.done $0x0  }
0x6f: {  	[sflag:s13] =	ssyncadd.s32 $0xFFFFC000  }
0x70: {  	[tilespmem:s17], [sflag:$0x1] =	stream.indirect.gather [hbm4b:s4+s15], $0x80, s31, s15, $0xb8;
	[tilespmem:$0x1CC00] =	vst v63  }
0x71: {  	_ =	swait.ge [sflag:s18], $0x4000  }
0x72: {  	[sflag:s18] =	ssyncset.done $0x0  }
0x73: {  	[sflag:s18] =	ssyncadd.s32 $0xFFFFC000  }
0x74: {  	[spmem:s2] =	stream.indirect.scatter.add.f32 [tilespmem:s16], [sflag:$0x2], $0x80, s0, s15, $0xb8;
	[tilespmem:$0x1CC00] =	vst v63  }
0x75: {  	_ =	swait.ge [sflag:s13], $0x4000  }
0x76: {  	[sflag:s13] =	ssyncset.done $0x0  }
0x77: {  	s8 =	simm.s32 $0x400;
	[sflag:s13] =	ssyncadd.s32 $0xFFFFC000  }
0x78: {  	[tilespmem:s16], [sflag:$0x1] =	stream.indirect.gather [hbm4b:s4+s15], $0x80, s8, s15, $0xb8;
	[tilespmem:$0x1CC00] =	vst v63  }
0x79: {  	_ =	swait.ge [sflag:s18], $0x4000  }
0x7a: {  	[sflag:s18] =	ssyncset.done $0x0  }
0x7b: {  	[sflag:s18] =	ssyncadd.s32 $0xFFFFC000  }
0x7c: {  	[spmem:s2] =	stream.indirect.scatter.add.f32 [tilespmem:s17], [sflag:$0x2], $0x80, s7, s15, $0xb8;
	[tilespmem:$0x1CC00] =	vst v63  }
0x7d: {  	_ =	swait.ge [sflag:s13], $0x4000  }
0x7e: {  	[sflag:s13] =	ssyncset.done $0x0  }
0x7f: {  	s8 =	simm.s32 $0x480;
	[sflag:s13] =	ssyncadd.s32 $0xFFFFC000  }
0x80: {  	[tilespmem:s17], [sflag:$0x1] =	stream.indirect.gather [hbm4b:s4+s15], $0x80, s8, s15, $0xb8;
	[tilespmem:$0x1CC00] =	vst v63  }
0x81: {  	_ =	swait.ge [sflag:s18], $0x4000  }
0x82: {  	[sflag:s18] =	ssyncset.done $0x0  }
0x83: {  	s8 =	simm.s32 $0xC00;
	[sflag:s18] =	ssyncadd.s32 $0xFFFFC000  }
0x84: {  	[spmem:s2] =	stream.indirect.scatter.add.f32 [tilespmem:s16], [sflag:$0x2], $0x80, s8, s15, $0xb8;
	[tilespmem:$0x1CC00] =	vst v63  }
0x85: {  	_ =	swait.ge [sflag:s13], $0x4000  }
0x86: {  	[sflag:s13] =	ssyncset.done $0x0  }
0x87: {  	s8 =	simm.s32 $0x500;
	[sflag:s13] =	ssyncadd.s32 $0xFFFFC000  }
0x88: {  	[tilespmem:s16], [sflag:$0x1] =	stream.indirect.gather [hbm4b:s4+s15], $0x80, s8, s15, $0xb8;
	[tilespmem:$0x1CC00] =	vst v63  }
0x89: {  	_ =	swait.ge [sflag:s18], $0x4000  }
0x8a: {  	[sflag:s18] =	ssyncset.done $0x0  }
0x8b: {  	s8 =	simm.s32 $0xC80;
	[sflag:s18] =	ssyncadd.s32 $0xFFFFC000  }
0x8c: {  	[spmem:s2] =	stream.indirect.scatter.add.f32 [tilespmem:s17], [sflag:$0x2], $0x80, s8, s15, $0xb8;
	[tilespmem:$0x1CC00] =	vst v63  }
0x8d: {  	_ =	swait.ge [sflag:s13], $0x4000  }
0x8e: {  	[sflag:s13] =	ssyncset.done $0x0  }
0x8f: {  	s8 =	simm.s32 $0x580;
	[sflag:s13] =	ssyncadd.s32 $0xFFFFC000  }
0x90: {  	[tilespmem:s17], [sflag:$0x1] =	stream.indirect.gather [hbm4b:s4+s15], $0x80, s8, s15, $0xb8;
	[tilespmem:$0x1CC00] =	vst v63  }
0x91: {  	_ =	swait.ge [sflag:s18], $0x4000  }
0x92: {  	[sflag:s18] =	ssyncset.done $0x0  }
0x93: {  	s8 =	simm.s32 $0xD00;
	[sflag:s18] =	ssyncadd.s32 $0xFFFFC000  }
0x94: {  	[spmem:s2] =	stream.indirect.scatter.add.f32 [tilespmem:s16], [sflag:$0x2], $0x80, s8, s15, $0xb8;
	[tilespmem:$0x1CC00] =	vst v63  }
0x95: {  	_ =	swait.ge [sflag:s13], $0x4000  }
0x96: {  	[sflag:s13] =	ssyncset.done $0x0  }
0x97: {  	s8 =	simm.s32 $0x600;
	[sflag:s13] =	ssyncadd.s32 $0xFFFFC000  }
0x98: {  	[tilespmem:s16], [sflag:$0x1] =	stream.indirect.gather [hbm4b:s4+s15], $0x80, s8, s15, $0xb8;
	[tilespmem:$0x1CC00] =	vst v63  }
0x99: {  	_ =	swait.ge [sflag:s18], $0x4000  }
0x9a: {  	[sflag:s18] =	ssyncset.done $0x0  }
0x9b: {  	s8 =	simm.s32 $0xD80;
	[sflag:s18] =	ssyncadd.s32 $0xFFFFC000  }
0x9c: {  	[spmem:s2] =	stream.indirect.scatter.add.f32 [tilespmem:s17], [sflag:$0x2], $0x80, s8, s15, $0xb8;
	[tilespmem:$0x1CC00] =	vst v63  }
0x9d: {  	_ =	swait.ge [sflag:s13], $0x4000  }
0x9e: {  	[sflag:s13] =	ssyncset.done $0x0  }
0x9f: {  	s8 =	simm.s32 $0x680;
	[sflag:s13] =	ssyncadd.s32 $0xFFFFC000  }
0xa0: {  	[tilespmem:s17], [sflag:$0x1] =	stream.indirect.gather [hbm4b:s4+s15], $0x80, s8, s15, $0xb8;
	[tilespmem:$0x1CC00] =	vst v63  }
0xa1: {  	_ =	swait.ge [sflag:s18], $0x4000  }
0xa2: {  	[sflag:s18] =	ssyncset.done $0x0  }
0xa3: {  	s8 =	simm.s32 $0xE00;
	[sflag:s18] =	ssyncadd.s32 $0xFFFFC000  }
0xa4: {  	[spmem:s2] =	stream.indirect.scatter.add.f32 [tilespmem:s16], [sflag:$0x2], $0x80, s8, s15, $0xb8;
	[tilespmem:$0x1CC00] =	vst v63  }
0xa5: {  	_ =	swait.ge [sflag:s13], $0x4000  }
0xa6: {  	[sflag:s13] =	ssyncset.done $0x0  }
0xa7: {  	s8 =	simm.s32 $0x700;
	[sflag:s13] =	ssyncadd.s32 $0xFFFFC000  }
0xa8: {  	[tilespmem:s16], [sflag:$0x1] =	stream.indirect.gather [hbm4b:s4+s15], $0x80, s8, s15, $0xb8;
	[tilespmem:$0x1CC00] =	vst v63  }
0xa9: {  	_ =	swait.ge [sflag:s18], $0x4000  }
0xaa: {  	[sflag:s18] =	ssyncset.done $0x0  }
0xab: {  	s8 =	simm.s32 $0xE80;
	[sflag:s18] =	ssyncadd.s32 $0xFFFFC000  }
0xac: {  	[spmem:s2] =	stream.indirect.scatter.add.f32 [tilespmem:s17], [sflag:$0x2], $0x80, s8, s15, $0xb8;
	[tilespmem:$0x1CC00] =	vst v63  }
0xad: {  	_ =	swait.ge [sflag:s13], $0x4000  }
0xae: {  	[sflag:s13] =	ssyncset.done $0x0  }
0xaf: {  	[sflag:s13] =	ssyncadd.s32 $0xFFFFC000  }
0xb0: {  	[tilespmem:s17], [sflag:$0x1] =	stream.indirect.gather [hbm4b:s4+s15], $0x80, s12, s15, $0xb8;
	[tilespmem:$0x1CC00] =	vst v63  }
0xb1: {  	_ =	swait.ge [sflag:s18], $0x4000  }
0xb2: {  	[sflag:s18] =	ssyncset.done $0x0  }
0xb3: {  	[sflag:s18] =	ssyncadd.s32 $0xFFFFC000  }
0xb4: {  	[spmem:s2] =	stream.indirect.scatter.add.f32 [tilespmem:s16], [sflag:$0x2], $0x80, s1, s15, $0xb8;
	[tilespmem:$0x1CC00] =	vst v63  }
0xb5: {  	_ =	swait.ge [sflag:s13], $0x4000  }
0xb6: {  	[sflag:s13] =	ssyncset.done $0x0  }
0xb7: {  	[sflag:s13] =	ssyncadd.s32 $0xFFFFC000  }
0xb8: {  	_ =	swait.ge [sflag:s18], $0x4000  }
0xb9: {  	[sflag:s18] =	ssyncset.done $0x0  }
0xba: {  	[sflag:s18] =	ssyncadd.s32 $0xFFFFC000  }
0xbb: {  	[spmem:s2] =	stream.indirect.scatter.add.f32 [tilespmem:s17], [sflag:$0x2], $0x80, s9, s15, $0xb8;
	[tilespmem:$0x1CC00] =	vst v63  }
0xbc: {  	_ =	swait.ge [sflag:s13], $0x4000  }
0xbd: {  	[sflag:s13] =	ssyncset.done $0x0  }
0xbe: {  	[sflag:s13] =	ssyncadd.s32 $0xFFFFC000  }
.LBB2_4:
0xbf: {  	p2 =	sgt.u32 s24, $0x1  }
0xc0: {  	p2 =	por p2, p1  }
.Ltmp5:
0xc1: {  	_ = 	snop;
	(pc) =	sbr.rel @p2 .LBB2_6-.Ltmp5, $1  }
0xc2: {  	_ =	sdelay $0x3  }
0xc3: {  	s8 =	sadd.s32 s11, s5  }
0xc4: {  	[tilespmem:s3], [sflag:$0x2] =	stream.linear.gather [hbm4b:s8+s3], $0x400, $0x38;
	[tilespmem:$0x1CC00] =	vst v63  }
0xc5: {  	_ =	swait.ge [sflag:s13], $0x400  }
0xc6: {  	[sflag:s13] =	ssyncset.done $0x0  }
0xc7: {  	s8 =	sadd.s32 s11, s6;
	[sflag:s13] =	ssyncadd.s32 $0xFFFFFC00  }
0xc8: {  	[tilespmem:s14], [sflag:$0x2] =	stream.linear.gather [hbm4b:s8+s3], $0x400, $0x38;
	[tilespmem:$0x1CC00] =	vst v63  }
0xc9: {  	_ =	swait.ge [sflag:s13], $0x400  }
0xca: {  	[sflag:s13] =	ssyncset.done $0x0  }
0xcb: {  	[sflag:s13] =	ssyncadd.s32 $0xFFFFFC00  }
0xcc: {  	[tilespmem:s16], [sflag:$0x1] =	stream.indirect.gather [hbm4b:s4+s15], $0x80, s3, s15, $0xb8;
	[tilespmem:$0x1CC00] =	vst v63  }
0xcd: {  	_ = 	snop  }
0xce: {  	[tilespmem:s17], [sflag:$0x1] =	stream.indirect.gather [hbm4b:s4+s15], $0x80, s15, s15, $0xb8;
	[tilespmem:$0x1CC00] =	vst v63  }
0xcf: {  	_ =	swait.ge [sflag:s18], $0x4000  }
0xd0: {  	[sflag:s18] =	ssyncset.done $0x0  }
0xd1: {  	[sflag:s18] =	ssyncadd.s32 $0xFFFFC000  }
0xd2: {  	[spmem:s2] =	stream.indirect.scatter.add.f32 [tilespmem:s16], [sflag:$0x2], $0x80, s14, s15, $0xb8;
	[tilespmem:$0x1CC00] =	vst v63  }
0xd3: {  	_ =	swait.ge [sflag:s13], $0x4000  }
0xd4: {  	[sflag:s13] =	ssyncset.done $0x0  }
0xd5: {  	[sflag:s13] =	ssyncadd.s32 $0xFFFFC000  }
0xd6: {  	[tilespmem:s16], [sflag:$0x1] =	stream.indirect.gather [hbm4b:s4+s15], $0x80, s19, s15, $0xb8;
	[tilespmem:$0x1CC00] =	vst v63  }
0xd7: {  	_ =	swait.ge [sflag:s18], $0x4000  }
0xd8: {  	[sflag:s18] =	ssyncset.done $0x0  }
0xd9: {  	[sflag:s18] =	ssyncadd.s32 $0xFFFFC000  }
0xda: {  	[spmem:s2] =	stream.indirect.scatter.add.f32 [tilespmem:s17], [sflag:$0x2], $0x80, s20, s15, $0xb8;
	[tilespmem:$0x1CC00] =	vst v63  }
0xdb: {  	_ =	swait.ge [sflag:s13], $0x4000  }
0xdc: {  	[sflag:s13] =	ssyncset.done $0x0  }
0xdd: {  	[sflag:s13] =	ssyncadd.s32 $0xFFFFC000  }
0xde: {  	[tilespmem:s17], [sflag:$0x1] =	stream.indirect.gather [hbm4b:s4+s15], $0x80, s21, s15, $0xb8;
	[tilespmem:$0x1CC00] =	vst v63  }
0xdf: {  	_ =	swait.ge [sflag:s18], $0x4000  }
0xe0: {  	[sflag:s18] =	ssyncset.done $0x0  }
0xe1: {  	[sflag:s18] =	ssyncadd.s32 $0xFFFFC000  }
0xe2: {  	[spmem:s2] =	stream.indirect.scatter.add.f32 [tilespmem:s16], [sflag:$0x2], $0x80, s22, s15, $0xb8;
	[tilespmem:$0x1CC00] =	vst v63  }
0xe3: {  	_ =	swait.ge [sflag:s13], $0x4000  }
0xe4: {  	[sflag:s13] =	ssyncset.done $0x0  }
0xe5: {  	[sflag:s13] =	ssyncadd.s32 $0xFFFFC000  }
0xe6: {  	[tilespmem:s16], [sflag:$0x1] =	stream.indirect.gather [hbm4b:s4+s15], $0x80, s23, s15, $0xb8;
	[tilespmem:$0x1CC00] =	vst v63  }
0xe7: {  	_ =	swait.ge [sflag:s18], $0x4000  }
0xe8: {  	[sflag:s18] =	ssyncset.done $0x0  }
0xe9: {  	[sflag:s18] =	ssyncadd.s32 $0xFFFFC000  }
0xea: {  	[spmem:s2] =	stream.indirect.scatter.add.f32 [tilespmem:s17], [sflag:$0x2], $0x80, s25, s15, $0xb8;
	[tilespmem:$0x1CC00] =	vst v63  }
0xeb: {  	_ =	swait.ge [sflag:s13], $0x4000  }
0xec: {  	[sflag:s13] =	ssyncset.done $0x0  }
0xed: {  	[sflag:s13] =	ssyncadd.s32 $0xFFFFC000  }
0xee: {  	[tilespmem:s17], [sflag:$0x1] =	stream.indirect.gather [hbm4b:s4+s15], $0x80, s26, s15, $0xb8;
	[tilespmem:$0x1CC00] =	vst v63  }
0xef: {  	_ =	swait.ge [sflag:s18], $0x4000  }
0xf0: {  	[sflag:s18] =	ssyncset.done $0x0  }
0xf1: {  	[sflag:s18] =	ssyncadd.s32 $0xFFFFC000  }
0xf2: {  	[spmem:s2] =	stream.indirect.scatter.add.f32 [tilespmem:s16], [sflag:$0x2], $0x80, s28, s15, $0xb8;
	[tilespmem:$0x1CC00] =	vst v63  }
0xf3: {  	_ =	swait.ge [sflag:s13], $0x4000  }
0xf4: {  	[sflag:s13] =	ssyncset.done $0x0  }
0xf5: {  	[sflag:s13] =	ssyncadd.s32 $0xFFFFC000  }
0xf6: {  	[tilespmem:s16], [sflag:$0x1] =	stream.indirect.gather [hbm4b:s4+s15], $0x80, s29, s15, $0xb8;
	[tilespmem:$0x1CC00] =	vst v63  }
0xf7: {  	_ =	swait.ge [sflag:s18], $0x4000  }
0xf8: {  	[sflag:s18] =	ssyncset.done $0x0  }
0xf9: {  	[sflag:s18] =	ssyncadd.s32 $0xFFFFC000  }
0xfa: {  	[spmem:s2] =	stream.indirect.scatter.add.f32 [tilespmem:s17], [sflag:$0x2], $0x80, s30, s15, $0xb8;
	[tilespmem:$0x1CC00] =	vst v63  }
0xfb: {  	_ =	swait.ge [sflag:s13], $0x4000  }
0xfc: {  	[sflag:s13] =	ssyncset.done $0x0  }
0xfd: {  	[sflag:s13] =	ssyncadd.s32 $0xFFFFC000  }
0xfe: {  	[tilespmem:s17], [sflag:$0x1] =	stream.indirect.gather [hbm4b:s4+s15], $0x80, s31, s15, $0xb8;
	[tilespmem:$0x1CC00] =	vst v63  }
0xff: {  	_ =	swait.ge [sflag:s18], $0x4000  }
0x100: {  	[sflag:s18] =	ssyncset.done $0x0  }
0x101: {  	[sflag:s18] =	ssyncadd.s32 $0xFFFFC000  }
0x102: {  	[spmem:s2] =	stream.indirect.scatter.add.f32 [tilespmem:s16], [sflag:$0x2], $0x80, s0, s15, $0xb8;
	[tilespmem:$0x1CC00] =	vst v63  }
0x103: {  	_ =	swait.ge [sflag:s13], $0x4000  }
0x104: {  	[sflag:s13] =	ssyncset.done $0x0  }
0x105: {  	[sflag:s13] =	ssyncadd.s32 $0xFFFFC000  }
0x106: {  	_ =	swait.ge [sflag:s18], $0x4000  }
0x107: {  	[sflag:s18] =	ssyncset.done $0x0  }
.Ltmp6:
0x108: {  	[sflag:s18] =	ssyncadd.s32 $0xFFFFC000;
	(pc) =	sbr.rel .LBB2_6-.Ltmp6, $4  }
0x109: {  	[spmem:s2] =	stream.indirect.scatter.add.f32 [tilespmem:s17], [sflag:$0x2], $0x80, s7, s15, $0xb8;
	[tilespmem:$0x1CC00] =	vst v63  }
0x10a: {  	_ =	swait.ge [sflag:s13], $0x4000  }
0x10b: {  	[sflag:s13] =	ssyncset.done $0x0  }
0x10c: {  	[sflag:s13] =	ssyncadd.s32 $0xFFFFC000  }
.LBB2_8:
0x10d: {  	_ =	sfence.sel $0x180000  }
0x10e: {  	[bflag:$0x0] =	sbarrier.arrive $0xFFFF  }
0x10f: {  	_ =	strace $0x90000050  }
0x110: {  	s0 =	stileid.u32;
	[bflag:$0x2] =	sbarrier.arrive $0xFFFF  }
0x111: {  	p0 =	sne.s32 s0, $0x0;
	s0 =	rddreg [dreg:$0x2]  }
0x112: {  	s0 =	sadd.s32 @!p0 $0x100000, s0  }
0x113: {  	[sflag:s0] =	ssyncadd.tile.s32 @!p0 $0x1;
	_ =	shalt  }
.Lfunc_end2:
_tile_overlayer_lowered:
.L_overlay_start_2:
0x114: {  	(tag) =	ssettag $0x2  }
0x115: {  	s0 =	rddreg [dreg:$0x0];
	s2 =	stileid.u32  }
0x116: {  	s1 =	rddreg [dreg:$0x1];
	p0 =	sne.s32 s2, $0x0  }
0x117: {  	s3 =	rddreg [dreg:$0x2];
	[bflag:$0x3] =	sbarrier.arrive $0xFFFF;
	s2 =	simm.s32 @!p0 $0x1C02  }
0x118: {  	[timem:s3], [sflag:s2] =	dma.local @!p0 [hbm:s0], s1  }
0x119: {  	s0 =	simm.s32 @!p0 $0x2  }
0x11a: {  	_ =	swait.ge @!p0 [sflag:s0], s1  }
0x11b: {  	s1 =	ssub.s32 @!p0 $0x0, s1;
	[sflag:s0] =	ssyncset.done @!p0 $0x0  }
0x11c: {  	[sflag:s0] =	ssyncadd.s32 @!p0 s1  }
0x11d: {  	[bflag:$0x3] =	sbarrier.arrive $0xFFFF  }
0x11e: {  	_ =	shalt  }

</sc_bundles>
